<compile_context>
chip_gen: v7x
topology: tpu7x:2x2x1
jax: 0.10.2.dev20260603
libtpu: 0.0.44.dev20260713+nightly
codegen_flags: <defaults>
</compile_context>

<pallas_src>
import functools

import jax
import jax.numpy as jnp
from jax import lax
from jax.experimental import pallas as pl
from jax.experimental.pallas import tpu as pltpu
from jax.experimental.pallas import tpu_sc as plsc

N = 10000
E = 320000
D = 128
H = 128
NW = 32
CH = 80
NCH0 = 124
NCH1 = 126
G0 = NCH0 // 2
G1 = NCH1 // 2
DW = 16
SLAB = 626
ROWS = SLAB * 16
BLK = 1000
GRID = N // BLK

_SC_MESH = dict(core_axis_name="c", subcore_axis_name="s")
_SC_PARAMS = pltpu.CompilerParams(use_tc_tiling_on_sc=False)


def _sc_segment_sum(h, srcs, dsts, zeros):

    @functools.partial(
        pl.kernel,
        mesh=plsc.VectorSubcoreMesh(**_SC_MESH),
        compiler_params=_SC_PARAMS,
        out_type=jax.ShapeDtypeStruct((2, ROWS, H), jnp.float32),
        scratch_types=[
            pltpu.VMEM((NCH1, CH), jnp.int32),
            pltpu.VMEM((NCH1, CH), jnp.int32),
            pltpu.VMEM((CH, H), jnp.float32),
            pltpu.VMEM((CH, H), jnp.float32),
            pltpu.VMEM_SHARED((ROWS, H), jnp.float32),
            pltpu.SemaphoreType.DMA,
            pltpu.SemaphoreType.DMA,
        ],
    )
    def k(h_ref, src_ref, dst_ref, z_ref, out_ref,
          src_v, dst_v, r0, r1, acc, ss0, ss1):
        rows = (r0, r1)
        ssem = (ss0, ss1)
        cid = lax.axis_index("c")
        sid = lax.axis_index("s")
        wid = cid * 16 + sid
        pltpu.sync_copy(src_ref.at[wid], src_v)
        pltpu.sync_copy(dst_ref.at[wid], dst_v)
        pltpu.sync_copy(z_ref.at[pl.ds(sid * SLAB, SLAB)],
                        acc.at[pl.ds(sid * SLAB, SLAB)])
        plsc.subcore_barrier()

        def s_start(j, b):
            pltpu.async_copy(rows[b], acc.at[dst_v.at[j]], ssem[b],
                             add=True)

        def s_wait(j, b):
            pltpu.make_async_copy(rows[b], acc.at[dst_v.at[j]],
                                  ssem[b]).wait()

        def chunk(j, b, head=False):
            if not head:
                s_wait(j - 2, b)
            pltpu.sync_copy(h_ref.at[src_v.at[j]], rows[b])
            s_start(j, b)

        chunk(0, 0, head=True)
        chunk(1, 1, head=True)

        def body(g, carry):
            @pl.when((cid == 1) | (g < G0))
            def _():
                chunk(2 * g, 0)
                chunk(2 * g + 1, 1)
            return carry

        lax.fori_loop(1, G1, body, 0)
        s_wait(0, 0)
        s_wait(1, 1)

        plsc.subcore_barrier()
        pltpu.sync_copy(acc.at[pl.ds(sid * SLAB, SLAB)],
                        out_ref.at[cid, pl.ds(sid * SLAB, SLAB)])

    return k(h, srcs, dsts, zeros)


def _sc_degree(dsts, ones, zeros):

    @functools.partial(
        pl.kernel,
        mesh=plsc.VectorSubcoreMesh(**_SC_MESH),
        compiler_params=_SC_PARAMS,
        out_type=jax.ShapeDtypeStruct((2, ROWS, DW), jnp.float32),
        scratch_types=[
            pltpu.VMEM((NCH1, CH), jnp.int32),
            pltpu.VMEM((CH, DW), jnp.float32),
            pltpu.VMEM_SHARED((ROWS, DW), jnp.float32),
            pltpu.SemaphoreType.DMA,
            pltpu.SemaphoreType.DMA,
        ],
    )
    def k(dst_ref, ones_ref, z_ref, out_ref, dst_v, ones_v, acc, ss0, ss1):
        ssem = (ss0, ss1)
        cid = lax.axis_index("c")
        sid = lax.axis_index("s")
        wid = cid * 16 + sid
        pltpu.sync_copy(dst_ref.at[wid], dst_v)
        pltpu.sync_copy(ones_ref, ones_v)
        pltpu.sync_copy(z_ref.at[pl.ds(sid * SLAB, SLAB)],
                        acc.at[pl.ds(sid * SLAB, SLAB)])
        plsc.subcore_barrier()

        def s_start(j, b):
            pltpu.async_copy(ones_v, acc.at[dst_v.at[j]], ssem[b],
                             add=True)

        def s_wait(j, b):
            pltpu.make_async_copy(ones_v, acc.at[dst_v.at[j]],
                                  ssem[b]).wait()

        s_start(0, 0)
        s_start(1, 1)

        def body(g, carry):
            @pl.when((cid == 1) | (g < G0))
            def _():
                for q in (0, 1):
                    j = 2 * g + q
                    s_wait(j - 2, q)
                    s_start(j, q)
            return carry

        lax.fori_loop(1, G1, body, 0)
        s_wait(0, 0)
        s_wait(1, 1)

        plsc.subcore_barrier()
        pltpu.sync_copy(acc.at[pl.ds(sid * SLAB, SLAB)],
                        out_ref.at[cid, pl.ds(sid * SLAB, SLAB)])

    return k(dsts, ones, zeros)


def _ln_relu(y, g, b):
    mu = jnp.mean(y, axis=-1, keepdims=True)
    var = jnp.mean((y - mu) ** 2, axis=-1, keepdims=True)
    return jnp.maximum(g * (y - mu) * lax.rsqrt(var + 1e-5) + b, 0.0)


def _tc_layer0(p, pd, x, wlT, bl, wrT, g, b):

    def body(p_ref, pd_ref, x_ref, wl_ref, bl_ref, wr_ref, g_ref, b_ref,
             h_ref, inv_ref):
        agg = p_ref[0] + p_ref[1]
        deg = pd_ref[0, :, 0:1] + pd_ref[1, :, 0:1]
        inv = 1.0 / jnp.maximum(deg, 1.0)
        y = jnp.dot(agg * inv, wl_ref[...],
                    preferred_element_type=jnp.float32)
        y = y + bl_ref[...] + jnp.dot(x_ref[...], wr_ref[...],
                                      preferred_element_type=jnp.float32)
        h_ref[...] = _ln_relu(y, g_ref[...], b_ref[...])
        inv_ref[...] = jnp.broadcast_to(inv, (BLK, 8))

    return pl.pallas_call(
        body,
        grid=(GRID,),
        in_specs=[
            pl.BlockSpec((2, BLK, H), lambda i: (0, i, 0)),
            pl.BlockSpec((2, BLK, DW), lambda i: (0, i, 0)),
            pl.BlockSpec((BLK, D), lambda i: (i, 0)),
            pl.BlockSpec((D, H), lambda i: (0, 0)),
            pl.BlockSpec((1, H), lambda i: (0, 0)),
            pl.BlockSpec((D, H), lambda i: (0, 0)),
            pl.BlockSpec((1, H), lambda i: (0, 0)),
            pl.BlockSpec((1, H), lambda i: (0, 0)),
        ],
        out_specs=[pl.BlockSpec((BLK, H), lambda i: (i, 0)),
                   pl.BlockSpec((BLK, 8), lambda i: (i, 0))],
        out_shape=[jax.ShapeDtypeStruct((N, H), jnp.float32),
                   jax.ShapeDtypeStruct((N, 8), jnp.float32)],
    )(p, pd, x, wlT, bl, wrT, g, b)


def _tc_mid(p, h, invd, wlT, bl, wrT, g, b):

    def body(p_ref, h_ref, inv_ref, wl_ref, bl_ref, wr_ref, g_ref, b_ref,
             o_ref):
        agg = (p_ref[0] + p_ref[1]) * inv_ref[:, 0:1]
        y = jnp.dot(agg, wl_ref[...], preferred_element_type=jnp.float32)
        y = y + bl_ref[...] + jnp.dot(h_ref[...], wr_ref[...],
                                      preferred_element_type=jnp.float32)
        o_ref[...] = _ln_relu(y, g_ref[...], b_ref[...])

    return pl.pallas_call(
        body,
        grid=(GRID,),
        in_specs=[
            pl.BlockSpec((2, BLK, H), lambda i: (0, i, 0)),
            pl.BlockSpec((BLK, H), lambda i: (i, 0)),
            pl.BlockSpec((BLK, 8), lambda i: (i, 0)),
            pl.BlockSpec((H, H), lambda i: (0, 0)),
            pl.BlockSpec((1, H), lambda i: (0, 0)),
            pl.BlockSpec((H, H), lambda i: (0, 0)),
            pl.BlockSpec((1, H), lambda i: (0, 0)),
            pl.BlockSpec((1, H), lambda i: (0, 0)),
        ],
        out_specs=pl.BlockSpec((BLK, H), lambda i: (i, 0)),
        out_shape=jax.ShapeDtypeStruct((N, H), jnp.float32),
    )(p, h, invd, wlT, bl, wrT, g, b)


def _tc_final(p, h, invd, wlT, bl, wrT, g, b, w1T, b1, w2T, b2, w3T, b3):

    def body(p_ref, h_ref, inv_ref, wl_ref, bl_ref, wr_ref, g_ref, b_ref,
             w1_ref, b1_ref, w2_ref, b2_ref, w3_ref, b3_ref, o_ref):
        agg = (p_ref[0] + p_ref[1]) * inv_ref[:, 0:1]
        y = jnp.dot(agg, wl_ref[...], preferred_element_type=jnp.float32)
        y = y + bl_ref[...] + jnp.dot(h_ref[...], wr_ref[...],
                                      preferred_element_type=jnp.float32)
        t = _ln_relu(y, g_ref[...], b_ref[...])
        t = jnp.maximum(jnp.dot(t, w1_ref[...],
                                preferred_element_type=jnp.float32)
                        + b1_ref[...], 0.0)
        t = jnp.maximum(jnp.dot(t, w2_ref[...],
                                preferred_element_type=jnp.float32)
                        + b2_ref[...], 0.0)
        o_ref[...] = jnp.dot(t, w3_ref[...],
                             preferred_element_type=jnp.float32) + b3_ref[...]

    return pl.pallas_call(
        body,
        grid=(GRID,),
        in_specs=[
            pl.BlockSpec((2, BLK, H), lambda i: (0, i, 0)),
            pl.BlockSpec((BLK, H), lambda i: (i, 0)),
            pl.BlockSpec((BLK, 8), lambda i: (i, 0)),
            pl.BlockSpec((H, H), lambda i: (0, 0)),
            pl.BlockSpec((1, H), lambda i: (0, 0)),
            pl.BlockSpec((H, H), lambda i: (0, 0)),
            pl.BlockSpec((1, H), lambda i: (0, 0)),
            pl.BlockSpec((1, H), lambda i: (0, 0)),
            pl.BlockSpec((H, H // 2), lambda i: (0, 0)),
            pl.BlockSpec((1, H // 2), lambda i: (0, 0)),
            pl.BlockSpec((H // 2, H // 4), lambda i: (0, 0)),
            pl.BlockSpec((1, H // 4), lambda i: (0, 0)),
            pl.BlockSpec((H // 4, 8), lambda i: (0, 0)),
            pl.BlockSpec((1, 8), lambda i: (0, 0)),
        ],
        out_specs=pl.BlockSpec((BLK, 8), lambda i: (i, 0)),
        out_shape=jax.ShapeDtypeStruct((N, 8), jnp.float32),
    )(p, h, invd, wlT, bl, wrT, g, b, w1T, b1, w2T, b2, w3T, b3)


def kernel(x, edge_index, conv0_Wl, conv0_bl, conv0_Wr, norm0_g, norm0_b,
           conv1_Wl, conv1_bl, conv1_Wr, norm1_g, norm1_b,
           conv2_Wl, conv2_bl, conv2_Wr, norm2_g, norm2_b,
           reg_W1, reg_b1, reg_W2, reg_b2, reg_W3, reg_b3):
    src = edge_index[0]
    dst = edge_index[1]

    pad = 16 * (NCH0 + NCH1) * CH - E

    def split(a):
        e0 = 16 * NCH0 * CH
        a0 = a[:e0].reshape(16, NCH0, CH)
        a0 = jnp.pad(a0, ((0, 0), (0, NCH1 - NCH0), (0, 0)))
        a1 = a[e0:].reshape(16, NCH1, CH)
        return jnp.concatenate([a0, a1], axis=0)

    srcs = split(jnp.concatenate([src, jnp.zeros((pad,), jnp.int32)]))
    dsts = split(jnp.concatenate([dst, jnp.full((pad,), N, jnp.int32)]))
    z = jnp.zeros((ROWS, H), jnp.float32)
    zd = jnp.zeros((ROWS, DW), jnp.float32)
    ones = jnp.ones((CH, DW), jnp.float32)

    pd = _sc_degree(dsts, ones, zd)
    p0 = _sc_segment_sum(x, srcs, dsts, z)
    h1, invd = _tc_layer0(p0, pd, x, conv0_Wl.T, conv0_bl.reshape(1, H),
                          conv0_Wr.T, norm0_g.reshape(1, H),
                          norm0_b.reshape(1, H))
    p1 = _sc_segment_sum(h1, srcs, dsts, z)
    h2 = _tc_mid(p1, h1, invd, conv1_Wl.T, conv1_bl.reshape(1, H),
                 conv1_Wr.T, norm1_g.reshape(1, H), norm1_b.reshape(1, H))
    p2 = _sc_segment_sum(h2, srcs, dsts, z)
    out = _tc_final(p2, h2, invd, conv2_Wl.T, conv2_bl.reshape(1, H),
                    conv2_Wr.T, norm2_g.reshape(1, H), norm2_b.reshape(1, H),
                    reg_W1.T, reg_b1.reshape(1, H // 2),
                    reg_W2.T, reg_b2.reshape(1, H // 4),
                    reg_W3.T, reg_b3.reshape(1, 8))
    return out

# --- scband reference (transcript-rebuilt; emitter-appended) ---
"""Pipeline reference for scband-gnnthickness-predictor-9070970929320 (READ-ONLY COPY).

The authoritative reference and input builder live on the scoring server;
editing this copy changes nothing except your own understanding.
"""

import jax, jax.numpy as jnp
import numpy as np

N = 10000
E = 320000
D = 128
H = 128
OUT_LAYERS = 8


def _layer_norm(h, g, b):
    mu = jnp.mean(h, axis=-1, keepdims=True)
    var = jnp.var(h, axis=-1, keepdims=True)
    return g * (h - mu) / jnp.sqrt(var + 1e-5) + b


def _sage(h, src, dst, Wl, bl, Wr):
    # PyG SAGEConv (aggr='mean'): lin_l(mean of neighbor messages) + lin_r(x)
    agg = jax.ops.segment_sum(h[src], dst, num_segments=N)
    deg = jax.ops.segment_sum(jnp.ones((E,), dtype=h.dtype), dst, num_segments=N)
    agg = agg / jnp.clip(deg, 1.0, None)[:, None]
    return agg @ Wl.T + bl + h @ Wr.T


def setup_inputs(seed: int = 0):
    key = jax.random.key(seed)
    ks = jax.random.split(key, 24)
    inp = {}
    inp['x'] = jax.random.normal(ks[0], (N, D), dtype=jnp.float32)
    inp['edge_index'] = jax.random.randint(ks[1], (2, E), 0, N, dtype=jnp.int32)
    for i in range(3):
        din = D if i == 0 else H
        inp['conv%d_Wl' % i] = jax.random.normal(ks[2 + 3 * i], (H, din), dtype=jnp.float32) * 0.05
        inp['conv%d_bl' % i] = jnp.zeros((H,), dtype=jnp.float32)
        inp['conv%d_Wr' % i] = jax.random.normal(ks[3 + 3 * i], (H, din), dtype=jnp.float32) * 0.05
        inp['norm%d_g' % i] = jnp.ones((H,), dtype=jnp.float32)
        inp['norm%d_b' % i] = jnp.zeros((H,), dtype=jnp.float32)
    inp['reg_W1'] = jax.random.normal(ks[12], (H // 2, H), dtype=jnp.float32) * 0.05
    inp['reg_b1'] = jnp.zeros((H // 2,), dtype=jnp.float32)
    inp['reg_W2'] = jax.random.normal(ks[13], (H // 4, H // 2), dtype=jnp.float32) * 0.05
    inp['reg_b2'] = jnp.zeros((H // 4,), dtype=jnp.float32)
    inp['reg_W3'] = jax.random.normal(ks[14], (OUT_LAYERS, H // 4), dtype=jnp.float32) * 0.05
    inp['reg_b3'] = jnp.zeros((OUT_LAYERS,), dtype=jnp.float32)
    return inp


def reference(x, edge_index, conv0_Wl, conv0_bl, conv0_Wr, norm0_g, norm0_b,
              conv1_Wl, conv1_bl, conv1_Wr, norm1_g, norm1_b,
              conv2_Wl, conv2_bl, conv2_Wr, norm2_g, norm2_b,
              reg_W1, reg_b1, reg_W2, reg_b2, reg_W3, reg_b3):
    src = edge_index[0]
    dst = edge_index[1]
    convs = [(conv0_Wl, conv0_bl, conv0_Wr, norm0_g, norm0_b),
             (conv1_Wl, conv1_bl, conv1_Wr, norm1_g, norm1_b),
             (conv2_Wl, conv2_bl, conv2_Wr, norm2_g, norm2_b)]
    h = x
    for Wl, bl, Wr, g, b in convs:
        h = _sage(h, src, dst, Wl, bl, Wr)
        h = _layer_norm(h, g, b)
        h = jax.nn.relu(h)
        # dropout is identity in eval mode
    h = jax.nn.relu(h @ reg_W1.T + reg_b1)
    h = jax.nn.relu(h @ reg_W2.T + reg_b2)
    return h @ reg_W3.T + reg_b3

if __name__ == "__main__":
    import jax
    _d = setup_inputs()
    print(jax.jit(kernel)(*tuple(_d.values())))

</pallas_src>

<mosaic_0001>
#map = affine_map<(d0, d1) -> (0, 0)>
#map1 = affine_map<(d0, d1) -> (0, 0, 0)>
module attributes {stable_mosaic.version = 14 : i64} {
  func.func @k(%arg0: i32, %arg1: i32, %arg2: memref<10000x128xf32, #tpu.memory_space<hbm>>, %arg3: memref<32x126x80xi32, #tpu.memory_space<hbm>>, %arg4: memref<32x126x80xi32, #tpu.memory_space<hbm>>, %arg5: memref<10016x128xf32, #tpu.memory_space<hbm>>, %arg6: memref<2x10016x128xf32, #tpu.memory_space<hbm>>, %arg7: memref<126x80xi32, #tpu.memory_space<vmem>>, %arg8: memref<126x80xi32, #tpu.memory_space<vmem>>, %arg9: memref<80x128xf32, #tpu.memory_space<vmem>>, %arg10: memref<80x128xf32, #tpu.memory_space<vmem>>, %arg11: memref<10016x128xf32, #tpu.memory_space<vmem_shared>>, %arg12: memref<!tpu.dma_semaphore, #tpu.memory_space<semaphore_mem>>, %arg13: memref<!tpu.dma_semaphore, #tpu.memory_space<semaphore_mem>>) attributes {dimension_semantics = [#tpu.dimension_semantics<core_parallel>, #tpu.dimension_semantics<subcore_parallel>], iteration_bounds = array<i64: 2, 16>, scalar_prefetch = 0 : i64, scratch_operands = 7 : i64, tpu.core_type = #tpu.core_type<sc_vector_subcore>, window_params = [{transform_indices = #map}, {transform_indices = #map1}, {transform_indices = #map1}, {transform_indices = #map}, {transform_indices = #map1}]} {
    %mul3A = arith.constant 16 : i32
    %mul3A_0 = arith.muli %arg0, %mul3A : i32
    %add3A = arith.addi %mul3A_0, %arg1 : i32
    "tpu.region"() ({
      %run_scoped3A_42 = tpu.sem_alloc : memref<!tpu.dma_semaphore, #tpu.memory_space<semaphore_mem>>
      %dma_start3A_43 = arith.constant 0 : i32
      %dma_start3A_44 = arith.constant 0 : i32
      %dma_start3A_45 = tpu.memref_slice %arg3[%add3A, %dma_start3A_43, %dma_start3A_44] : memref<32x126x80xi32, #tpu.memory_space<hbm>> -> memref<1x126x80xi32, #tpu.memory_space<hbm>>
      %dma_start3A_46 = tpu.memref_squeeze %dma_start3A_45 : memref<1x126x80xi32, #tpu.memory_space<hbm>> -> memref<126x80xi32, #tpu.memory_space<hbm>>
      %dma_start3A_47 = arith.constant 0 : i32
      %dma_start3A_48 = arith.constant 0 : i32
      %dma_start3A_49 = tpu.memref_slice %arg3[%add3A, %dma_start3A_47, %dma_start3A_48] : memref<32x126x80xi32, #tpu.memory_space<hbm>> -> memref<1x126x80xi32, #tpu.memory_space<hbm>>
      %dma_start3A_50 = tpu.memref_squeeze %dma_start3A_49 : memref<1x126x80xi32, #tpu.memory_space<hbm>> -> memref<126x80xi32, #tpu.memory_space<hbm>>
      tpu.enqueue_dma source(%dma_start3A_50 : memref<126x80xi32, #tpu.memory_space<hbm>>) target(%arg7 : memref<126x80xi32, #tpu.memory_space<vmem>>) target_semaphore(%run_scoped3A_42 : memref<!tpu.dma_semaphore, #tpu.memory_space<semaphore_mem>>)
      %dma_wait3A_51 = arith.constant 0 : i32
      %dma_wait3A_52 = arith.constant 0 : i32
      %dma_wait3A_53 = tpu.memref_slice %arg3[%add3A, %dma_wait3A_51, %dma_wait3A_52] : memref<32x126x80xi32, #tpu.memory_space<hbm>> -> memref<1x126x80xi32, #tpu.memory_space<hbm>>
      %dma_wait3A_54 = tpu.memref_squeeze %dma_wait3A_53 : memref<1x126x80xi32, #tpu.memory_space<hbm>> -> memref<126x80xi32, #tpu.memory_space<hbm>>
      %dma_wait3A_55 = arith.constant 0 : i32
      %dma_wait3A_56 = arith.constant 0 : i32
      %dma_wait3A_57 = tpu.memref_slice %arg3[%add3A, %dma_wait3A_55, %dma_wait3A_56] : memref<32x126x80xi32, #tpu.memory_space<hbm>> -> memref<1x126x80xi32, #tpu.memory_space<hbm>>
      %dma_wait3A_58 = tpu.memref_squeeze %dma_wait3A_57 : memref<1x126x80xi32, #tpu.memory_space<hbm>> -> memref<126x80xi32, #tpu.memory_space<hbm>>
      tpu.wait_dma2 semaphore(%run_scoped3A_42 : memref<!tpu.dma_semaphore, #tpu.memory_space<semaphore_mem>>) src(%dma_wait3A_58 : memref<126x80xi32, #tpu.memory_space<hbm>>) dst(%arg7 : memref<126x80xi32, #tpu.memory_space<vmem>>)
      tpu.yield
    }) : () -> ()
    "tpu.region"() ({
      %run_scoped3A_42 = tpu.sem_alloc : memref<!tpu.dma_semaphore, #tpu.memory_space<semaphore_mem>>
      %dma_start3A_43 = arith.constant 0 : i32
      %dma_start3A_44 = arith.constant 0 : i32
      %dma_start3A_45 = tpu.memref_slice %arg4[%add3A, %dma_start3A_43, %dma_start3A_44] : memref<32x126x80xi32, #tpu.memory_space<hbm>> -> memref<1x126x80xi32, #tpu.memory_space<hbm>>
      %dma_start3A_46 = tpu.memref_squeeze %dma_start3A_45 : memref<1x126x80xi32, #tpu.memory_space<hbm>> -> memref<126x80xi32, #tpu.memory_space<hbm>>
      %dma_start3A_47 = arith.constant 0 : i32
      %dma_start3A_48 = arith.constant 0 : i32
      %dma_start3A_49 = tpu.memref_slice %arg4[%add3A, %dma_start3A_47, %dma_start3A_48] : memref<32x126x80xi32, #tpu.memory_space<hbm>> -> memref<1x126x80xi32, #tpu.memory_space<hbm>>
      %dma_start3A_50 = tpu.memref_squeeze %dma_start3A_49 : memref<1x126x80xi32, #tpu.memory_space<hbm>> -> memref<126x80xi32, #tpu.memory_space<hbm>>
      tpu.enqueue_dma source(%dma_start3A_50 : memref<126x80xi32, #tpu.memory_space<hbm>>) target(%arg8 : memref<126x80xi32, #tpu.memory_space<vmem>>) target_semaphore(%run_scoped3A_42 : memref<!tpu.dma_semaphore, #tpu.memory_space<semaphore_mem>>)
      %dma_wait3A_51 = arith.constant 0 : i32
      %dma_wait3A_52 = arith.constant 0 : i32
      %dma_wait3A_53 = tpu.memref_slice %arg4[%add3A, %dma_wait3A_51, %dma_wait3A_52] : memref<32x126x80xi32, #tpu.memory_space<hbm>> -> memref<1x126x80xi32, #tpu.memory_space<hbm>>
      %dma_wait3A_54 = tpu.memref_squeeze %dma_wait3A_53 : memref<1x126x80xi32, #tpu.memory_space<hbm>> -> memref<126x80xi32, #tpu.memory_space<hbm>>
      %dma_wait3A_55 = arith.constant 0 : i32
      %dma_wait3A_56 = arith.constant 0 : i32
      %dma_wait3A_57 = tpu.memref_slice %arg4[%add3A, %dma_wait3A_55, %dma_wait3A_56] : memref<32x126x80xi32, #tpu.memory_space<hbm>> -> memref<1x126x80xi32, #tpu.memory_space<hbm>>
      %dma_wait3A_58 = tpu.memref_squeeze %dma_wait3A_57 : memref<1x126x80xi32, #tpu.memory_space<hbm>> -> memref<126x80xi32, #tpu.memory_space<hbm>>
      tpu.wait_dma2 semaphore(%run_scoped3A_42 : memref<!tpu.dma_semaphore, #tpu.memory_space<semaphore_mem>>) src(%dma_wait3A_58 : memref<126x80xi32, #tpu.memory_space<hbm>>) dst(%arg8 : memref<126x80xi32, #tpu.memory_space<vmem>>)
      tpu.yield
    }) : () -> ()
    %mul3A_1 = arith.constant 626 : i32
    %mul3A_2 = arith.muli %arg1, %mul3A_1 : i32
    %mul3A_3 = arith.constant 626 : i32
    %mul3A_4 = arith.muli %arg1, %mul3A_3 : i32
    "tpu.region"() ({
      %run_scoped3A_42 = tpu.sem_alloc : memref<!tpu.dma_semaphore, #tpu.memory_space<semaphore_mem>>
      %dma_start3A_43 = arith.constant 0 : i32
      %dma_start3A_44 = tpu.memref_slice %arg11[%mul3A_4, %dma_start3A_43] : memref<10016x128xf32, #tpu.memory_space<vmem_shared>> -> memref<626x128xf32, #tpu.memory_space<vmem_shared>>
      %dma_start3A_45 = arith.constant 0 : i32
      %dma_start3A_46 = tpu.memref_slice %arg5[%mul3A_2, %dma_start3A_45] : memref<10016x128xf32, #tpu.memory_space<hbm>> -> memref<626x128xf32, #tpu.memory_space<hbm>>
      tpu.enqueue_dma source(%dma_start3A_46 : memref<626x128xf32, #tpu.memory_space<hbm>>) target(%dma_start3A_44 : memref<626x128xf32, #tpu.memory_space<vmem_shared>>) target_semaphore(%run_scoped3A_42 : memref<!tpu.dma_semaphore, #tpu.memory_space<semaphore_mem>>)
      %dma_wait3A_47 = arith.constant 0 : i32
      %dma_wait3A_48 = tpu.memref_slice %arg11[%mul3A_4, %dma_wait3A_47] : memref<10016x128xf32, #tpu.memory_space<vmem_shared>> -> memref<626x128xf32, #tpu.memory_space<vmem_shared>>
      %dma_wait3A_49 = arith.constant 0 : i32
      %dma_wait3A_50 = tpu.memref_slice %arg5[%mul3A_2, %dma_wait3A_49] : memref<10016x128xf32, #tpu.memory_space<hbm>> -> memref<626x128xf32, #tpu.memory_space<hbm>>
      tpu.wait_dma2 semaphore(%run_scoped3A_42 : memref<!tpu.dma_semaphore, #tpu.memory_space<semaphore_mem>>) src(%dma_wait3A_50 : memref<626x128xf32, #tpu.memory_space<hbm>>) dst(%dma_wait3A_48 : memref<626x128xf32, #tpu.memory_space<vmem_shared>>)
      tpu.yield
    }) : () -> ()
    %barrier3A = arith.constant 0 : index
    tpu.barrier barrier_id(%barrier3A)
    %run_scoped3A = arith.constant 0 : i32
    "tpu.region"() ({
      %run_scoped3A_42 = tpu.sem_alloc : memref<!tpu.dma_semaphore, #tpu.memory_space<semaphore_mem>>
      %dma_start3A_43 = arith.constant 0 : i32
      %dma_start3A_44 = tpu.memref_slice %arg7[%run_scoped3A, %dma_start3A_43] : memref<126x80xi32, #tpu.memory_space<vmem>> -> memref<1x80xi32, #tpu.memory_space<vmem>>
      %dma_start3A_45 = tpu.memref_squeeze %dma_start3A_44 : memref<1x80xi32, #tpu.memory_space<vmem>> -> memref<80xi32, #tpu.memory_space<vmem>>
      %dma_start3A_46 = arith.constant 0 : i32
      %dma_start3A_47 = arith.constant 0 : i32
      %dma_start3A_48 = tpu.memref_slice %arg2[%dma_start3A_46, %dma_start3A_47] : memref<10000x128xf32, #tpu.memory_space<hbm>> -> memref<10000x128xf32, #tpu.memory_space<hbm>>
      tpu.enqueue_indirect_dma source(%dma_start3A_48 : memref<10000x128xf32, #tpu.memory_space<hbm>>) target(%arg9 : memref<80x128xf32, #tpu.memory_space<vmem>>) offsets(%dma_start3A_45 : memref<80xi32, #tpu.memory_space<vmem>>) semaphore(%run_scoped3A_42 : memref<!tpu.dma_semaphore, #tpu.memory_space<semaphore_mem>>)
      %dma_wait3A_49 = arith.constant 0 : i32
      %dma_wait3A_50 = tpu.memref_slice %arg7[%run_scoped3A, %dma_wait3A_49] : memref<126x80xi32, #tpu.memory_space<vmem>> -> memref<1x80xi32, #tpu.memory_space<vmem>>
      %dma_wait3A_51 = tpu.memref_squeeze %dma_wait3A_50 : memref<1x80xi32, #tpu.memory_space<vmem>> -> memref<80xi32, #tpu.memory_space<vmem>>
      %dma_wait3A_52 = arith.constant 0 : i32
      %dma_wait3A_53 = arith.constant 0 : i32
      %dma_wait3A_54 = tpu.memref_slice %arg2[%dma_wait3A_52, %dma_wait3A_53] : memref<10000x128xf32, #tpu.memory_space<hbm>> -> memref<10000x128xf32, #tpu.memory_space<hbm>>
      tpu.wait_indirect_dma semaphore(%run_scoped3A_42 : memref<!tpu.dma_semaphore, #tpu.memory_space<semaphore_mem>>) src(%dma_wait3A_54 : memref<10000x128xf32, #tpu.memory_space<hbm>>) dst(%arg9 : memref<80x128xf32, #tpu.memory_space<vmem>>)
      tpu.yield
    }) : () -> ()
    %dma_start3A = arith.constant 0 : i32
    %dma_start3A_5 = arith.constant 0 : i32
    %dma_start3A_6 = tpu.memref_slice %arg8[%dma_start3A, %dma_start3A_5] : memref<126x80xi32, #tpu.memory_space<vmem>> -> memref<1x80xi32, #tpu.memory_space<vmem>>
    %dma_start3A_7 = tpu.memref_squeeze %dma_start3A_6 : memref<1x80xi32, #tpu.memory_space<vmem>> -> memref<80xi32, #tpu.memory_space<vmem>>
    %dma_start3A_8 = arith.constant 0 : i32
    %dma_start3A_9 = arith.constant 0 : i32
    %dma_start3A_10 = tpu.memref_slice %arg11[%dma_start3A_8, %dma_start3A_9] : memref<10016x128xf32, #tpu.memory_space<vmem_shared>> -> memref<10016x128xf32, #tpu.memory_space<vmem_shared>>
    tpu.enqueue_indirect_dma source(%arg9 : memref<80x128xf32, #tpu.memory_space<vmem>>) target(%dma_start3A_10 : memref<10016x128xf32, #tpu.memory_space<vmem_shared>>) offsets(%dma_start3A_7 : memref<80xi32, #tpu.memory_space<vmem>>) semaphore(%arg12 : memref<!tpu.dma_semaphore, #tpu.memory_space<semaphore_mem>>) {add = true}
    %run_scoped3A_11 = arith.constant 1 : i32
    "tpu.region"() ({
      %run_scoped3A_42 = tpu.sem_alloc : memref<!tpu.dma_semaphore, #tpu.memory_space<semaphore_mem>>
      %dma_start3A_43 = arith.constant 0 : i32
      %dma_start3A_44 = tpu.memref_slice %arg7[%run_scoped3A_11, %dma_start3A_43] : memref<126x80xi32, #tpu.memory_space<vmem>> -> memref<1x80xi32, #tpu.memory_space<vmem>>
      %dma_start3A_45 = tpu.memref_squeeze %dma_start3A_44 : memref<1x80xi32, #tpu.memory_space<vmem>> -> memref<80xi32, #tpu.memory_space<vmem>>
      %dma_start3A_46 = arith.constant 0 : i32
      %dma_start3A_47 = arith.constant 0 : i32
      %dma_start3A_48 = tpu.memref_slice %arg2[%dma_start3A_46, %dma_start3A_47] : memref<10000x128xf32, #tpu.memory_space<hbm>> -> memref<10000x128xf32, #tpu.memory_space<hbm>>
      tpu.enqueue_indirect_dma source(%dma_start3A_48 : memref<10000x128xf32, #tpu.memory_space<hbm>>) target(%arg10 : memref<80x128xf32, #tpu.memory_space<vmem>>) offsets(%dma_start3A_45 : memref<80xi32, #tpu.memory_space<vmem>>) semaphore(%run_scoped3A_42 : memref<!tpu.dma_semaphore, #tpu.memory_space<semaphore_mem>>)
      %dma_wait3A_49 = arith.constant 0 : i32
      %dma_wait3A_50 = tpu.memref_slice %arg7[%run_scoped3A_11, %dma_wait3A_49] : memref<126x80xi32, #tpu.memory_space<vmem>> -> memref<1x80xi32, #tpu.memory_space<vmem>>
      %dma_wait3A_51 = tpu.memref_squeeze %dma_wait3A_50 : memref<1x80xi32, #tpu.memory_space<vmem>> -> memref<80xi32, #tpu.memory_space<vmem>>
      %dma_wait3A_52 = arith.constant 0 : i32
      %dma_wait3A_53 = arith.constant 0 : i32
      %dma_wait3A_54 = tpu.memref_slice %arg2[%dma_wait3A_52, %dma_wait3A_53] : memref<10000x128xf32, #tpu.memory_space<hbm>> -> memref<10000x128xf32, #tpu.memory_space<hbm>>
      tpu.wait_indirect_dma semaphore(%run_scoped3A_42 : memref<!tpu.dma_semaphore, #tpu.memory_space<semaphore_mem>>) src(%dma_wait3A_54 : memref<10000x128xf32, #tpu.memory_space<hbm>>) dst(%arg10 : memref<80x128xf32, #tpu.memory_space<vmem>>)
      tpu.yield
    }) : () -> ()
    %dma_start3A_12 = arith.constant 1 : i32
    %dma_start3A_13 = arith.constant 0 : i32
    %dma_start3A_14 = tpu.memref_slice %arg8[%dma_start3A_12, %dma_start3A_13] : memref<126x80xi32, #tpu.memory_space<vmem>> -> memref<1x80xi32, #tpu.memory_space<vmem>>
    %dma_start3A_15 = tpu.memref_squeeze %dma_start3A_14 : memref<1x80xi32, #tpu.memory_space<vmem>> -> memref<80xi32, #tpu.memory_space<vmem>>
    %dma_start3A_16 = arith.constant 0 : i32
    %dma_start3A_17 = arith.constant 0 : i32
    %dma_start3A_18 = tpu.memref_slice %arg11[%dma_start3A_16, %dma_start3A_17] : memref<10016x128xf32, #tpu.memory_space<vmem_shared>> -> memref<10016x128xf32, #tpu.memory_space<vmem_shared>>
    tpu.enqueue_indirect_dma source(%arg10 : memref<80x128xf32, #tpu.memory_space<vmem>>) target(%dma_start3A_18 : memref<10016x128xf32, #tpu.memory_space<vmem_shared>>) offsets(%dma_start3A_15 : memref<80xi32, #tpu.memory_space<vmem>>) semaphore(%arg13 : memref<!tpu.dma_semaphore, #tpu.memory_space<semaphore_mem>>) {add = true}
    %scan3A = arith.constant 0 : i32
    %scan3A_19 = arith.constant 1 : i32
    %scan3A_20 = arith.constant 62 : i32
    %scan3A_21 = arith.addi %scan3A_19, %scan3A_20 : i32
    %scan3A_22 = arith.constant 1 : i32
    scf.for %scan3A_42 = %scan3A_19 to %scan3A_21 step %scan3A_22  : i32 {
      %eq3A = arith.constant 1 : i32
      %eq3A_43 = arith.cmpi eq, %arg0, %eq3A : i32
      %lt3A = arith.constant 62 : i32
      %lt3A_44 = arith.cmpi slt, %scan3A_42, %lt3A : i32
      %or3A = arith.ori %eq3A_43, %lt3A_44 : i1
      %convert_element_type3A = arith.extui %or3A : i1 to i32
      %cond3A = arith.constant 0 : i32
      %cond3A_45 = arith.cmpi ne, %convert_element_type3A, %cond3A : i32
      scf.if %cond3A_45 {
        %mul3A_46 = arith.constant 2 : i32
        %mul3A_47 = arith.muli %mul3A_46, %scan3A_42 : i32
        %sub3A = arith.constant 2 : i32
        %sub3A_48 = arith.subi %mul3A_47, %sub3A : i32
        %dma_wait3A_49 = arith.constant 0 : i32
        %dma_wait3A_50 = tpu.memref_slice %arg8[%sub3A_48, %dma_wait3A_49] : memref<126x80xi32, #tpu.memory_space<vmem>> -> memref<1x80xi32, #tpu.memory_space<vmem>>
        %dma_wait3A_51 = tpu.memref_squeeze %dma_wait3A_50 : memref<1x80xi32, #tpu.memory_space<vmem>> -> memref<80xi32, #tpu.memory_space<vmem>>
        %dma_wait3A_52 = arith.constant 0 : i32
        %dma_wait3A_53 = arith.constant 0 : i32
        %dma_wait3A_54 = tpu.memref_slice %arg11[%dma_wait3A_52, %dma_wait3A_53] : memref<10016x128xf32, #tpu.memory_space<vmem_shared>> -> memref<10016x128xf32, #tpu.memory_space<vmem_shared>>
        tpu.wait_indirect_dma semaphore(%arg12 : memref<!tpu.dma_semaphore, #tpu.memory_space<semaphore_mem>>) src(%arg9 : memref<80x128xf32, #tpu.memory_space<vmem>>) dst(%dma_wait3A_54 : memref<10016x128xf32, #tpu.memory_space<vmem_shared>>)
        "tpu.region"() ({
          %run_scoped3A_79 = tpu.sem_alloc : memref<!tpu.dma_semaphore, #tpu.memory_space<semaphore_mem>>
          %dma_start3A_80 = arith.constant 0 : i32
          %dma_start3A_81 = tpu.memref_slice %arg7[%mul3A_47, %dma_start3A_80] : memref<126x80xi32, #tpu.memory_space<vmem>> -> memref<1x80xi32, #tpu.memory_space<vmem>>
          %dma_start3A_82 = tpu.memref_squeeze %dma_start3A_81 : memref<1x80xi32, #tpu.memory_space<vmem>> -> memref<80xi32, #tpu.memory_space<vmem>>
          %dma_start3A_83 = arith.constant 0 : i32
          %dma_start3A_84 = arith.constant 0 : i32
          %dma_start3A_85 = tpu.memref_slice %arg2[%dma_start3A_83, %dma_start3A_84] : memref<10000x128xf32, #tpu.memory_space<hbm>> -> memref<10000x128xf32, #tpu.memory_space<hbm>>
          tpu.enqueue_indirect_dma source(%dma_start3A_85 : memref<10000x128xf32, #tpu.memory_space<hbm>>) target(%arg9 : memref<80x128xf32, #tpu.memory_space<vmem>>) offsets(%dma_start3A_82 : memref<80xi32, #tpu.memory_space<vmem>>) semaphore(%run_scoped3A_79 : memref<!tpu.dma_semaphore, #tpu.memory_space<semaphore_mem>>)
          %dma_wait3A_86 = arith.constant 0 : i32
          %dma_wait3A_87 = tpu.memref_slice %arg7[%mul3A_47, %dma_wait3A_86] : memref<126x80xi32, #tpu.memory_space<vmem>> -> memref<1x80xi32, #tpu.memory_space<vmem>>
          %dma_wait3A_88 = tpu.memref_squeeze %dma_wait3A_87 : memref<1x80xi32, #tpu.memory_space<vmem>> -> memref<80xi32, #tpu.memory_space<vmem>>
          %dma_wait3A_89 = arith.constant 0 : i32
          %dma_wait3A_90 = arith.constant 0 : i32
          %dma_wait3A_91 = tpu.memref_slice %arg2[%dma_wait3A_89, %dma_wait3A_90] : memref<10000x128xf32, #tpu.memory_space<hbm>> -> memref<10000x128xf32, #tpu.memory_space<hbm>>
          tpu.wait_indirect_dma semaphore(%run_scoped3A_79 : memref<!tpu.dma_semaphore, #tpu.memory_space<semaphore_mem>>) src(%dma_wait3A_91 : memref<10000x128xf32, #tpu.memory_space<hbm>>) dst(%arg9 : memref<80x128xf32, #tpu.memory_space<vmem>>)
          tpu.yield
        }) : () -> ()
        %dma_start3A_55 = arith.constant 0 : i32
        %dma_start3A_56 = tpu.memref_slice %arg8[%mul3A_47, %dma_start3A_55] : memref<126x80xi32, #tpu.memory_space<vmem>> -> memref<1x80xi32, #tpu.memory_space<vmem>>
        %dma_start3A_57 = tpu.memref_squeeze %dma_start3A_56 : memref<1x80xi32, #tpu.memory_space<vmem>> -> memref<80xi32, #tpu.memory_space<vmem>>
        %dma_start3A_58 = arith.constant 0 : i32
        %dma_start3A_59 = arith.constant 0 : i32
        %dma_start3A_60 = tpu.memref_slice %arg11[%dma_start3A_58, %dma_start3A_59] : memref<10016x128xf32, #tpu.memory_space<vmem_shared>> -> memref<10016x128xf32, #tpu.memory_space<vmem_shared>>
        tpu.enqueue_indirect_dma source(%arg9 : memref<80x128xf32, #tpu.memory_space<vmem>>) target(%dma_start3A_60 : memref<10016x128xf32, #tpu.memory_space<vmem_shared>>) offsets(%dma_start3A_57 : memref<80xi32, #tpu.memory_space<vmem>>) semaphore(%arg12 : memref<!tpu.dma_semaphore, #tpu.memory_space<semaphore_mem>>) {add = true}
        %mul3A_61 = arith.constant 2 : i32
        %mul3A_62 = arith.muli %mul3A_61, %scan3A_42 : i32
        %add3A_63 = arith.constant 1 : i32
        %add3A_64 = arith.addi %mul3A_62, %add3A_63 : i32
        %sub3A_65 = arith.constant 2 : i32
        %sub3A_66 = arith.subi %add3A_64, %sub3A_65 : i32
        %dma_wait3A_67 = arith.constant 0 : i32
        %dma_wait3A_68 = tpu.memref_slice %arg8[%sub3A_66, %dma_wait3A_67] : memref<126x80xi32, #tpu.memory_space<vmem>> -> memref<1x80xi32, #tpu.memory_space<vmem>>
        %dma_wait3A_69 = tpu.memref_squeeze %dma_wait3A_68 : memref<1x80xi32, #tpu.memory_space<vmem>> -> memref<80xi32, #tpu.memory_space<vmem>>
        %dma_wait3A_70 = arith.constant 0 : i32
        %dma_wait3A_71 = arith.constant 0 : i32
        %dma_wait3A_72 = tpu.memref_slice %arg11[%dma_wait3A_70, %dma_wait3A_71] : memref<10016x128xf32, #tpu.memory_space<vmem_shared>> -> memref<10016x128xf32, #tpu.memory_space<vmem_shared>>
        tpu.wait_indirect_dma semaphore(%arg13 : memref<!tpu.dma_semaphore, #tpu.memory_space<semaphore_mem>>) src(%arg10 : memref<80x128xf32, #tpu.memory_space<vmem>>) dst(%dma_wait3A_72 : memref<10016x128xf32, #tpu.memory_space<vmem_shared>>)
        "tpu.region"() ({
          %run_scoped3A_79 = tpu.sem_alloc : memref<!tpu.dma_semaphore, #tpu.memory_space<semaphore_mem>>
          %dma_start3A_80 = arith.constant 0 : i32
          %dma_start3A_81 = tpu.memref_slice %arg7[%add3A_64, %dma_start3A_80] : memref<126x80xi32, #tpu.memory_space<vmem>> -> memref<1x80xi32, #tpu.memory_space<vmem>>
          %dma_start3A_82 = tpu.memref_squeeze %dma_start3A_81 : memref<1x80xi32, #tpu.memory_space<vmem>> -> memref<80xi32, #tpu.memory_space<vmem>>
          %dma_start3A_83 = arith.constant 0 : i32
          %dma_start3A_84 = arith.constant 0 : i32
          %dma_start3A_85 = tpu.memref_slice %arg2[%dma_start3A_83, %dma_start3A_84] : memref<10000x128xf32, #tpu.memory_space<hbm>> -> memref<10000x128xf32, #tpu.memory_space<hbm>>
          tpu.enqueue_indirect_dma source(%dma_start3A_85 : memref<10000x128xf32, #tpu.memory_space<hbm>>) target(%arg10 : memref<80x128xf32, #tpu.memory_space<vmem>>) offsets(%dma_start3A_82 : memref<80xi32, #tpu.memory_space<vmem>>) semaphore(%run_scoped3A_79 : memref<!tpu.dma_semaphore, #tpu.memory_space<semaphore_mem>>)
          %dma_wait3A_86 = arith.constant 0 : i32
          %dma_wait3A_87 = tpu.memref_slice %arg7[%add3A_64, %dma_wait3A_86] : memref<126x80xi32, #tpu.memory_space<vmem>> -> memref<1x80xi32, #tpu.memory_space<vmem>>
          %dma_wait3A_88 = tpu.memref_squeeze %dma_wait3A_87 : memref<1x80xi32, #tpu.memory_space<vmem>> -> memref<80xi32, #tpu.memory_space<vmem>>
          %dma_wait3A_89 = arith.constant 0 : i32
          %dma_wait3A_90 = arith.constant 0 : i32
          %dma_wait3A_91 = tpu.memref_slice %arg2[%dma_wait3A_89, %dma_wait3A_90] : memref<10000x128xf32, #tpu.memory_space<hbm>> -> memref<10000x128xf32, #tpu.memory_space<hbm>>
          tpu.wait_indirect_dma semaphore(%run_scoped3A_79 : memref<!tpu.dma_semaphore, #tpu.memory_space<semaphore_mem>>) src(%dma_wait3A_91 : memref<10000x128xf32, #tpu.memory_space<hbm>>) dst(%arg10 : memref<80x128xf32, #tpu.memory_space<vmem>>)
          tpu.yield
        }) : () -> ()
        %dma_start3A_73 = arith.constant 0 : i32
        %dma_start3A_74 = tpu.memref_slice %arg8[%add3A_64, %dma_start3A_73] : memref<126x80xi32, #tpu.memory_space<vmem>> -> memref<1x80xi32, #tpu.memory_space<vmem>>
        %dma_start3A_75 = tpu.memref_squeeze %dma_start3A_74 : memref<1x80xi32, #tpu.memory_space<vmem>> -> memref<80xi32, #tpu.memory_space<vmem>>
        %dma_start3A_76 = arith.constant 0 : i32
        %dma_start3A_77 = arith.constant 0 : i32
        %dma_start3A_78 = tpu.memref_slice %arg11[%dma_start3A_76, %dma_start3A_77] : memref<10016x128xf32, #tpu.memory_space<vmem_shared>> -> memref<10016x128xf32, #tpu.memory_space<vmem_shared>>
        tpu.enqueue_indirect_dma source(%arg10 : memref<80x128xf32, #tpu.memory_space<vmem>>) target(%dma_start3A_78 : memref<10016x128xf32, #tpu.memory_space<vmem_shared>>) offsets(%dma_start3A_75 : memref<80xi32, #tpu.memory_space<vmem>>) semaphore(%arg13 : memref<!tpu.dma_semaphore, #tpu.memory_space<semaphore_mem>>) {add = true}
      } else {
      }
    }
    %scan3A_23 = arith.constant 62 : i32
    %dma_wait3A = arith.constant 0 : i32
    %dma_wait3A_24 = arith.constant 0 : i32
    %dma_wait3A_25 = tpu.memref_slice %arg8[%dma_wait3A, %dma_wait3A_24] : memref<126x80xi32, #tpu.memory_space<vmem>> -> memref<1x80xi32, #tpu.memory_space<vmem>>
    %dma_wait3A_26 = tpu.memref_squeeze %dma_wait3A_25 : memref<1x80xi32, #tpu.memory_space<vmem>> -> memref<80xi32, #tpu.memory_space<vmem>>
    %dma_wait3A_27 = arith.constant 0 : i32
    %dma_wait3A_28 = arith.constant 0 : i32
    %dma_wait3A_29 = tpu.memref_slice %arg11[%dma_wait3A_27, %dma_wait3A_28] : memref<10016x128xf32, #tpu.memory_space<vmem_shared>> -> memref<10016x128xf32, #tpu.memory_space<vmem_shared>>
    tpu.wait_indirect_dma semaphore(%arg12 : memref<!tpu.dma_semaphore, #tpu.memory_space<semaphore_mem>>) src(%arg9 : memref<80x128xf32, #tpu.memory_space<vmem>>) dst(%dma_wait3A_29 : memref<10016x128xf32, #tpu.memory_space<vmem_shared>>)
    %dma_wait3A_30 = arith.constant 1 : i32
    %dma_wait3A_31 = arith.constant 0 : i32
    %dma_wait3A_32 = tpu.memref_slice %arg8[%dma_wait3A_30, %dma_wait3A_31] : memref<126x80xi32, #tpu.memory_space<vmem>> -> memref<1x80xi32, #tpu.memory_space<vmem>>
    %dma_wait3A_33 = tpu.memref_squeeze %dma_wait3A_32 : memref<1x80xi32, #tpu.memory_space<vmem>> -> memref<80xi32, #tpu.memory_space<vmem>>
    %dma_wait3A_34 = arith.constant 0 : i32
    %dma_wait3A_35 = arith.constant 0 : i32
    %dma_wait3A_36 = tpu.memref_slice %arg11[%dma_wait3A_34, %dma_wait3A_35] : memref<10016x128xf32, #tpu.memory_space<vmem_shared>> -> memref<10016x128xf32, #tpu.memory_space<vmem_shared>>
    tpu.wait_indirect_dma semaphore(%arg13 : memref<!tpu.dma_semaphore, #tpu.memory_space<semaphore_mem>>) src(%arg10 : memref<80x128xf32, #tpu.memory_space<vmem>>) dst(%dma_wait3A_36 : memref<10016x128xf32, #tpu.memory_space<vmem_shared>>)
    %barrier3A_37 = arith.constant 0 : index
    tpu.barrier barrier_id(%barrier3A_37)
    %mul3A_38 = arith.constant 626 : i32
    %mul3A_39 = arith.muli %arg1, %mul3A_38 : i32
    %mul3A_40 = arith.constant 626 : i32
    %mul3A_41 = arith.muli %arg1, %mul3A_40 : i32
    "tpu.region"() ({
      %run_scoped3A_42 = tpu.sem_alloc : memref<!tpu.dma_semaphore, #tpu.memory_space<semaphore_mem>>
      %dma_start3A_43 = arith.constant 0 : i32
      %dma_start3A_44 = tpu.memref_slice %arg6[%arg0, %mul3A_41, %dma_start3A_43] : memref<2x10016x128xf32, #tpu.memory_space<hbm>> -> memref<1x626x128xf32, #tpu.memory_space<hbm>>
      %dma_start3A_45 = tpu.memref_squeeze %dma_start3A_44 : memref<1x626x128xf32, #tpu.memory_space<hbm>> -> memref<626x128xf32, #tpu.memory_space<hbm>>
      %dma_start3A_46 = arith.constant 0 : i32
      %dma_start3A_47 = tpu.memref_slice %arg11[%mul3A_39, %dma_start3A_46] : memref<10016x128xf32, #tpu.memory_space<vmem_shared>> -> memref<626x128xf32, #tpu.memory_space<vmem_shared>>
      tpu.enqueue_dma source(%dma_start3A_47 : memref<626x128xf32, #tpu.memory_space<vmem_shared>>) target(%dma_start3A_45 : memref<626x128xf32, #tpu.memory_space<hbm>>) target_semaphore(%run_scoped3A_42 : memref<!tpu.dma_semaphore, #tpu.memory_space<semaphore_mem>>)
      %dma_wait3A_48 = arith.constant 0 : i32
      %dma_wait3A_49 = tpu.memref_slice %arg6[%arg0, %mul3A_41, %dma_wait3A_48] : memref<2x10016x128xf32, #tpu.memory_space<hbm>> -> memref<1x626x128xf32, #tpu.memory_space<hbm>>
      %dma_wait3A_50 = tpu.memref_squeeze %dma_wait3A_49 : memref<1x626x128xf32, #tpu.memory_space<hbm>> -> memref<626x128xf32, #tpu.memory_space<hbm>>
      %dma_wait3A_51 = arith.constant 0 : i32
      %dma_wait3A_52 = tpu.memref_slice %arg11[%mul3A_39, %dma_wait3A_51] : memref<10016x128xf32, #tpu.memory_space<vmem_shared>> -> memref<626x128xf32, #tpu.memory_space<vmem_shared>>
      tpu.wait_dma2 semaphore(%run_scoped3A_42 : memref<!tpu.dma_semaphore, #tpu.memory_space<semaphore_mem>>) src(%dma_wait3A_52 : memref<626x128xf32, #tpu.memory_space<vmem_shared>>) dst(%dma_wait3A_50 : memref<626x128xf32, #tpu.memory_space<hbm>>)
      tpu.yield
    }) : () -> ()
    return
  }
}

#map = affine_map<(d0, d1) -> (0, 0, 0)>
#map1 = affine_map<(d0, d1) -> (0, 0)>
module attributes {stable_mosaic.version = 14 : i64} {
  func.func @k(%arg0: i32, %arg1: i32, %arg2: memref<32x126x80xi32, #tpu.memory_space<hbm>>, %arg3: memref<80x16xf32, #tpu.memory_space<hbm>>, %arg4: memref<10016x16xf32, #tpu.memory_space<hbm>>, %arg5: memref<2x10016x16xf32, #tpu.memory_space<hbm>>, %arg6: memref<126x80xi32, #tpu.memory_space<vmem>>, %arg7: memref<80x16xf32, #tpu.memory_space<vmem>>, %arg8: memref<10016x16xf32, #tpu.memory_space<vmem_shared>>, %arg9: memref<!tpu.dma_semaphore, #tpu.memory_space<semaphore_mem>>, %arg10: memref<!tpu.dma_semaphore, #tpu.memory_space<semaphore_mem>>) attributes {dimension_semantics = [#tpu.dimension_semantics<core_parallel>, #tpu.dimension_semantics<subcore_parallel>], iteration_bounds = array<i64: 2, 16>, scalar_prefetch = 0 : i64, scratch_operands = 5 : i64, tpu.core_type = #tpu.core_type<sc_vector_subcore>, window_params = [{transform_indices = #map}, {transform_indices = #map1}, {transform_indices = #map1}, {transform_indices = #map}]} {
    %mul3A = arith.constant 16 : i32
    %mul3A_0 = arith.muli %arg0, %mul3A : i32
    %add3A = arith.addi %mul3A_0, %arg1 : i32
    "tpu.region"() ({
      %run_scoped3A = tpu.sem_alloc : memref<!tpu.dma_semaphore, #tpu.memory_space<semaphore_mem>>
      %dma_start3A_41 = arith.constant 0 : i32
      %dma_start3A_42 = arith.constant 0 : i32
      %dma_start3A_43 = tpu.memref_slice %arg2[%add3A, %dma_start3A_41, %dma_start3A_42] : memref<32x126x80xi32, #tpu.memory_space<hbm>> -> memref<1x126x80xi32, #tpu.memory_space<hbm>>
      %dma_start3A_44 = tpu.memref_squeeze %dma_start3A_43 : memref<1x126x80xi32, #tpu.memory_space<hbm>> -> memref<126x80xi32, #tpu.memory_space<hbm>>
      %dma_start3A_45 = arith.constant 0 : i32
      %dma_start3A_46 = arith.constant 0 : i32
      %dma_start3A_47 = tpu.memref_slice %arg2[%add3A, %dma_start3A_45, %dma_start3A_46] : memref<32x126x80xi32, #tpu.memory_space<hbm>> -> memref<1x126x80xi32, #tpu.memory_space<hbm>>
      %dma_start3A_48 = tpu.memref_squeeze %dma_start3A_47 : memref<1x126x80xi32, #tpu.memory_space<hbm>> -> memref<126x80xi32, #tpu.memory_space<hbm>>
      tpu.enqueue_dma source(%dma_start3A_48 : memref<126x80xi32, #tpu.memory_space<hbm>>) target(%arg6 : memref<126x80xi32, #tpu.memory_space<vmem>>) target_semaphore(%run_scoped3A : memref<!tpu.dma_semaphore, #tpu.memory_space<semaphore_mem>>)
      %dma_wait3A_49 = arith.constant 0 : i32
      %dma_wait3A_50 = arith.constant 0 : i32
      %dma_wait3A_51 = tpu.memref_slice %arg2[%add3A, %dma_wait3A_49, %dma_wait3A_50] : memref<32x126x80xi32, #tpu.memory_space<hbm>> -> memref<1x126x80xi32, #tpu.memory_space<hbm>>
      %dma_wait3A_52 = tpu.memref_squeeze %dma_wait3A_51 : memref<1x126x80xi32, #tpu.memory_space<hbm>> -> memref<126x80xi32, #tpu.memory_space<hbm>>
      %dma_wait3A_53 = arith.constant 0 : i32
      %dma_wait3A_54 = arith.constant 0 : i32
      %dma_wait3A_55 = tpu.memref_slice %arg2[%add3A, %dma_wait3A_53, %dma_wait3A_54] : memref<32x126x80xi32, #tpu.memory_space<hbm>> -> memref<1x126x80xi32, #tpu.memory_space<hbm>>
      %dma_wait3A_56 = tpu.memref_squeeze %dma_wait3A_55 : memref<1x126x80xi32, #tpu.memory_space<hbm>> -> memref<126x80xi32, #tpu.memory_space<hbm>>
      tpu.wait_dma2 semaphore(%run_scoped3A : memref<!tpu.dma_semaphore, #tpu.memory_space<semaphore_mem>>) src(%dma_wait3A_56 : memref<126x80xi32, #tpu.memory_space<hbm>>) dst(%arg6 : memref<126x80xi32, #tpu.memory_space<vmem>>)
      tpu.yield
    }) : () -> ()
    "tpu.region"() ({
      %run_scoped3A = tpu.sem_alloc : memref<!tpu.dma_semaphore, #tpu.memory_space<semaphore_mem>>
      tpu.enqueue_dma source(%arg3 : memref<80x16xf32, #tpu.memory_space<hbm>>) target(%arg7 : memref<80x16xf32, #tpu.memory_space<vmem>>) target_semaphore(%run_scoped3A : memref<!tpu.dma_semaphore, #tpu.memory_space<semaphore_mem>>)
      tpu.wait_dma2 semaphore(%run_scoped3A : memref<!tpu.dma_semaphore, #tpu.memory_space<semaphore_mem>>) src(%arg3 : memref<80x16xf32, #tpu.memory_space<hbm>>) dst(%arg7 : memref<80x16xf32, #tpu.memory_space<vmem>>)
      tpu.yield
    }) : () -> ()
    %mul3A_1 = arith.constant 626 : i32
    %mul3A_2 = arith.muli %arg1, %mul3A_1 : i32
    %mul3A_3 = arith.constant 626 : i32
    %mul3A_4 = arith.muli %arg1, %mul3A_3 : i32
    "tpu.region"() ({
      %run_scoped3A = tpu.sem_alloc : memref<!tpu.dma_semaphore, #tpu.memory_space<semaphore_mem>>
      %dma_start3A_41 = arith.constant 0 : i32
      %dma_start3A_42 = tpu.memref_slice %arg8[%mul3A_4, %dma_start3A_41] : memref<10016x16xf32, #tpu.memory_space<vmem_shared>> -> memref<626x16xf32, #tpu.memory_space<vmem_shared>>
      %dma_start3A_43 = arith.constant 0 : i32
      %dma_start3A_44 = tpu.memref_slice %arg4[%mul3A_2, %dma_start3A_43] : memref<10016x16xf32, #tpu.memory_space<hbm>> -> memref<626x16xf32, #tpu.memory_space<hbm>>
      tpu.enqueue_dma source(%dma_start3A_44 : memref<626x16xf32, #tpu.memory_space<hbm>>) target(%dma_start3A_42 : memref<626x16xf32, #tpu.memory_space<vmem_shared>>) target_semaphore(%run_scoped3A : memref<!tpu.dma_semaphore, #tpu.memory_space<semaphore_mem>>)
      %dma_wait3A_45 = arith.constant 0 : i32
      %dma_wait3A_46 = tpu.memref_slice %arg8[%mul3A_4, %dma_wait3A_45] : memref<10016x16xf32, #tpu.memory_space<vmem_shared>> -> memref<626x16xf32, #tpu.memory_space<vmem_shared>>
      %dma_wait3A_47 = arith.constant 0 : i32
      %dma_wait3A_48 = tpu.memref_slice %arg4[%mul3A_2, %dma_wait3A_47] : memref<10016x16xf32, #tpu.memory_space<hbm>> -> memref<626x16xf32, #tpu.memory_space<hbm>>
      tpu.wait_dma2 semaphore(%run_scoped3A : memref<!tpu.dma_semaphore, #tpu.memory_space<semaphore_mem>>) src(%dma_wait3A_48 : memref<626x16xf32, #tpu.memory_space<hbm>>) dst(%dma_wait3A_46 : memref<626x16xf32, #tpu.memory_space<vmem_shared>>)
      tpu.yield
    }) : () -> ()
    %barrier3A = arith.constant 0 : index
    tpu.barrier barrier_id(%barrier3A)
    %dma_start3A = arith.constant 0 : i32
    %dma_start3A_5 = arith.constant 0 : i32
    %dma_start3A_6 = tpu.memref_slice %arg6[%dma_start3A, %dma_start3A_5] : memref<126x80xi32, #tpu.memory_space<vmem>> -> memref<1x80xi32, #tpu.memory_space<vmem>>
    %dma_start3A_7 = tpu.memref_squeeze %dma_start3A_6 : memref<1x80xi32, #tpu.memory_space<vmem>> -> memref<80xi32, #tpu.memory_space<vmem>>
    %dma_start3A_8 = arith.constant 0 : i32
    %dma_start3A_9 = arith.constant 0 : i32
    %dma_start3A_10 = tpu.memref_slice %arg8[%dma_start3A_8, %dma_start3A_9] : memref<10016x16xf32, #tpu.memory_space<vmem_shared>> -> memref<10016x16xf32, #tpu.memory_space<vmem_shared>>
    tpu.enqueue_indirect_dma source(%arg7 : memref<80x16xf32, #tpu.memory_space<vmem>>) target(%dma_start3A_10 : memref<10016x16xf32, #tpu.memory_space<vmem_shared>>) offsets(%dma_start3A_7 : memref<80xi32, #tpu.memory_space<vmem>>) semaphore(%arg9 : memref<!tpu.dma_semaphore, #tpu.memory_space<semaphore_mem>>) {add = true}
    %dma_start3A_11 = arith.constant 1 : i32
    %dma_start3A_12 = arith.constant 0 : i32
    %dma_start3A_13 = tpu.memref_slice %arg6[%dma_start3A_11, %dma_start3A_12] : memref<126x80xi32, #tpu.memory_space<vmem>> -> memref<1x80xi32, #tpu.memory_space<vmem>>
    %dma_start3A_14 = tpu.memref_squeeze %dma_start3A_13 : memref<1x80xi32, #tpu.memory_space<vmem>> -> memref<80xi32, #tpu.memory_space<vmem>>
    %dma_start3A_15 = arith.constant 0 : i32
    %dma_start3A_16 = arith.constant 0 : i32
    %dma_start3A_17 = tpu.memref_slice %arg8[%dma_start3A_15, %dma_start3A_16] : memref<10016x16xf32, #tpu.memory_space<vmem_shared>> -> memref<10016x16xf32, #tpu.memory_space<vmem_shared>>
    tpu.enqueue_indirect_dma source(%arg7 : memref<80x16xf32, #tpu.memory_space<vmem>>) target(%dma_start3A_17 : memref<10016x16xf32, #tpu.memory_space<vmem_shared>>) offsets(%dma_start3A_14 : memref<80xi32, #tpu.memory_space<vmem>>) semaphore(%arg10 : memref<!tpu.dma_semaphore, #tpu.memory_space<semaphore_mem>>) {add = true}
    %scan3A = arith.constant 0 : i32
    %scan3A_18 = arith.constant 1 : i32
    %scan3A_19 = arith.constant 62 : i32
    %scan3A_20 = arith.addi %scan3A_18, %scan3A_19 : i32
    %scan3A_21 = arith.constant 1 : i32
    scf.for %scan3A_41 = %scan3A_18 to %scan3A_20 step %scan3A_21  : i32 {
      %eq3A = arith.constant 1 : i32
      %eq3A_42 = arith.cmpi eq, %arg0, %eq3A : i32
      %lt3A = arith.constant 62 : i32
      %lt3A_43 = arith.cmpi slt, %scan3A_41, %lt3A : i32
      %or3A = arith.ori %eq3A_42, %lt3A_43 : i1
      %convert_element_type3A = arith.extui %or3A : i1 to i32
      %cond3A = arith.constant 0 : i32
      %cond3A_44 = arith.cmpi ne, %convert_element_type3A, %cond3A : i32
      scf.if %cond3A_44 {
        %mul3A_45 = arith.constant 2 : i32
        %mul3A_46 = arith.muli %mul3A_45, %scan3A_41 : i32
        %add3A_47 = arith.constant 0 : i32
        %add3A_48 = arith.addi %mul3A_46, %add3A_47 : i32
        %sub3A = arith.constant 2 : i32
        %sub3A_49 = arith.subi %add3A_48, %sub3A : i32
        %dma_wait3A_50 = arith.constant 0 : i32
        %dma_wait3A_51 = tpu.memref_slice %arg6[%sub3A_49, %dma_wait3A_50] : memref<126x80xi32, #tpu.memory_space<vmem>> -> memref<1x80xi32, #tpu.memory_space<vmem>>
        %dma_wait3A_52 = tpu.memref_squeeze %dma_wait3A_51 : memref<1x80xi32, #tpu.memory_space<vmem>> -> memref<80xi32, #tpu.memory_space<vmem>>
        %dma_wait3A_53 = arith.constant 0 : i32
        %dma_wait3A_54 = arith.constant 0 : i32
        %dma_wait3A_55 = tpu.memref_slice %arg8[%dma_wait3A_53, %dma_wait3A_54] : memref<10016x16xf32, #tpu.memory_space<vmem_shared>> -> memref<10016x16xf32, #tpu.memory_space<vmem_shared>>
        tpu.wait_indirect_dma semaphore(%arg9 : memref<!tpu.dma_semaphore, #tpu.memory_space<semaphore_mem>>) src(%arg7 : memref<80x16xf32, #tpu.memory_space<vmem>>) dst(%dma_wait3A_55 : memref<10016x16xf32, #tpu.memory_space<vmem_shared>>)
        %dma_start3A_56 = arith.constant 0 : i32
        %dma_start3A_57 = tpu.memref_slice %arg6[%add3A_48, %dma_start3A_56] : memref<126x80xi32, #tpu.memory_space<vmem>> -> memref<1x80xi32, #tpu.memory_space<vmem>>
        %dma_start3A_58 = tpu.memref_squeeze %dma_start3A_57 : memref<1x80xi32, #tpu.memory_space<vmem>> -> memref<80xi32, #tpu.memory_space<vmem>>
        %dma_start3A_59 = arith.constant 0 : i32
        %dma_start3A_60 = arith.constant 0 : i32
        %dma_start3A_61 = tpu.memref_slice %arg8[%dma_start3A_59, %dma_start3A_60] : memref<10016x16xf32, #tpu.memory_space<vmem_shared>> -> memref<10016x16xf32, #tpu.memory_space<vmem_shared>>
        tpu.enqueue_indirect_dma source(%arg7 : memref<80x16xf32, #tpu.memory_space<vmem>>) target(%dma_start3A_61 : memref<10016x16xf32, #tpu.memory_space<vmem_shared>>) offsets(%dma_start3A_58 : memref<80xi32, #tpu.memory_space<vmem>>) semaphore(%arg9 : memref<!tpu.dma_semaphore, #tpu.memory_space<semaphore_mem>>) {add = true}
        %mul3A_62 = arith.constant 2 : i32
        %mul3A_63 = arith.muli %mul3A_62, %scan3A_41 : i32
        %add3A_64 = arith.constant 1 : i32
        %add3A_65 = arith.addi %mul3A_63, %add3A_64 : i32
        %sub3A_66 = arith.constant 2 : i32
        %sub3A_67 = arith.subi %add3A_65, %sub3A_66 : i32
        %dma_wait3A_68 = arith.constant 0 : i32
        %dma_wait3A_69 = tpu.memref_slice %arg6[%sub3A_67, %dma_wait3A_68] : memref<126x80xi32, #tpu.memory_space<vmem>> -> memref<1x80xi32, #tpu.memory_space<vmem>>
        %dma_wait3A_70 = tpu.memref_squeeze %dma_wait3A_69 : memref<1x80xi32, #tpu.memory_space<vmem>> -> memref<80xi32, #tpu.memory_space<vmem>>
        %dma_wait3A_71 = arith.constant 0 : i32
        %dma_wait3A_72 = arith.constant 0 : i32
        %dma_wait3A_73 = tpu.memref_slice %arg8[%dma_wait3A_71, %dma_wait3A_72] : memref<10016x16xf32, #tpu.memory_space<vmem_shared>> -> memref<10016x16xf32, #tpu.memory_space<vmem_shared>>
        tpu.wait_indirect_dma semaphore(%arg10 : memref<!tpu.dma_semaphore, #tpu.memory_space<semaphore_mem>>) src(%arg7 : memref<80x16xf32, #tpu.memory_space<vmem>>) dst(%dma_wait3A_73 : memref<10016x16xf32, #tpu.memory_space<vmem_shared>>)
        %dma_start3A_74 = arith.constant 0 : i32
        %dma_start3A_75 = tpu.memref_slice %arg6[%add3A_65, %dma_start3A_74] : memref<126x80xi32, #tpu.memory_space<vmem>> -> memref<1x80xi32, #tpu.memory_space<vmem>>
        %dma_start3A_76 = tpu.memref_squeeze %dma_start3A_75 : memref<1x80xi32, #tpu.memory_space<vmem>> -> memref<80xi32, #tpu.memory_space<vmem>>
        %dma_start3A_77 = arith.constant 0 : i32
        %dma_start3A_78 = arith.constant 0 : i32
        %dma_start3A_79 = tpu.memref_slice %arg8[%dma_start3A_77, %dma_start3A_78] : memref<10016x16xf32, #tpu.memory_space<vmem_shared>> -> memref<10016x16xf32, #tpu.memory_space<vmem_shared>>
        tpu.enqueue_indirect_dma source(%arg7 : memref<80x16xf32, #tpu.memory_space<vmem>>) target(%dma_start3A_79 : memref<10016x16xf32, #tpu.memory_space<vmem_shared>>) offsets(%dma_start3A_76 : memref<80xi32, #tpu.memory_space<vmem>>) semaphore(%arg10 : memref<!tpu.dma_semaphore, #tpu.memory_space<semaphore_mem>>) {add = true}
      } else {
      }
    }
    %scan3A_22 = arith.constant 62 : i32
    %dma_wait3A = arith.constant 0 : i32
    %dma_wait3A_23 = arith.constant 0 : i32
    %dma_wait3A_24 = tpu.memref_slice %arg6[%dma_wait3A, %dma_wait3A_23] : memref<126x80xi32, #tpu.memory_space<vmem>> -> memref<1x80xi32, #tpu.memory_space<vmem>>
    %dma_wait3A_25 = tpu.memref_squeeze %dma_wait3A_24 : memref<1x80xi32, #tpu.memory_space<vmem>> -> memref<80xi32, #tpu.memory_space<vmem>>
    %dma_wait3A_26 = arith.constant 0 : i32
    %dma_wait3A_27 = arith.constant 0 : i32
    %dma_wait3A_28 = tpu.memref_slice %arg8[%dma_wait3A_26, %dma_wait3A_27] : memref<10016x16xf32, #tpu.memory_space<vmem_shared>> -> memref<10016x16xf32, #tpu.memory_space<vmem_shared>>
    tpu.wait_indirect_dma semaphore(%arg9 : memref<!tpu.dma_semaphore, #tpu.memory_space<semaphore_mem>>) src(%arg7 : memref<80x16xf32, #tpu.memory_space<vmem>>) dst(%dma_wait3A_28 : memref<10016x16xf32, #tpu.memory_space<vmem_shared>>)
    %dma_wait3A_29 = arith.constant 1 : i32
    %dma_wait3A_30 = arith.constant 0 : i32
    %dma_wait3A_31 = tpu.memref_slice %arg6[%dma_wait3A_29, %dma_wait3A_30] : memref<126x80xi32, #tpu.memory_space<vmem>> -> memref<1x80xi32, #tpu.memory_space<vmem>>
    %dma_wait3A_32 = tpu.memref_squeeze %dma_wait3A_31 : memref<1x80xi32, #tpu.memory_space<vmem>> -> memref<80xi32, #tpu.memory_space<vmem>>
    %dma_wait3A_33 = arith.constant 0 : i32
    %dma_wait3A_34 = arith.constant 0 : i32
    %dma_wait3A_35 = tpu.memref_slice %arg8[%dma_wait3A_33, %dma_wait3A_34] : memref<10016x16xf32, #tpu.memory_space<vmem_shared>> -> memref<10016x16xf32, #tpu.memory_space<vmem_shared>>
    tpu.wait_indirect_dma semaphore(%arg10 : memref<!tpu.dma_semaphore, #tpu.memory_space<semaphore_mem>>) src(%arg7 : memref<80x16xf32, #tpu.memory_space<vmem>>) dst(%dma_wait3A_35 : memref<10016x16xf32, #tpu.memory_space<vmem_shared>>)
    %barrier3A_36 = arith.constant 0 : index
    tpu.barrier barrier_id(%barrier3A_36)
    %mul3A_37 = arith.constant 626 : i32
    %mul3A_38 = arith.muli %arg1, %mul3A_37 : i32
    %mul3A_39 = arith.constant 626 : i32
    %mul3A_40 = arith.muli %arg1, %mul3A_39 : i32
    "tpu.region"() ({
      %run_scoped3A = tpu.sem_alloc : memref<!tpu.dma_semaphore, #tpu.memory_space<semaphore_mem>>
      %dma_start3A_41 = arith.constant 0 : i32
      %dma_start3A_42 = tpu.memref_slice %arg5[%arg0, %mul3A_40, %dma_start3A_41] : memref<2x10016x16xf32, #tpu.memory_space<hbm>> -> memref<1x626x16xf32, #tpu.memory_space<hbm>>
      %dma_start3A_43 = tpu.memref_squeeze %dma_start3A_42 : memref<1x626x16xf32, #tpu.memory_space<hbm>> -> memref<626x16xf32, #tpu.memory_space<hbm>>
      %dma_start3A_44 = arith.constant 0 : i32
      %dma_start3A_45 = tpu.memref_slice %arg8[%mul3A_38, %dma_start3A_44] : memref<10016x16xf32, #tpu.memory_space<vmem_shared>> -> memref<626x16xf32, #tpu.memory_space<vmem_shared>>
      tpu.enqueue_dma source(%dma_start3A_45 : memref<626x16xf32, #tpu.memory_space<vmem_shared>>) target(%dma_start3A_43 : memref<626x16xf32, #tpu.memory_space<hbm>>) target_semaphore(%run_scoped3A : memref<!tpu.dma_semaphore, #tpu.memory_space<semaphore_mem>>)
      %dma_wait3A_46 = arith.constant 0 : i32
      %dma_wait3A_47 = tpu.memref_slice %arg5[%arg0, %mul3A_40, %dma_wait3A_46] : memref<2x10016x16xf32, #tpu.memory_space<hbm>> -> memref<1x626x16xf32, #tpu.memory_space<hbm>>
      %dma_wait3A_48 = tpu.memref_squeeze %dma_wait3A_47 : memref<1x626x16xf32, #tpu.memory_space<hbm>> -> memref<626x16xf32, #tpu.memory_space<hbm>>
      %dma_wait3A_49 = arith.constant 0 : i32
      %dma_wait3A_50 = tpu.memref_slice %arg8[%mul3A_38, %dma_wait3A_49] : memref<10016x16xf32, #tpu.memory_space<vmem_shared>> -> memref<626x16xf32, #tpu.memory_space<vmem_shared>>
      tpu.wait_dma2 semaphore(%run_scoped3A : memref<!tpu.dma_semaphore, #tpu.memory_space<semaphore_mem>>) src(%dma_wait3A_50 : memref<626x16xf32, #tpu.memory_space<vmem_shared>>) dst(%dma_wait3A_48 : memref<626x16xf32, #tpu.memory_space<hbm>>)
      tpu.yield
    }) : () -> ()
    return
  }
}

#map = affine_map<(d0, d1) -> (0, 0)>
#map1 = affine_map<(d0, d1) -> (0, 0, 0)>
module attributes {stable_mosaic.version = 14 : i64} {
  func.func @k(%arg0: i32, %arg1: i32, %arg2: memref<10000x128xf32, #tpu.memory_space<hbm>>, %arg3: memref<32x126x80xi32, #tpu.memory_space<hbm>>, %arg4: memref<32x126x80xi32, #tpu.memory_space<hbm>>, %arg5: memref<10016x128xf32, #tpu.memory_space<hbm>>, %arg6: memref<2x10016x128xf32, #tpu.memory_space<hbm>>, %arg7: memref<126x80xi32, #tpu.memory_space<vmem>>, %arg8: memref<126x80xi32, #tpu.memory_space<vmem>>, %arg9: memref<80x128xf32, #tpu.memory_space<vmem>>, %arg10: memref<80x128xf32, #tpu.memory_space<vmem>>, %arg11: memref<10016x128xf32, #tpu.memory_space<vmem_shared>>, %arg12: memref<!tpu.dma_semaphore, #tpu.memory_space<semaphore_mem>>, %arg13: memref<!tpu.dma_semaphore, #tpu.memory_space<semaphore_mem>>) attributes {dimension_semantics = [#tpu.dimension_semantics<core_parallel>, #tpu.dimension_semantics<subcore_parallel>], iteration_bounds = array<i64: 2, 16>, scalar_prefetch = 0 : i64, scratch_operands = 7 : i64, tpu.core_type = #tpu.core_type<sc_vector_subcore>, window_params = [{transform_indices = #map}, {transform_indices = #map1}, {transform_indices = #map1}, {transform_indices = #map}, {transform_indices = #map1}]} {
    %mul3A = arith.constant 16 : i32
    %mul3A_0 = arith.muli %arg0, %mul3A : i32
    %add3A = arith.addi %mul3A_0, %arg1 : i32
    "tpu.region"() ({
      %run_scoped3A_42 = tpu.sem_alloc : memref<!tpu.dma_semaphore, #tpu.memory_space<semaphore_mem>>
      %dma_start3A_43 = arith.constant 0 : i32
      %dma_start3A_44 = arith.constant 0 : i32
      %dma_start3A_45 = tpu.memref_slice %arg3[%add3A, %dma_start3A_43, %dma_start3A_44] : memref<32x126x80xi32, #tpu.memory_space<hbm>> -> memref<1x126x80xi32, #tpu.memory_space<hbm>>
      %dma_start3A_46 = tpu.memref_squeeze %dma_start3A_45 : memref<1x126x80xi32, #tpu.memory_space<hbm>> -> memref<126x80xi32, #tpu.memory_space<hbm>>
      %dma_start3A_47 = arith.constant 0 : i32
      %dma_start3A_48 = arith.constant 0 : i32
      %dma_start3A_49 = tpu.memref_slice %arg3[%add3A, %dma_start3A_47, %dma_start3A_48] : memref<32x126x80xi32, #tpu.memory_space<hbm>> -> memref<1x126x80xi32, #tpu.memory_space<hbm>>
      %dma_start3A_50 = tpu.memref_squeeze %dma_start3A_49 : memref<1x126x80xi32, #tpu.memory_space<hbm>> -> memref<126x80xi32, #tpu.memory_space<hbm>>
      tpu.enqueue_dma source(%dma_start3A_50 : memref<126x80xi32, #tpu.memory_space<hbm>>) target(%arg7 : memref<126x80xi32, #tpu.memory_space<vmem>>) target_semaphore(%run_scoped3A_42 : memref<!tpu.dma_semaphore, #tpu.memory_space<semaphore_mem>>)
      %dma_wait3A_51 = arith.constant 0 : i32
      %dma_wait3A_52 = arith.constant 0 : i32
      %dma_wait3A_53 = tpu.memref_slice %arg3[%add3A, %dma_wait3A_51, %dma_wait3A_52] : memref<32x126x80xi32, #tpu.memory_space<hbm>> -> memref<1x126x80xi32, #tpu.memory_space<hbm>>
      %dma_wait3A_54 = tpu.memref_squeeze %dma_wait3A_53 : memref<1x126x80xi32, #tpu.memory_space<hbm>> -> memref<126x80xi32, #tpu.memory_space<hbm>>
      %dma_wait3A_55 = arith.constant 0 : i32
      %dma_wait3A_56 = arith.constant 0 : i32
      %dma_wait3A_57 = tpu.memref_slice %arg3[%add3A, %dma_wait3A_55, %dma_wait3A_56] : memref<32x126x80xi32, #tpu.memory_space<hbm>> -> memref<1x126x80xi32, #tpu.memory_space<hbm>>
      %dma_wait3A_58 = tpu.memref_squeeze %dma_wait3A_57 : memref<1x126x80xi32, #tpu.memory_space<hbm>> -> memref<126x80xi32, #tpu.memory_space<hbm>>
      tpu.wait_dma2 semaphore(%run_scoped3A_42 : memref<!tpu.dma_semaphore, #tpu.memory_space<semaphore_mem>>) src(%dma_wait3A_58 : memref<126x80xi32, #tpu.memory_space<hbm>>) dst(%arg7 : memref<126x80xi32, #tpu.memory_space<vmem>>)
      tpu.yield
    }) : () -> ()
    "tpu.region"() ({
      %run_scoped3A_42 = tpu.sem_alloc : memref<!tpu.dma_semaphore, #tpu.memory_space<semaphore_mem>>
      %dma_start3A_43 = arith.constant 0 : i32
      %dma_start3A_44 = arith.constant 0 : i32
      %dma_start3A_45 = tpu.memref_slice %arg4[%add3A, %dma_start3A_43, %dma_start3A_44] : memref<32x126x80xi32, #tpu.memory_space<hbm>> -> memref<1x126x80xi32, #tpu.memory_space<hbm>>
      %dma_start3A_46 = tpu.memref_squeeze %dma_start3A_45 : memref<1x126x80xi32, #tpu.memory_space<hbm>> -> memref<126x80xi32, #tpu.memory_space<hbm>>
      %dma_start3A_47 = arith.constant 0 : i32
      %dma_start3A_48 = arith.constant 0 : i32
      %dma_start3A_49 = tpu.memref_slice %arg4[%add3A, %dma_start3A_47, %dma_start3A_48] : memref<32x126x80xi32, #tpu.memory_space<hbm>> -> memref<1x126x80xi32, #tpu.memory_space<hbm>>
      %dma_start3A_50 = tpu.memref_squeeze %dma_start3A_49 : memref<1x126x80xi32, #tpu.memory_space<hbm>> -> memref<126x80xi32, #tpu.memory_space<hbm>>
      tpu.enqueue_dma source(%dma_start3A_50 : memref<126x80xi32, #tpu.memory_space<hbm>>) target(%arg8 : memref<126x80xi32, #tpu.memory_space<vmem>>) target_semaphore(%run_scoped3A_42 : memref<!tpu.dma_semaphore, #tpu.memory_space<semaphore_mem>>)
      %dma_wait3A_51 = arith.constant 0 : i32
      %dma_wait3A_52 = arith.constant 0 : i32
      %dma_wait3A_53 = tpu.memref_slice %arg4[%add3A, %dma_wait3A_51, %dma_wait3A_52] : memref<32x126x80xi32, #tpu.memory_space<hbm>> -> memref<1x126x80xi32, #tpu.memory_space<hbm>>
      %dma_wait3A_54 = tpu.memref_squeeze %dma_wait3A_53 : memref<1x126x80xi32, #tpu.memory_space<hbm>> -> memref<126x80xi32, #tpu.memory_space<hbm>>
      %dma_wait3A_55 = arith.constant 0 : i32
      %dma_wait3A_56 = arith.constant 0 : i32
      %dma_wait3A_57 = tpu.memref_slice %arg4[%add3A, %dma_wait3A_55, %dma_wait3A_56] : memref<32x126x80xi32, #tpu.memory_space<hbm>> -> memref<1x126x80xi32, #tpu.memory_space<hbm>>
      %dma_wait3A_58 = tpu.memref_squeeze %dma_wait3A_57 : memref<1x126x80xi32, #tpu.memory_space<hbm>> -> memref<126x80xi32, #tpu.memory_space<hbm>>
      tpu.wait_dma2 semaphore(%run_scoped3A_42 : memref<!tpu.dma_semaphore, #tpu.memory_space<semaphore_mem>>) src(%dma_wait3A_58 : memref<126x80xi32, #tpu.memory_space<hbm>>) dst(%arg8 : memref<126x80xi32, #tpu.memory_space<vmem>>)
      tpu.yield
    }) : () -> ()
    %mul3A_1 = arith.constant 626 : i32
    %mul3A_2 = arith.muli %arg1, %mul3A_1 : i32
    %mul3A_3 = arith.constant 626 : i32
    %mul3A_4 = arith.muli %arg1, %mul3A_3 : i32
    "tpu.region"() ({
      %run_scoped3A_42 = tpu.sem_alloc : memref<!tpu.dma_semaphore, #tpu.memory_space<semaphore_mem>>
      %dma_start3A_43 = arith.constant 0 : i32
      %dma_start3A_44 = tpu.memref_slice %arg11[%mul3A_4, %dma_start3A_43] : memref<10016x128xf32, #tpu.memory_space<vmem_shared>> -> memref<626x128xf32, #tpu.memory_space<vmem_shared>>
      %dma_start3A_45 = arith.constant 0 : i32
      %dma_start3A_46 = tpu.memref_slice %arg5[%mul3A_2, %dma_start3A_45] : memref<10016x128xf32, #tpu.memory_space<hbm>> -> memref<626x128xf32, #tpu.memory_space<hbm>>
      tpu.enqueue_dma source(%dma_start3A_46 : memref<626x128xf32, #tpu.memory_space<hbm>>) target(%dma_start3A_44 : memref<626x128xf32, #tpu.memory_space<vmem_shared>>) target_semaphore(%run_scoped3A_42 : memref<!tpu.dma_semaphore, #tpu.memory_space<semaphore_mem>>)
      %dma_wait3A_47 = arith.constant 0 : i32
      %dma_wait3A_48 = tpu.memref_slice %arg11[%mul3A_4, %dma_wait3A_47] : memref<10016x128xf32, #tpu.memory_space<vmem_shared>> -> memref<626x128xf32, #tpu.memory_space<vmem_shared>>
      %dma_wait3A_49 = arith.constant 0 : i32
      %dma_wait3A_50 = tpu.memref_slice %arg5[%mul3A_2, %dma_wait3A_49] : memref<10016x128xf32, #tpu.memory_space<hbm>> -> memref<626x128xf32, #tpu.memory_space<hbm>>
      tpu.wait_dma2 semaphore(%run_scoped3A_42 : memref<!tpu.dma_semaphore, #tpu.memory_space<semaphore_mem>>) src(%dma_wait3A_50 : memref<626x128xf32, #tpu.memory_space<hbm>>) dst(%dma_wait3A_48 : memref<626x128xf32, #tpu.memory_space<vmem_shared>>)
      tpu.yield
    }) : () -> ()
    %barrier3A = arith.constant 0 : index
    tpu.barrier barrier_id(%barrier3A)
    %run_scoped3A = arith.constant 0 : i32
    "tpu.region"() ({
      %run_scoped3A_42 = tpu.sem_alloc : memref<!tpu.dma_semaphore, #tpu.memory_space<semaphore_mem>>
      %dma_start3A_43 = arith.constant 0 : i32
      %dma_start3A_44 = tpu.memref_slice %arg7[%run_scoped3A, %dma_start3A_43] : memref<126x80xi32, #tpu.memory_space<vmem>> -> memref<1x80xi32, #tpu.memory_space<vmem>>
      %dma_start3A_45 = tpu.memref_squeeze %dma_start3A_44 : memref<1x80xi32, #tpu.memory_space<vmem>> -> memref<80xi32, #tpu.memory_space<vmem>>
      %dma_start3A_46 = arith.constant 0 : i32
      %dma_start3A_47 = arith.constant 0 : i32
      %dma_start3A_48 = tpu.memref_slice %arg2[%dma_start3A_46, %dma_start3A_47] : memref<10000x128xf32, #tpu.memory_space<hbm>> -> memref<10000x128xf32, #tpu.memory_space<hbm>>
      tpu.enqueue_indirect_dma source(%dma_start3A_48 : memref<10000x128xf32, #tpu.memory_space<hbm>>) target(%arg9 : memref<80x128xf32, #tpu.memory_space<vmem>>) offsets(%dma_start3A_45 : memref<80xi32, #tpu.memory_space<vmem>>) semaphore(%run_scoped3A_42 : memref<!tpu.dma_semaphore, #tpu.memory_space<semaphore_mem>>)
      %dma_wait3A_49 = arith.constant 0 : i32
      %dma_wait3A_50 = tpu.memref_slice %arg7[%run_scoped3A, %dma_wait3A_49] : memref<126x80xi32, #tpu.memory_space<vmem>> -> memref<1x80xi32, #tpu.memory_space<vmem>>
      %dma_wait3A_51 = tpu.memref_squeeze %dma_wait3A_50 : memref<1x80xi32, #tpu.memory_space<vmem>> -> memref<80xi32, #tpu.memory_space<vmem>>
      %dma_wait3A_52 = arith.constant 0 : i32
      %dma_wait3A_53 = arith.constant 0 : i32
      %dma_wait3A_54 = tpu.memref_slice %arg2[%dma_wait3A_52, %dma_wait3A_53] : memref<10000x128xf32, #tpu.memory_space<hbm>> -> memref<10000x128xf32, #tpu.memory_space<hbm>>
      tpu.wait_indirect_dma semaphore(%run_scoped3A_42 : memref<!tpu.dma_semaphore, #tpu.memory_space<semaphore_mem>>) src(%dma_wait3A_54 : memref<10000x128xf32, #tpu.memory_space<hbm>>) dst(%arg9 : memref<80x128xf32, #tpu.memory_space<vmem>>)
      tpu.yield
    }) : () -> ()
    %dma_start3A = arith.constant 0 : i32
    %dma_start3A_5 = arith.constant 0 : i32
    %dma_start3A_6 = tpu.memref_slice %arg8[%dma_start3A, %dma_start3A_5] : memref<126x80xi32, #tpu.memory_space<vmem>> -> memref<1x80xi32, #tpu.memory_space<vmem>>
    %dma_start3A_7 = tpu.memref_squeeze %dma_start3A_6 : memref<1x80xi32, #tpu.memory_space<vmem>> -> memref<80xi32, #tpu.memory_space<vmem>>
    %dma_start3A_8 = arith.constant 0 : i32
    %dma_start3A_9 = arith.constant 0 : i32
    %dma_start3A_10 = tpu.memref_slice %arg11[%dma_start3A_8, %dma_start3A_9] : memref<10016x128xf32, #tpu.memory_space<vmem_shared>> -> memref<10016x128xf32, #tpu.memory_space<vmem_shared>>
    tpu.enqueue_indirect_dma source(%arg9 : memref<80x128xf32, #tpu.memory_space<vmem>>) target(%dma_start3A_10 : memref<10016x128xf32, #tpu.memory_space<vmem_shared>>) offsets(%dma_start3A_7 : memref<80xi32, #tpu.memory_space<vmem>>) semaphore(%arg12 : memref<!tpu.dma_semaphore, #tpu.memory_space<semaphore_mem>>) {add = true}
    %run_scoped3A_11 = arith.constant 1 : i32
    "tpu.region"() ({
      %run_scoped3A_42 = tpu.sem_alloc : memref<!tpu.dma_semaphore, #tpu.memory_space<semaphore_mem>>
      %dma_start3A_43 = arith.constant 0 : i32
      %dma_start3A_44 = tpu.memref_slice %arg7[%run_scoped3A_11, %dma_start3A_43] : memref<126x80xi32, #tpu.memory_space<vmem>> -> memref<1x80xi32, #tpu.memory_space<vmem>>
      %dma_start3A_45 = tpu.memref_squeeze %dma_start3A_44 : memref<1x80xi32, #tpu.memory_space<vmem>> -> memref<80xi32, #tpu.memory_space<vmem>>
      %dma_start3A_46 = arith.constant 0 : i32
      %dma_start3A_47 = arith.constant 0 : i32
      %dma_start3A_48 = tpu.memref_slice %arg2[%dma_start3A_46, %dma_start3A_47] : memref<10000x128xf32, #tpu.memory_space<hbm>> -> memref<10000x128xf32, #tpu.memory_space<hbm>>
      tpu.enqueue_indirect_dma source(%dma_start3A_48 : memref<10000x128xf32, #tpu.memory_space<hbm>>) target(%arg10 : memref<80x128xf32, #tpu.memory_space<vmem>>) offsets(%dma_start3A_45 : memref<80xi32, #tpu.memory_space<vmem>>) semaphore(%run_scoped3A_42 : memref<!tpu.dma_semaphore, #tpu.memory_space<semaphore_mem>>)
      %dma_wait3A_49 = arith.constant 0 : i32
      %dma_wait3A_50 = tpu.memref_slice %arg7[%run_scoped3A_11, %dma_wait3A_49] : memref<126x80xi32, #tpu.memory_space<vmem>> -> memref<1x80xi32, #tpu.memory_space<vmem>>
      %dma_wait3A_51 = tpu.memref_squeeze %dma_wait3A_50 : memref<1x80xi32, #tpu.memory_space<vmem>> -> memref<80xi32, #tpu.memory_space<vmem>>
      %dma_wait3A_52 = arith.constant 0 : i32
      %dma_wait3A_53 = arith.constant 0 : i32
      %dma_wait3A_54 = tpu.memref_slice %arg2[%dma_wait3A_52, %dma_wait3A_53] : memref<10000x128xf32, #tpu.memory_space<hbm>> -> memref<10000x128xf32, #tpu.memory_space<hbm>>
      tpu.wait_indirect_dma semaphore(%run_scoped3A_42 : memref<!tpu.dma_semaphore, #tpu.memory_space<semaphore_mem>>) src(%dma_wait3A_54 : memref<10000x128xf32, #tpu.memory_space<hbm>>) dst(%arg10 : memref<80x128xf32, #tpu.memory_space<vmem>>)
      tpu.yield
    }) : () -> ()
    %dma_start3A_12 = arith.constant 1 : i32
    %dma_start3A_13 = arith.constant 0 : i32
    %dma_start3A_14 = tpu.memref_slice %arg8[%dma_start3A_12, %dma_start3A_13] : memref<126x80xi32, #tpu.memory_space<vmem>> -> memref<1x80xi32, #tpu.memory_space<vmem>>
    %dma_start3A_15 = tpu.memref_squeeze %dma_start3A_14 : memref<1x80xi32, #tpu.memory_space<vmem>> -> memref<80xi32, #tpu.memory_space<vmem>>
    %dma_start3A_16 = arith.constant 0 : i32
    %dma_start3A_17 = arith.constant 0 : i32
    %dma_start3A_18 = tpu.memref_slice %arg11[%dma_start3A_16, %dma_start3A_17] : memref<10016x128xf32, #tpu.memory_space<vmem_shared>> -> memref<10016x128xf32, #tpu.memory_space<vmem_shared>>
    tpu.enqueue_indirect_dma source(%arg10 : memref<80x128xf32, #tpu.memory_space<vmem>>) target(%dma_start3A_18 : memref<10016x128xf32, #tpu.memory_space<vmem_shared>>) offsets(%dma_start3A_15 : memref<80xi32, #tpu.memory_space<vmem>>) semaphore(%arg13 : memref<!tpu.dma_semaphore, #tpu.memory_space<semaphore_mem>>) {add = true}
    %scan3A = arith.constant 0 : i32
    %scan3A_19 = arith.constant 1 : i32
    %scan3A_20 = arith.constant 62 : i32
    %scan3A_21 = arith.addi %scan3A_19, %scan3A_20 : i32
    %scan3A_22 = arith.constant 1 : i32
    scf.for %scan3A_42 = %scan3A_19 to %scan3A_21 step %scan3A_22  : i32 {
      %eq3A = arith.constant 1 : i32
      %eq3A_43 = arith.cmpi eq, %arg0, %eq3A : i32
      %lt3A = arith.constant 62 : i32
      %lt3A_44 = arith.cmpi slt, %scan3A_42, %lt3A : i32
      %or3A = arith.ori %eq3A_43, %lt3A_44 : i1
      %convert_element_type3A = arith.extui %or3A : i1 to i32
      %cond3A = arith.constant 0 : i32
      %cond3A_45 = arith.cmpi ne, %convert_element_type3A, %cond3A : i32
      scf.if %cond3A_45 {
        %mul3A_46 = arith.constant 2 : i32
        %mul3A_47 = arith.muli %mul3A_46, %scan3A_42 : i32
        %sub3A = arith.constant 2 : i32
        %sub3A_48 = arith.subi %mul3A_47, %sub3A : i32
        %dma_wait3A_49 = arith.constant 0 : i32
        %dma_wait3A_50 = tpu.memref_slice %arg8[%sub3A_48, %dma_wait3A_49] : memref<126x80xi32, #tpu.memory_space<vmem>> -> memref<1x80xi32, #tpu.memory_space<vmem>>
        %dma_wait3A_51 = tpu.memref_squeeze %dma_wait3A_50 : memref<1x80xi32, #tpu.memory_space<vmem>> -> memref<80xi32, #tpu.memory_space<vmem>>
        %dma_wait3A_52 = arith.constant 0 : i32
        %dma_wait3A_53 = arith.constant 0 : i32
        %dma_wait3A_54 = tpu.memref_slice %arg11[%dma_wait3A_52, %dma_wait3A_53] : memref<10016x128xf32, #tpu.memory_space<vmem_shared>> -> memref<10016x128xf32, #tpu.memory_space<vmem_shared>>
        tpu.wait_indirect_dma semaphore(%arg12 : memref<!tpu.dma_semaphore, #tpu.memory_space<semaphore_mem>>) src(%arg9 : memref<80x128xf32, #tpu.memory_space<vmem>>) dst(%dma_wait3A_54 : memref<10016x128xf32, #tpu.memory_space<vmem_shared>>)
        "tpu.region"() ({
          %run_scoped3A_79 = tpu.sem_alloc : memref<!tpu.dma_semaphore, #tpu.memory_space<semaphore_mem>>
          %dma_start3A_80 = arith.constant 0 : i32
          %dma_start3A_81 = tpu.memref_slice %arg7[%mul3A_47, %dma_start3A_80] : memref<126x80xi32, #tpu.memory_space<vmem>> -> memref<1x80xi32, #tpu.memory_space<vmem>>
          %dma_start3A_82 = tpu.memref_squeeze %dma_start3A_81 : memref<1x80xi32, #tpu.memory_space<vmem>> -> memref<80xi32, #tpu.memory_space<vmem>>
          %dma_start3A_83 = arith.constant 0 : i32
          %dma_start3A_84 = arith.constant 0 : i32
          %dma_start3A_85 = tpu.memref_slice %arg2[%dma_start3A_83, %dma_start3A_84] : memref<10000x128xf32, #tpu.memory_space<hbm>> -> memref<10000x128xf32, #tpu.memory_space<hbm>>
          tpu.enqueue_indirect_dma source(%dma_start3A_85 : memref<10000x128xf32, #tpu.memory_space<hbm>>) target(%arg9 : memref<80x128xf32, #tpu.memory_space<vmem>>) offsets(%dma_start3A_82 : memref<80xi32, #tpu.memory_space<vmem>>) semaphore(%run_scoped3A_79 : memref<!tpu.dma_semaphore, #tpu.memory_space<semaphore_mem>>)
          %dma_wait3A_86 = arith.constant 0 : i32
          %dma_wait3A_87 = tpu.memref_slice %arg7[%mul3A_47, %dma_wait3A_86] : memref<126x80xi32, #tpu.memory_space<vmem>> -> memref<1x80xi32, #tpu.memory_space<vmem>>
          %dma_wait3A_88 = tpu.memref_squeeze %dma_wait3A_87 : memref<1x80xi32, #tpu.memory_space<vmem>> -> memref<80xi32, #tpu.memory_space<vmem>>
          %dma_wait3A_89 = arith.constant 0 : i32
          %dma_wait3A_90 = arith.constant 0 : i32
          %dma_wait3A_91 = tpu.memref_slice %arg2[%dma_wait3A_89, %dma_wait3A_90] : memref<10000x128xf32, #tpu.memory_space<hbm>> -> memref<10000x128xf32, #tpu.memory_space<hbm>>
          tpu.wait_indirect_dma semaphore(%run_scoped3A_79 : memref<!tpu.dma_semaphore, #tpu.memory_space<semaphore_mem>>) src(%dma_wait3A_91 : memref<10000x128xf32, #tpu.memory_space<hbm>>) dst(%arg9 : memref<80x128xf32, #tpu.memory_space<vmem>>)
          tpu.yield
        }) : () -> ()
        %dma_start3A_55 = arith.constant 0 : i32
        %dma_start3A_56 = tpu.memref_slice %arg8[%mul3A_47, %dma_start3A_55] : memref<126x80xi32, #tpu.memory_space<vmem>> -> memref<1x80xi32, #tpu.memory_space<vmem>>
        %dma_start3A_57 = tpu.memref_squeeze %dma_start3A_56 : memref<1x80xi32, #tpu.memory_space<vmem>> -> memref<80xi32, #tpu.memory_space<vmem>>
        %dma_start3A_58 = arith.constant 0 : i32
        %dma_start3A_59 = arith.constant 0 : i32
        %dma_start3A_60 = tpu.memref_slice %arg11[%dma_start3A_58, %dma_start3A_59] : memref<10016x128xf32, #tpu.memory_space<vmem_shared>> -> memref<10016x128xf32, #tpu.memory_space<vmem_shared>>
        tpu.enqueue_indirect_dma source(%arg9 : memref<80x128xf32, #tpu.memory_space<vmem>>) target(%dma_start3A_60 : memref<10016x128xf32, #tpu.memory_space<vmem_shared>>) offsets(%dma_start3A_57 : memref<80xi32, #tpu.memory_space<vmem>>) semaphore(%arg12 : memref<!tpu.dma_semaphore, #tpu.memory_space<semaphore_mem>>) {add = true}
        %mul3A_61 = arith.constant 2 : i32
        %mul3A_62 = arith.muli %mul3A_61, %scan3A_42 : i32
        %add3A_63 = arith.constant 1 : i32
        %add3A_64 = arith.addi %mul3A_62, %add3A_63 : i32
        %sub3A_65 = arith.constant 2 : i32
        %sub3A_66 = arith.subi %add3A_64, %sub3A_65 : i32
        %dma_wait3A_67 = arith.constant 0 : i32
        %dma_wait3A_68 = tpu.memref_slice %arg8[%sub3A_66, %dma_wait3A_67] : memref<126x80xi32, #tpu.memory_space<vmem>> -> memref<1x80xi32, #tpu.memory_space<vmem>>
        %dma_wait3A_69 = tpu.memref_squeeze %dma_wait3A_68 : memref<1x80xi32, #tpu.memory_space<vmem>> -> memref<80xi32, #tpu.memory_space<vmem>>
        %dma_wait3A_70 = arith.constant 0 : i32
        %dma_wait3A_71 = arith.constant 0 : i32
        %dma_wait3A_72 = tpu.memref_slice %arg11[%dma_wait3A_70, %dma_wait3A_71] : memref<10016x128xf32, #tpu.memory_space<vmem_shared>> -> memref<10016x128xf32, #tpu.memory_space<vmem_shared>>
        tpu.wait_indirect_dma semaphore(%arg13 : memref<!tpu.dma_semaphore, #tpu.memory_space<semaphore_mem>>) src(%arg10 : memref<80x128xf32, #tpu.memory_space<vmem>>) dst(%dma_wait3A_72 : memref<10016x128xf32, #tpu.memory_space<vmem_shared>>)
        "tpu.region"() ({
          %run_scoped3A_79 = tpu.sem_alloc : memref<!tpu.dma_semaphore, #tpu.memory_space<semaphore_mem>>
          %dma_start3A_80 = arith.constant 0 : i32
          %dma_start3A_81 = tpu.memref_slice %arg7[%add3A_64, %dma_start3A_80] : memref<126x80xi32, #tpu.memory_space<vmem>> -> memref<1x80xi32, #tpu.memory_space<vmem>>
          %dma_start3A_82 = tpu.memref_squeeze %dma_start3A_81 : memref<1x80xi32, #tpu.memory_space<vmem>> -> memref<80xi32, #tpu.memory_space<vmem>>
          %dma_start3A_83 = arith.constant 0 : i32
          %dma_start3A_84 = arith.constant 0 : i32
          %dma_start3A_85 = tpu.memref_slice %arg2[%dma_start3A_83, %dma_start3A_84] : memref<10000x128xf32, #tpu.memory_space<hbm>> -> memref<10000x128xf32, #tpu.memory_space<hbm>>
          tpu.enqueue_indirect_dma source(%dma_start3A_85 : memref<10000x128xf32, #tpu.memory_space<hbm>>) target(%arg10 : memref<80x128xf32, #tpu.memory_space<vmem>>) offsets(%dma_start3A_82 : memref<80xi32, #tpu.memory_space<vmem>>) semaphore(%run_scoped3A_79 : memref<!tpu.dma_semaphore, #tpu.memory_space<semaphore_mem>>)
          %dma_wait3A_86 = arith.constant 0 : i32
          %dma_wait3A_87 = tpu.memref_slice %arg7[%add3A_64, %dma_wait3A_86] : memref<126x80xi32, #tpu.memory_space<vmem>> -> memref<1x80xi32, #tpu.memory_space<vmem>>
          %dma_wait3A_88 = tpu.memref_squeeze %dma_wait3A_87 : memref<1x80xi32, #tpu.memory_space<vmem>> -> memref<80xi32, #tpu.memory_space<vmem>>
          %dma_wait3A_89 = arith.constant 0 : i32
          %dma_wait3A_90 = arith.constant 0 : i32
          %dma_wait3A_91 = tpu.memref_slice %arg2[%dma_wait3A_89, %dma_wait3A_90] : memref<10000x128xf32, #tpu.memory_space<hbm>> -> memref<10000x128xf32, #tpu.memory_space<hbm>>
          tpu.wait_indirect_dma semaphore(%run_scoped3A_79 : memref<!tpu.dma_semaphore, #tpu.memory_space<semaphore_mem>>) src(%dma_wait3A_91 : memref<10000x128xf32, #tpu.memory_space<hbm>>) dst(%arg10 : memref<80x128xf32, #tpu.memory_space<vmem>>)
          tpu.yield
        }) : () -> ()
        %dma_start3A_73 = arith.constant 0 : i32
        %dma_start3A_74 = tpu.memref_slice %arg8[%add3A_64, %dma_start3A_73] : memref<126x80xi32, #tpu.memory_space<vmem>> -> memref<1x80xi32, #tpu.memory_space<vmem>>
        %dma_start3A_75 = tpu.memref_squeeze %dma_start3A_74 : memref<1x80xi32, #tpu.memory_space<vmem>> -> memref<80xi32, #tpu.memory_space<vmem>>
        %dma_start3A_76 = arith.constant 0 : i32
        %dma_start3A_77 = arith.constant 0 : i32
        %dma_start3A_78 = tpu.memref_slice %arg11[%dma_start3A_76, %dma_start3A_77] : memref<10016x128xf32, #tpu.memory_space<vmem_shared>> -> memref<10016x128xf32, #tpu.memory_space<vmem_shared>>
        tpu.enqueue_indirect_dma source(%arg10 : memref<80x128xf32, #tpu.memory_space<vmem>>) target(%dma_start3A_78 : memref<10016x128xf32, #tpu.memory_space<vmem_shared>>) offsets(%dma_start3A_75 : memref<80xi32, #tpu.memory_space<vmem>>) semaphore(%arg13 : memref<!tpu.dma_semaphore, #tpu.memory_space<semaphore_mem>>) {add = true}
      } else {
      }
    }
    %scan3A_23 = arith.constant 62 : i32
    %dma_wait3A = arith.constant 0 : i32
    %dma_wait3A_24 = arith.constant 0 : i32
    %dma_wait3A_25 = tpu.memref_slice %arg8[%dma_wait3A, %dma_wait3A_24] : memref<126x80xi32, #tpu.memory_space<vmem>> -> memref<1x80xi32, #tpu.memory_space<vmem>>
    %dma_wait3A_26 = tpu.memref_squeeze %dma_wait3A_25 : memref<1x80xi32, #tpu.memory_space<vmem>> -> memref<80xi32, #tpu.memory_space<vmem>>
    %dma_wait3A_27 = arith.constant 0 : i32
    %dma_wait3A_28 = arith.constant 0 : i32
    %dma_wait3A_29 = tpu.memref_slice %arg11[%dma_wait3A_27, %dma_wait3A_28] : memref<10016x128xf32, #tpu.memory_space<vmem_shared>> -> memref<10016x128xf32, #tpu.memory_space<vmem_shared>>
    tpu.wait_indirect_dma semaphore(%arg12 : memref<!tpu.dma_semaphore, #tpu.memory_space<semaphore_mem>>) src(%arg9 : memref<80x128xf32, #tpu.memory_space<vmem>>) dst(%dma_wait3A_29 : memref<10016x128xf32, #tpu.memory_space<vmem_shared>>)
    %dma_wait3A_30 = arith.constant 1 : i32
    %dma_wait3A_31 = arith.constant 0 : i32
    %dma_wait3A_32 = tpu.memref_slice %arg8[%dma_wait3A_30, %dma_wait3A_31] : memref<126x80xi32, #tpu.memory_space<vmem>> -> memref<1x80xi32, #tpu.memory_space<vmem>>
    %dma_wait3A_33 = tpu.memref_squeeze %dma_wait3A_32 : memref<1x80xi32, #tpu.memory_space<vmem>> -> memref<80xi32, #tpu.memory_space<vmem>>
    %dma_wait3A_34 = arith.constant 0 : i32
    %dma_wait3A_35 = arith.constant 0 : i32
    %dma_wait3A_36 = tpu.memref_slice %arg11[%dma_wait3A_34, %dma_wait3A_35] : memref<10016x128xf32, #tpu.memory_space<vmem_shared>> -> memref<10016x128xf32, #tpu.memory_space<vmem_shared>>
    tpu.wait_indirect_dma semaphore(%arg13 : memref<!tpu.dma_semaphore, #tpu.memory_space<semaphore_mem>>) src(%arg10 : memref<80x128xf32, #tpu.memory_space<vmem>>) dst(%dma_wait3A_36 : memref<10016x128xf32, #tpu.memory_space<vmem_shared>>)
    %barrier3A_37 = arith.constant 0 : index
    tpu.barrier barrier_id(%barrier3A_37)
    %mul3A_38 = arith.constant 626 : i32
    %mul3A_39 = arith.muli %arg1, %mul3A_38 : i32
    %mul3A_40 = arith.constant 626 : i32
    %mul3A_41 = arith.muli %arg1, %mul3A_40 : i32
    "tpu.region"() ({
      %run_scoped3A_42 = tpu.sem_alloc : memref<!tpu.dma_semaphore, #tpu.memory_space<semaphore_mem>>
      %dma_start3A_43 = arith.constant 0 : i32
      %dma_start3A_44 = tpu.memref_slice %arg6[%arg0, %mul3A_41, %dma_start3A_43] : memref<2x10016x128xf32, #tpu.memory_space<hbm>> -> memref<1x626x128xf32, #tpu.memory_space<hbm>>
      %dma_start3A_45 = tpu.memref_squeeze %dma_start3A_44 : memref<1x626x128xf32, #tpu.memory_space<hbm>> -> memref<626x128xf32, #tpu.memory_space<hbm>>
      %dma_start3A_46 = arith.constant 0 : i32
      %dma_start3A_47 = tpu.memref_slice %arg11[%mul3A_39, %dma_start3A_46] : memref<10016x128xf32, #tpu.memory_space<vmem_shared>> -> memref<626x128xf32, #tpu.memory_space<vmem_shared>>
      tpu.enqueue_dma source(%dma_start3A_47 : memref<626x128xf32, #tpu.memory_space<vmem_shared>>) target(%dma_start3A_45 : memref<626x128xf32, #tpu.memory_space<hbm>>) target_semaphore(%run_scoped3A_42 : memref<!tpu.dma_semaphore, #tpu.memory_space<semaphore_mem>>)
      %dma_wait3A_48 = arith.constant 0 : i32
      %dma_wait3A_49 = tpu.memref_slice %arg6[%arg0, %mul3A_41, %dma_wait3A_48] : memref<2x10016x128xf32, #tpu.memory_space<hbm>> -> memref<1x626x128xf32, #tpu.memory_space<hbm>>
      %dma_wait3A_50 = tpu.memref_squeeze %dma_wait3A_49 : memref<1x626x128xf32, #tpu.memory_space<hbm>> -> memref<626x128xf32, #tpu.memory_space<hbm>>
      %dma_wait3A_51 = arith.constant 0 : i32
      %dma_wait3A_52 = tpu.memref_slice %arg11[%mul3A_39, %dma_wait3A_51] : memref<10016x128xf32, #tpu.memory_space<vmem_shared>> -> memref<626x128xf32, #tpu.memory_space<vmem_shared>>
      tpu.wait_dma2 semaphore(%run_scoped3A_42 : memref<!tpu.dma_semaphore, #tpu.memory_space<semaphore_mem>>) src(%dma_wait3A_52 : memref<626x128xf32, #tpu.memory_space<vmem_shared>>) dst(%dma_wait3A_50 : memref<626x128xf32, #tpu.memory_space<hbm>>)
      tpu.yield
    }) : () -> ()
    return
  }
}

#map = affine_map<(d0, d1) -> (0, 0)>
#map1 = affine_map<(d0, d1) -> (0, 0, 0)>
module attributes {stable_mosaic.version = 14 : i64} {
  func.func @k(%arg0: i32, %arg1: i32, %arg2: memref<10000x128xf32, #tpu.memory_space<hbm>>, %arg3: memref<32x126x80xi32, #tpu.memory_space<hbm>>, %arg4: memref<32x126x80xi32, #tpu.memory_space<hbm>>, %arg5: memref<10016x128xf32, #tpu.memory_space<hbm>>, %arg6: memref<2x10016x128xf32, #tpu.memory_space<hbm>>, %arg7: memref<126x80xi32, #tpu.memory_space<vmem>>, %arg8: memref<126x80xi32, #tpu.memory_space<vmem>>, %arg9: memref<80x128xf32, #tpu.memory_space<vmem>>, %arg10: memref<80x128xf32, #tpu.memory_space<vmem>>, %arg11: memref<10016x128xf32, #tpu.memory_space<vmem_shared>>, %arg12: memref<!tpu.dma_semaphore, #tpu.memory_space<semaphore_mem>>, %arg13: memref<!tpu.dma_semaphore, #tpu.memory_space<semaphore_mem>>) attributes {dimension_semantics = [#tpu.dimension_semantics<core_parallel>, #tpu.dimension_semantics<subcore_parallel>], iteration_bounds = array<i64: 2, 16>, scalar_prefetch = 0 : i64, scratch_operands = 7 : i64, tpu.core_type = #tpu.core_type<sc_vector_subcore>, window_params = [{transform_indices = #map}, {transform_indices = #map1}, {transform_indices = #map1}, {transform_indices = #map}, {transform_indices = #map1}]} {
    %mul3A = arith.constant 16 : i32
    %mul3A_0 = arith.muli %arg0, %mul3A : i32
    %add3A = arith.addi %mul3A_0, %arg1 : i32
    "tpu.region"() ({
      %run_scoped3A_42 = tpu.sem_alloc : memref<!tpu.dma_semaphore, #tpu.memory_space<semaphore_mem>>
      %dma_start3A_43 = arith.constant 0 : i32
      %dma_start3A_44 = arith.constant 0 : i32
      %dma_start3A_45 = tpu.memref_slice %arg3[%add3A, %dma_start3A_43, %dma_start3A_44] : memref<32x126x80xi32, #tpu.memory_space<hbm>> -> memref<1x126x80xi32, #tpu.memory_space<hbm>>
      %dma_start3A_46 = tpu.memref_squeeze %dma_start3A_45 : memref<1x126x80xi32, #tpu.memory_space<hbm>> -> memref<126x80xi32, #tpu.memory_space<hbm>>
      %dma_start3A_47 = arith.constant 0 : i32
      %dma_start3A_48 = arith.constant 0 : i32
      %dma_start3A_49 = tpu.memref_slice %arg3[%add3A, %dma_start3A_47, %dma_start3A_48] : memref<32x126x80xi32, #tpu.memory_space<hbm>> -> memref<1x126x80xi32, #tpu.memory_space<hbm>>
      %dma_start3A_50 = tpu.memref_squeeze %dma_start3A_49 : memref<1x126x80xi32, #tpu.memory_space<hbm>> -> memref<126x80xi32, #tpu.memory_space<hbm>>
      tpu.enqueue_dma source(%dma_start3A_50 : memref<126x80xi32, #tpu.memory_space<hbm>>) target(%arg7 : memref<126x80xi32, #tpu.memory_space<vmem>>) target_semaphore(%run_scoped3A_42 : memref<!tpu.dma_semaphore, #tpu.memory_space<semaphore_mem>>)
      %dma_wait3A_51 = arith.constant 0 : i32
      %dma_wait3A_52 = arith.constant 0 : i32
      %dma_wait3A_53 = tpu.memref_slice %arg3[%add3A, %dma_wait3A_51, %dma_wait3A_52] : memref<32x126x80xi32, #tpu.memory_space<hbm>> -> memref<1x126x80xi32, #tpu.memory_space<hbm>>
      %dma_wait3A_54 = tpu.memref_squeeze %dma_wait3A_53 : memref<1x126x80xi32, #tpu.memory_space<hbm>> -> memref<126x80xi32, #tpu.memory_space<hbm>>
      %dma_wait3A_55 = arith.constant 0 : i32
      %dma_wait3A_56 = arith.constant 0 : i32
      %dma_wait3A_57 = tpu.memref_slice %arg3[%add3A, %dma_wait3A_55, %dma_wait3A_56] : memref<32x126x80xi32, #tpu.memory_space<hbm>> -> memref<1x126x80xi32, #tpu.memory_space<hbm>>
      %dma_wait3A_58 = tpu.memref_squeeze %dma_wait3A_57 : memref<1x126x80xi32, #tpu.memory_space<hbm>> -> memref<126x80xi32, #tpu.memory_space<hbm>>
      tpu.wait_dma2 semaphore(%run_scoped3A_42 : memref<!tpu.dma_semaphore, #tpu.memory_space<semaphore_mem>>) src(%dma_wait3A_58 : memref<126x80xi32, #tpu.memory_space<hbm>>) dst(%arg7 : memref<126x80xi32, #tpu.memory_space<vmem>>)
      tpu.yield
    }) : () -> ()
    "tpu.region"() ({
      %run_scoped3A_42 = tpu.sem_alloc : memref<!tpu.dma_semaphore, #tpu.memory_space<semaphore_mem>>
      %dma_start3A_43 = arith.constant 0 : i32
      %dma_start3A_44 = arith.constant 0 : i32
      %dma_start3A_45 = tpu.memref_slice %arg4[%add3A, %dma_start3A_43, %dma_start3A_44] : memref<32x126x80xi32, #tpu.memory_space<hbm>> -> memref<1x126x80xi32, #tpu.memory_space<hbm>>
      %dma_start3A_46 = tpu.memref_squeeze %dma_start3A_45 : memref<1x126x80xi32, #tpu.memory_space<hbm>> -> memref<126x80xi32, #tpu.memory_space<hbm>>
      %dma_start3A_47 = arith.constant 0 : i32
      %dma_start3A_48 = arith.constant 0 : i32
      %dma_start3A_49 = tpu.memref_slice %arg4[%add3A, %dma_start3A_47, %dma_start3A_48] : memref<32x126x80xi32, #tpu.memory_space<hbm>> -> memref<1x126x80xi32, #tpu.memory_space<hbm>>
      %dma_start3A_50 = tpu.memref_squeeze %dma_start3A_49 : memref<1x126x80xi32, #tpu.memory_space<hbm>> -> memref<126x80xi32, #tpu.memory_space<hbm>>
      tpu.enqueue_dma source(%dma_start3A_50 : memref<126x80xi32, #tpu.memory_space<hbm>>) target(%arg8 : memref<126x80xi32, #tpu.memory_space<vmem>>) target_semaphore(%run_scoped3A_42 : memref<!tpu.dma_semaphore, #tpu.memory_space<semaphore_mem>>)
      %dma_wait3A_51 = arith.constant 0 : i32
      %dma_wait3A_52 = arith.constant 0 : i32
      %dma_wait3A_53 = tpu.memref_slice %arg4[%add3A, %dma_wait3A_51, %dma_wait3A_52] : memref<32x126x80xi32, #tpu.memory_space<hbm>> -> memref<1x126x80xi32, #tpu.memory_space<hbm>>
      %dma_wait3A_54 = tpu.memref_squeeze %dma_wait3A_53 : memref<1x126x80xi32, #tpu.memory_space<hbm>> -> memref<126x80xi32, #tpu.memory_space<hbm>>
      %dma_wait3A_55 = arith.constant 0 : i32
      %dma_wait3A_56 = arith.constant 0 : i32
      %dma_wait3A_57 = tpu.memref_slice %arg4[%add3A, %dma_wait3A_55, %dma_wait3A_56] : memref<32x126x80xi32, #tpu.memory_space<hbm>> -> memref<1x126x80xi32, #tpu.memory_space<hbm>>
      %dma_wait3A_58 = tpu.memref_squeeze %dma_wait3A_57 : memref<1x126x80xi32, #tpu.memory_space<hbm>> -> memref<126x80xi32, #tpu.memory_space<hbm>>
      tpu.wait_dma2 semaphore(%run_scoped3A_42 : memref<!tpu.dma_semaphore, #tpu.memory_space<semaphore_mem>>) src(%dma_wait3A_58 : memref<126x80xi32, #tpu.memory_space<hbm>>) dst(%arg8 : memref<126x80xi32, #tpu.memory_space<vmem>>)
      tpu.yield
    }) : () -> ()
    %mul3A_1 = arith.constant 626 : i32
    %mul3A_2 = arith.muli %arg1, %mul3A_1 : i32
    %mul3A_3 = arith.constant 626 : i32
    %mul3A_4 = arith.muli %arg1, %mul3A_3 : i32
    "tpu.region"() ({
      %run_scoped3A_42 = tpu.sem_alloc : memref<!tpu.dma_semaphore, #tpu.memory_space<semaphore_mem>>
      %dma_start3A_43 = arith.constant 0 : i32
      %dma_start3A_44 = tpu.memref_slice %arg11[%mul3A_4, %dma_start3A_43] : memref<10016x128xf32, #tpu.memory_space<vmem_shared>> -> memref<626x128xf32, #tpu.memory_space<vmem_shared>>
      %dma_start3A_45 = arith.constant 0 : i32
      %dma_start3A_46 = tpu.memref_slice %arg5[%mul3A_2, %dma_start3A_45] : memref<10016x128xf32, #tpu.memory_space<hbm>> -> memref<626x128xf32, #tpu.memory_space<hbm>>
      tpu.enqueue_dma source(%dma_start3A_46 : memref<626x128xf32, #tpu.memory_space<hbm>>) target(%dma_start3A_44 : memref<626x128xf32, #tpu.memory_space<vmem_shared>>) target_semaphore(%run_scoped3A_42 : memref<!tpu.dma_semaphore, #tpu.memory_space<semaphore_mem>>)
      %dma_wait3A_47 = arith.constant 0 : i32
      %dma_wait3A_48 = tpu.memref_slice %arg11[%mul3A_4, %dma_wait3A_47] : memref<10016x128xf32, #tpu.memory_space<vmem_shared>> -> memref<626x128xf32, #tpu.memory_space<vmem_shared>>
      %dma_wait3A_49 = arith.constant 0 : i32
      %dma_wait3A_50 = tpu.memref_slice %arg5[%mul3A_2, %dma_wait3A_49] : memref<10016x128xf32, #tpu.memory_space<hbm>> -> memref<626x128xf32, #tpu.memory_space<hbm>>
      tpu.wait_dma2 semaphore(%run_scoped3A_42 : memref<!tpu.dma_semaphore, #tpu.memory_space<semaphore_mem>>) src(%dma_wait3A_50 : memref<626x128xf32, #tpu.memory_space<hbm>>) dst(%dma_wait3A_48 : memref<626x128xf32, #tpu.memory_space<vmem_shared>>)
      tpu.yield
    }) : () -> ()
    %barrier3A = arith.constant 0 : index
    tpu.barrier barrier_id(%barrier3A)
    %run_scoped3A = arith.constant 0 : i32
    "tpu.region"() ({
      %run_scoped3A_42 = tpu.sem_alloc : memref<!tpu.dma_semaphore, #tpu.memory_space<semaphore_mem>>
      %dma_start3A_43 = arith.constant 0 : i32
      %dma_start3A_44 = tpu.memref_slice %arg7[%run_scoped3A, %dma_start3A_43] : memref<126x80xi32, #tpu.memory_space<vmem>> -> memref<1x80xi32, #tpu.memory_space<vmem>>
      %dma_start3A_45 = tpu.memref_squeeze %dma_start3A_44 : memref<1x80xi32, #tpu.memory_space<vmem>> -> memref<80xi32, #tpu.memory_space<vmem>>
      %dma_start3A_46 = arith.constant 0 : i32
      %dma_start3A_47 = arith.constant 0 : i32
      %dma_start3A_48 = tpu.memref_slice %arg2[%dma_start3A_46, %dma_start3A_47] : memref<10000x128xf32, #tpu.memory_space<hbm>> -> memref<10000x128xf32, #tpu.memory_space<hbm>>
      tpu.enqueue_indirect_dma source(%dma_start3A_48 : memref<10000x128xf32, #tpu.memory_space<hbm>>) target(%arg9 : memref<80x128xf32, #tpu.memory_space<vmem>>) offsets(%dma_start3A_45 : memref<80xi32, #tpu.memory_space<vmem>>) semaphore(%run_scoped3A_42 : memref<!tpu.dma_semaphore, #tpu.memory_space<semaphore_mem>>)
      %dma_wait3A_49 = arith.constant 0 : i32
      %dma_wait3A_50 = tpu.memref_slice %arg7[%run_scoped3A, %dma_wait3A_49] : memref<126x80xi32, #tpu.memory_space<vmem>> -> memref<1x80xi32, #tpu.memory_space<vmem>>
      %dma_wait3A_51 = tpu.memref_squeeze %dma_wait3A_50 : memref<1x80xi32, #tpu.memory_space<vmem>> -> memref<80xi32, #tpu.memory_space<vmem>>
      %dma_wait3A_52 = arith.constant 0 : i32
      %dma_wait3A_53 = arith.constant 0 : i32
      %dma_wait3A_54 = tpu.memref_slice %arg2[%dma_wait3A_52, %dma_wait3A_53] : memref<10000x128xf32, #tpu.memory_space<hbm>> -> memref<10000x128xf32, #tpu.memory_space<hbm>>
      tpu.wait_indirect_dma semaphore(%run_scoped3A_42 : memref<!tpu.dma_semaphore, #tpu.memory_space<semaphore_mem>>) src(%dma_wait3A_54 : memref<10000x128xf32, #tpu.memory_space<hbm>>) dst(%arg9 : memref<80x128xf32, #tpu.memory_space<vmem>>)
      tpu.yield
    }) : () -> ()
    %dma_start3A = arith.constant 0 : i32
    %dma_start3A_5 = arith.constant 0 : i32
    %dma_start3A_6 = tpu.memref_slice %arg8[%dma_start3A, %dma_start3A_5] : memref<126x80xi32, #tpu.memory_space<vmem>> -> memref<1x80xi32, #tpu.memory_space<vmem>>
    %dma_start3A_7 = tpu.memref_squeeze %dma_start3A_6 : memref<1x80xi32, #tpu.memory_space<vmem>> -> memref<80xi32, #tpu.memory_space<vmem>>
    %dma_start3A_8 = arith.constant 0 : i32
    %dma_start3A_9 = arith.constant 0 : i32
    %dma_start3A_10 = tpu.memref_slice %arg11[%dma_start3A_8, %dma_start3A_9] : memref<10016x128xf32, #tpu.memory_space<vmem_shared>> -> memref<10016x128xf32, #tpu.memory_space<vmem_shared>>
    tpu.enqueue_indirect_dma source(%arg9 : memref<80x128xf32, #tpu.memory_space<vmem>>) target(%dma_start3A_10 : memref<10016x128xf32, #tpu.memory_space<vmem_shared>>) offsets(%dma_start3A_7 : memref<80xi32, #tpu.memory_space<vmem>>) semaphore(%arg12 : memref<!tpu.dma_semaphore, #tpu.memory_space<semaphore_mem>>) {add = true}
    %run_scoped3A_11 = arith.constant 1 : i32
    "tpu.region"() ({
      %run_scoped3A_42 = tpu.sem_alloc : memref<!tpu.dma_semaphore, #tpu.memory_space<semaphore_mem>>
      %dma_start3A_43 = arith.constant 0 : i32
      %dma_start3A_44 = tpu.memref_slice %arg7[%run_scoped3A_11, %dma_start3A_43] : memref<126x80xi32, #tpu.memory_space<vmem>> -> memref<1x80xi32, #tpu.memory_space<vmem>>
      %dma_start3A_45 = tpu.memref_squeeze %dma_start3A_44 : memref<1x80xi32, #tpu.memory_space<vmem>> -> memref<80xi32, #tpu.memory_space<vmem>>
      %dma_start3A_46 = arith.constant 0 : i32
      %dma_start3A_47 = arith.constant 0 : i32
      %dma_start3A_48 = tpu.memref_slice %arg2[%dma_start3A_46, %dma_start3A_47] : memref<10000x128xf32, #tpu.memory_space<hbm>> -> memref<10000x128xf32, #tpu.memory_space<hbm>>
      tpu.enqueue_indirect_dma source(%dma_start3A_48 : memref<10000x128xf32, #tpu.memory_space<hbm>>) target(%arg10 : memref<80x128xf32, #tpu.memory_space<vmem>>) offsets(%dma_start3A_45 : memref<80xi32, #tpu.memory_space<vmem>>) semaphore(%run_scoped3A_42 : memref<!tpu.dma_semaphore, #tpu.memory_space<semaphore_mem>>)
      %dma_wait3A_49 = arith.constant 0 : i32
      %dma_wait3A_50 = tpu.memref_slice %arg7[%run_scoped3A_11, %dma_wait3A_49] : memref<126x80xi32, #tpu.memory_space<vmem>> -> memref<1x80xi32, #tpu.memory_space<vmem>>
      %dma_wait3A_51 = tpu.memref_squeeze %dma_wait3A_50 : memref<1x80xi32, #tpu.memory_space<vmem>> -> memref<80xi32, #tpu.memory_space<vmem>>
      %dma_wait3A_52 = arith.constant 0 : i32
      %dma_wait3A_53 = arith.constant 0 : i32
      %dma_wait3A_54 = tpu.memref_slice %arg2[%dma_wait3A_52, %dma_wait3A_53] : memref<10000x128xf32, #tpu.memory_space<hbm>> -> memref<10000x128xf32, #tpu.memory_space<hbm>>
      tpu.wait_indirect_dma semaphore(%run_scoped3A_42 : memref<!tpu.dma_semaphore, #tpu.memory_space<semaphore_mem>>) src(%dma_wait3A_54 : memref<10000x128xf32, #tpu.memory_space<hbm>>) dst(%arg10 : memref<80x128xf32, #tpu.memory_space<vmem>>)
      tpu.yield
    }) : () -> ()
    %dma_start3A_12 = arith.constant 1 : i32
    %dma_start3A_13 = arith.constant 0 : i32
    %dma_start3A_14 = tpu.memref_slice %arg8[%dma_start3A_12, %dma_start3A_13] : memref<126x80xi32, #tpu.memory_space<vmem>> -> memref<1x80xi32, #tpu.memory_space<vmem>>
    %dma_start3A_15 = tpu.memref_squeeze %dma_start3A_14 : memref<1x80xi32, #tpu.memory_space<vmem>> -> memref<80xi32, #tpu.memory_space<vmem>>
    %dma_start3A_16 = arith.constant 0 : i32
    %dma_start3A_17 = arith.constant 0 : i32
    %dma_start3A_18 = tpu.memref_slice %arg11[%dma_start3A_16, %dma_start3A_17] : memref<10016x128xf32, #tpu.memory_space<vmem_shared>> -> memref<10016x128xf32, #tpu.memory_space<vmem_shared>>
    tpu.enqueue_indirect_dma source(%arg10 : memref<80x128xf32, #tpu.memory_space<vmem>>) target(%dma_start3A_18 : memref<10016x128xf32, #tpu.memory_space<vmem_shared>>) offsets(%dma_start3A_15 : memref<80xi32, #tpu.memory_space<vmem>>) semaphore(%arg13 : memref<!tpu.dma_semaphore, #tpu.memory_space<semaphore_mem>>) {add = true}
    %scan3A = arith.constant 0 : i32
    %scan3A_19 = arith.constant 1 : i32
    %scan3A_20 = arith.constant 62 : i32
    %scan3A_21 = arith.addi %scan3A_19, %scan3A_20 : i32
    %scan3A_22 = arith.constant 1 : i32
    scf.for %scan3A_42 = %scan3A_19 to %scan3A_21 step %scan3A_22  : i32 {
      %eq3A = arith.constant 1 : i32
      %eq3A_43 = arith.cmpi eq, %arg0, %eq3A : i32
      %lt3A = arith.constant 62 : i32
      %lt3A_44 = arith.cmpi slt, %scan3A_42, %lt3A : i32
      %or3A = arith.ori %eq3A_43, %lt3A_44 : i1
      %convert_element_type3A = arith.extui %or3A : i1 to i32
      %cond3A = arith.constant 0 : i32
      %cond3A_45 = arith.cmpi ne, %convert_element_type3A, %cond3A : i32
      scf.if %cond3A_45 {
        %mul3A_46 = arith.constant 2 : i32
        %mul3A_47 = arith.muli %mul3A_46, %scan3A_42 : i32
        %sub3A = arith.constant 2 : i32
        %sub3A_48 = arith.subi %mul3A_47, %sub3A : i32
        %dma_wait3A_49 = arith.constant 0 : i32
        %dma_wait3A_50 = tpu.memref_slice %arg8[%sub3A_48, %dma_wait3A_49] : memref<126x80xi32, #tpu.memory_space<vmem>> -> memref<1x80xi32, #tpu.memory_space<vmem>>
        %dma_wait3A_51 = tpu.memref_squeeze %dma_wait3A_50 : memref<1x80xi32, #tpu.memory_space<vmem>> -> memref<80xi32, #tpu.memory_space<vmem>>
        %dma_wait3A_52 = arith.constant 0 : i32
        %dma_wait3A_53 = arith.constant 0 : i32
        %dma_wait3A_54 = tpu.memref_slice %arg11[%dma_wait3A_52, %dma_wait3A_53] : memref<10016x128xf32, #tpu.memory_space<vmem_shared>> -> memref<10016x128xf32, #tpu.memory_space<vmem_shared>>
        tpu.wait_indirect_dma semaphore(%arg12 : memref<!tpu.dma_semaphore, #tpu.memory_space<semaphore_mem>>) src(%arg9 : memref<80x128xf32, #tpu.memory_space<vmem>>) dst(%dma_wait3A_54 : memref<10016x128xf32, #tpu.memory_space<vmem_shared>>)
        "tpu.region"() ({
          %run_scoped3A_79 = tpu.sem_alloc : memref<!tpu.dma_semaphore, #tpu.memory_space<semaphore_mem>>
          %dma_start3A_80 = arith.constant 0 : i32
          %dma_start3A_81 = tpu.memref_slice %arg7[%mul3A_47, %dma_start3A_80] : memref<126x80xi32, #tpu.memory_space<vmem>> -> memref<1x80xi32, #tpu.memory_space<vmem>>
          %dma_start3A_82 = tpu.memref_squeeze %dma_start3A_81 : memref<1x80xi32, #tpu.memory_space<vmem>> -> memref<80xi32, #tpu.memory_space<vmem>>
          %dma_start3A_83 = arith.constant 0 : i32
          %dma_start3A_84 = arith.constant 0 : i32
          %dma_start3A_85 = tpu.memref_slice %arg2[%dma_start3A_83, %dma_start3A_84] : memref<10000x128xf32, #tpu.memory_space<hbm>> -> memref<10000x128xf32, #tpu.memory_space<hbm>>
          tpu.enqueue_indirect_dma source(%dma_start3A_85 : memref<10000x128xf32, #tpu.memory_space<hbm>>) target(%arg9 : memref<80x128xf32, #tpu.memory_space<vmem>>) offsets(%dma_start3A_82 : memref<80xi32, #tpu.memory_space<vmem>>) semaphore(%run_scoped3A_79 : memref<!tpu.dma_semaphore, #tpu.memory_space<semaphore_mem>>)
          %dma_wait3A_86 = arith.constant 0 : i32
          %dma_wait3A_87 = tpu.memref_slice %arg7[%mul3A_47, %dma_wait3A_86] : memref<126x80xi32, #tpu.memory_space<vmem>> -> memref<1x80xi32, #tpu.memory_space<vmem>>
          %dma_wait3A_88 = tpu.memref_squeeze %dma_wait3A_87 : memref<1x80xi32, #tpu.memory_space<vmem>> -> memref<80xi32, #tpu.memory_space<vmem>>
          %dma_wait3A_89 = arith.constant 0 : i32
          %dma_wait3A_90 = arith.constant 0 : i32
          %dma_wait3A_91 = tpu.memref_slice %arg2[%dma_wait3A_89, %dma_wait3A_90] : memref<10000x128xf32, #tpu.memory_space<hbm>> -> memref<10000x128xf32, #tpu.memory_space<hbm>>
          tpu.wait_indirect_dma semaphore(%run_scoped3A_79 : memref<!tpu.dma_semaphore, #tpu.memory_space<semaphore_mem>>) src(%dma_wait3A_91 : memref<10000x128xf32, #tpu.memory_space<hbm>>) dst(%arg9 : memref<80x128xf32, #tpu.memory_space<vmem>>)
          tpu.yield
        }) : () -> ()
        %dma_start3A_55 = arith.constant 0 : i32
        %dma_start3A_56 = tpu.memref_slice %arg8[%mul3A_47, %dma_start3A_55] : memref<126x80xi32, #tpu.memory_space<vmem>> -> memref<1x80xi32, #tpu.memory_space<vmem>>
        %dma_start3A_57 = tpu.memref_squeeze %dma_start3A_56 : memref<1x80xi32, #tpu.memory_space<vmem>> -> memref<80xi32, #tpu.memory_space<vmem>>
        %dma_start3A_58 = arith.constant 0 : i32
        %dma_start3A_59 = arith.constant 0 : i32
        %dma_start3A_60 = tpu.memref_slice %arg11[%dma_start3A_58, %dma_start3A_59] : memref<10016x128xf32, #tpu.memory_space<vmem_shared>> -> memref<10016x128xf32, #tpu.memory_space<vmem_shared>>
        tpu.enqueue_indirect_dma source(%arg9 : memref<80x128xf32, #tpu.memory_space<vmem>>) target(%dma_start3A_60 : memref<10016x128xf32, #tpu.memory_space<vmem_shared>>) offsets(%dma_start3A_57 : memref<80xi32, #tpu.memory_space<vmem>>) semaphore(%arg12 : memref<!tpu.dma_semaphore, #tpu.memory_space<semaphore_mem>>) {add = true}
        %mul3A_61 = arith.constant 2 : i32
        %mul3A_62 = arith.muli %mul3A_61, %scan3A_42 : i32
        %add3A_63 = arith.constant 1 : i32
        %add3A_64 = arith.addi %mul3A_62, %add3A_63 : i32
        %sub3A_65 = arith.constant 2 : i32
        %sub3A_66 = arith.subi %add3A_64, %sub3A_65 : i32
        %dma_wait3A_67 = arith.constant 0 : i32
        %dma_wait3A_68 = tpu.memref_slice %arg8[%sub3A_66, %dma_wait3A_67] : memref<126x80xi32, #tpu.memory_space<vmem>> -> memref<1x80xi32, #tpu.memory_space<vmem>>
        %dma_wait3A_69 = tpu.memref_squeeze %dma_wait3A_68 : memref<1x80xi32, #tpu.memory_space<vmem>> -> memref<80xi32, #tpu.memory_space<vmem>>
        %dma_wait3A_70 = arith.constant 0 : i32
        %dma_wait3A_71 = arith.constant 0 : i32
        %dma_wait3A_72 = tpu.memref_slice %arg11[%dma_wait3A_70, %dma_wait3A_71] : memref<10016x128xf32, #tpu.memory_space<vmem_shared>> -> memref<10016x128xf32, #tpu.memory_space<vmem_shared>>
        tpu.wait_indirect_dma semaphore(%arg13 : memref<!tpu.dma_semaphore, #tpu.memory_space<semaphore_mem>>) src(%arg10 : memref<80x128xf32, #tpu.memory_space<vmem>>) dst(%dma_wait3A_72 : memref<10016x128xf32, #tpu.memory_space<vmem_shared>>)
        "tpu.region"() ({
          %run_scoped3A_79 = tpu.sem_alloc : memref<!tpu.dma_semaphore, #tpu.memory_space<semaphore_mem>>
          %dma_start3A_80 = arith.constant 0 : i32
          %dma_start3A_81 = tpu.memref_slice %arg7[%add3A_64, %dma_start3A_80] : memref<126x80xi32, #tpu.memory_space<vmem>> -> memref<1x80xi32, #tpu.memory_space<vmem>>
          %dma_start3A_82 = tpu.memref_squeeze %dma_start3A_81 : memref<1x80xi32, #tpu.memory_space<vmem>> -> memref<80xi32, #tpu.memory_space<vmem>>
          %dma_start3A_83 = arith.constant 0 : i32
          %dma_start3A_84 = arith.constant 0 : i32
          %dma_start3A_85 = tpu.memref_slice %arg2[%dma_start3A_83, %dma_start3A_84] : memref<10000x128xf32, #tpu.memory_space<hbm>> -> memref<10000x128xf32, #tpu.memory_space<hbm>>
          tpu.enqueue_indirect_dma source(%dma_start3A_85 : memref<10000x128xf32, #tpu.memory_space<hbm>>) target(%arg10 : memref<80x128xf32, #tpu.memory_space<vmem>>) offsets(%dma_start3A_82 : memref<80xi32, #tpu.memory_space<vmem>>) semaphore(%run_scoped3A_79 : memref<!tpu.dma_semaphore, #tpu.memory_space<semaphore_mem>>)
          %dma_wait3A_86 = arith.constant 0 : i32
          %dma_wait3A_87 = tpu.memref_slice %arg7[%add3A_64, %dma_wait3A_86] : memref<126x80xi32, #tpu.memory_space<vmem>> -> memref<1x80xi32, #tpu.memory_space<vmem>>
          %dma_wait3A_88 = tpu.memref_squeeze %dma_wait3A_87 : memref<1x80xi32, #tpu.memory_space<vmem>> -> memref<80xi32, #tpu.memory_space<vmem>>
          %dma_wait3A_89 = arith.constant 0 : i32
          %dma_wait3A_90 = arith.constant 0 : i32
          %dma_wait3A_91 = tpu.memref_slice %arg2[%dma_wait3A_89, %dma_wait3A_90] : memref<10000x128xf32, #tpu.memory_space<hbm>> -> memref<10000x128xf32, #tpu.memory_space<hbm>>
          tpu.wait_indirect_dma semaphore(%run_scoped3A_79 : memref<!tpu.dma_semaphore, #tpu.memory_space<semaphore_mem>>) src(%dma_wait3A_91 : memref<10000x128xf32, #tpu.memory_space<hbm>>) dst(%arg10 : memref<80x128xf32, #tpu.memory_space<vmem>>)
          tpu.yield
        }) : () -> ()
        %dma_start3A_73 = arith.constant 0 : i32
        %dma_start3A_74 = tpu.memref_slice %arg8[%add3A_64, %dma_start3A_73] : memref<126x80xi32, #tpu.memory_space<vmem>> -> memref<1x80xi32, #tpu.memory_space<vmem>>
        %dma_start3A_75 = tpu.memref_squeeze %dma_start3A_74 : memref<1x80xi32, #tpu.memory_space<vmem>> -> memref<80xi32, #tpu.memory_space<vmem>>
        %dma_start3A_76 = arith.constant 0 : i32
        %dma_start3A_77 = arith.constant 0 : i32
        %dma_start3A_78 = tpu.memref_slice %arg11[%dma_start3A_76, %dma_start3A_77] : memref<10016x128xf32, #tpu.memory_space<vmem_shared>> -> memref<10016x128xf32, #tpu.memory_space<vmem_shared>>
        tpu.enqueue_indirect_dma source(%arg10 : memref<80x128xf32, #tpu.memory_space<vmem>>) target(%dma_start3A_78 : memref<10016x128xf32, #tpu.memory_space<vmem_shared>>) offsets(%dma_start3A_75 : memref<80xi32, #tpu.memory_space<vmem>>) semaphore(%arg13 : memref<!tpu.dma_semaphore, #tpu.memory_space<semaphore_mem>>) {add = true}
      } else {
      }
    }
    %scan3A_23 = arith.constant 62 : i32
    %dma_wait3A = arith.constant 0 : i32
    %dma_wait3A_24 = arith.constant 0 : i32
    %dma_wait3A_25 = tpu.memref_slice %arg8[%dma_wait3A, %dma_wait3A_24] : memref<126x80xi32, #tpu.memory_space<vmem>> -> memref<1x80xi32, #tpu.memory_space<vmem>>
    %dma_wait3A_26 = tpu.memref_squeeze %dma_wait3A_25 : memref<1x80xi32, #tpu.memory_space<vmem>> -> memref<80xi32, #tpu.memory_space<vmem>>
    %dma_wait3A_27 = arith.constant 0 : i32
    %dma_wait3A_28 = arith.constant 0 : i32
    %dma_wait3A_29 = tpu.memref_slice %arg11[%dma_wait3A_27, %dma_wait3A_28] : memref<10016x128xf32, #tpu.memory_space<vmem_shared>> -> memref<10016x128xf32, #tpu.memory_space<vmem_shared>>
    tpu.wait_indirect_dma semaphore(%arg12 : memref<!tpu.dma_semaphore, #tpu.memory_space<semaphore_mem>>) src(%arg9 : memref<80x128xf32, #tpu.memory_space<vmem>>) dst(%dma_wait3A_29 : memref<10016x128xf32, #tpu.memory_space<vmem_shared>>)
    %dma_wait3A_30 = arith.constant 1 : i32
    %dma_wait3A_31 = arith.constant 0 : i32
    %dma_wait3A_32 = tpu.memref_slice %arg8[%dma_wait3A_30, %dma_wait3A_31] : memref<126x80xi32, #tpu.memory_space<vmem>> -> memref<1x80xi32, #tpu.memory_space<vmem>>
    %dma_wait3A_33 = tpu.memref_squeeze %dma_wait3A_32 : memref<1x80xi32, #tpu.memory_space<vmem>> -> memref<80xi32, #tpu.memory_space<vmem>>
    %dma_wait3A_34 = arith.constant 0 : i32
    %dma_wait3A_35 = arith.constant 0 : i32
    %dma_wait3A_36 = tpu.memref_slice %arg11[%dma_wait3A_34, %dma_wait3A_35] : memref<10016x128xf32, #tpu.memory_space<vmem_shared>> -> memref<10016x128xf32, #tpu.memory_space<vmem_shared>>
    tpu.wait_indirect_dma semaphore(%arg13 : memref<!tpu.dma_semaphore, #tpu.memory_space<semaphore_mem>>) src(%arg10 : memref<80x128xf32, #tpu.memory_space<vmem>>) dst(%dma_wait3A_36 : memref<10016x128xf32, #tpu.memory_space<vmem_shared>>)
    %barrier3A_37 = arith.constant 0 : index
    tpu.barrier barrier_id(%barrier3A_37)
    %mul3A_38 = arith.constant 626 : i32
    %mul3A_39 = arith.muli %arg1, %mul3A_38 : i32
    %mul3A_40 = arith.constant 626 : i32
    %mul3A_41 = arith.muli %arg1, %mul3A_40 : i32
    "tpu.region"() ({
      %run_scoped3A_42 = tpu.sem_alloc : memref<!tpu.dma_semaphore, #tpu.memory_space<semaphore_mem>>
      %dma_start3A_43 = arith.constant 0 : i32
      %dma_start3A_44 = tpu.memref_slice %arg6[%arg0, %mul3A_41, %dma_start3A_43] : memref<2x10016x128xf32, #tpu.memory_space<hbm>> -> memref<1x626x128xf32, #tpu.memory_space<hbm>>
      %dma_start3A_45 = tpu.memref_squeeze %dma_start3A_44 : memref<1x626x128xf32, #tpu.memory_space<hbm>> -> memref<626x128xf32, #tpu.memory_space<hbm>>
      %dma_start3A_46 = arith.constant 0 : i32
      %dma_start3A_47 = tpu.memref_slice %arg11[%mul3A_39, %dma_start3A_46] : memref<10016x128xf32, #tpu.memory_space<vmem_shared>> -> memref<626x128xf32, #tpu.memory_space<vmem_shared>>
      tpu.enqueue_dma source(%dma_start3A_47 : memref<626x128xf32, #tpu.memory_space<vmem_shared>>) target(%dma_start3A_45 : memref<626x128xf32, #tpu.memory_space<hbm>>) target_semaphore(%run_scoped3A_42 : memref<!tpu.dma_semaphore, #tpu.memory_space<semaphore_mem>>)
      %dma_wait3A_48 = arith.constant 0 : i32
      %dma_wait3A_49 = tpu.memref_slice %arg6[%arg0, %mul3A_41, %dma_wait3A_48] : memref<2x10016x128xf32, #tpu.memory_space<hbm>> -> memref<1x626x128xf32, #tpu.memory_space<hbm>>
      %dma_wait3A_50 = tpu.memref_squeeze %dma_wait3A_49 : memref<1x626x128xf32, #tpu.memory_space<hbm>> -> memref<626x128xf32, #tpu.memory_space<hbm>>
      %dma_wait3A_51 = arith.constant 0 : i32
      %dma_wait3A_52 = tpu.memref_slice %arg11[%mul3A_39, %dma_wait3A_51] : memref<10016x128xf32, #tpu.memory_space<vmem_shared>> -> memref<626x128xf32, #tpu.memory_space<vmem_shared>>
      tpu.wait_dma2 semaphore(%run_scoped3A_42 : memref<!tpu.dma_semaphore, #tpu.memory_space<semaphore_mem>>) src(%dma_wait3A_52 : memref<626x128xf32, #tpu.memory_space<vmem_shared>>) dst(%dma_wait3A_50 : memref<626x128xf32, #tpu.memory_space<hbm>>)
      tpu.yield
    }) : () -> ()
    return
  }
}

module attributes {stable_mosaic.version = 14 : i64} {
  func.func @body(%arg0: i32, %arg1: memref<2x1000x128xf32, #tpu.memory_space<vmem>>, %arg2: memref<2x1000x16xf32, #tpu.memory_space<vmem>>, %arg3: memref<1000x128xf32, #tpu.memory_space<vmem>>, %arg4: memref<128x128xf32, #tpu.memory_space<vmem>>, %arg5: memref<1x128xf32, #tpu.memory_space<vmem>>, %arg6: memref<128x128xf32, #tpu.memory_space<vmem>>, %arg7: memref<1x128xf32, #tpu.memory_space<vmem>>, %arg8: memref<1x128xf32, #tpu.memory_space<vmem>>, %arg9: memref<1000x128xf32, #tpu.memory_space<vmem>>, %arg10: memref<1000x8xf32, #tpu.memory_space<vmem>>) attributes {dimension_semantics = [#tpu.dimension_semantics<arbitrary>], iteration_bounds = array<i64: 10>, scalar_prefetch = 0 : i64, scratch_operands = 0 : i64, tpu.core_type = #tpu.core_type<tc>, window_params = [{transform_indices = @transform_0, window_bounds = array<i64: 2, 1000, 128>}, {transform_indices = @transform_1, window_bounds = array<i64: 2, 1000, 16>}, {transform_indices = @transform_2, window_bounds = array<i64: 1000, 128>}, {pipeline_mode = #tpu.pipeline_mode<synchronous>, transform_indices = @transform_3, window_bounds = array<i64: 128, 128>}, {pipeline_mode = #tpu.pipeline_mode<synchronous>, transform_indices = @transform_4, window_bounds = array<i64: 1, 128>}, {pipeline_mode = #tpu.pipeline_mode<synchronous>, transform_indices = @transform_5, window_bounds = array<i64: 128, 128>}, {pipeline_mode = #tpu.pipeline_mode<synchronous>, transform_indices = @transform_6, window_bounds = array<i64: 1, 128>}, {pipeline_mode = #tpu.pipeline_mode<synchronous>, transform_indices = @transform_7, window_bounds = array<i64: 1, 128>}, {transform_indices = @transform_8, window_bounds = array<i64: 1000, 128>}, {transform_indices = @transform_9, window_bounds = array<i64: 1000, 8>}]} {
    %get3A = arith.constant 0 : index
    %get3A_0 = arith.constant 0 : index
    %get3A_1 = arith.constant 0 : index
    %get3A_2 = vector.load %arg1[%get3A, %get3A_0, %get3A_1] : memref<2x1000x128xf32, #tpu.memory_space<vmem>>, vector<1x1000x128xf32>
    %get3A_3 = vector.shape_cast %get3A_2 : vector<1x1000x128xf32> to vector<1000x128xf32>
    %get3A_4 = arith.constant 1 : index
    %get3A_5 = arith.constant 0 : index
    %get3A_6 = arith.constant 0 : index
    %get3A_7 = vector.load %arg1[%get3A_4, %get3A_5, %get3A_6] : memref<2x1000x128xf32, #tpu.memory_space<vmem>>, vector<1x1000x128xf32>
    %get3A_8 = vector.shape_cast %get3A_7 : vector<1x1000x128xf32> to vector<1000x128xf32>
    %add3A = arith.addf %get3A_3, %get3A_8 : vector<1000x128xf32>
    %get3A_9 = arith.constant 0 : index
    %get3A_10 = arith.constant 0 : index
    %get3A_11 = arith.constant 0 : index
    %get3A_12 = vector.load %arg2[%get3A_9, %get3A_10, %get3A_11] : memref<2x1000x16xf32, #tpu.memory_space<vmem>>, vector<1x1000x1xf32>
    %get3A_13 = vector.shape_cast %get3A_12 : vector<1x1000x1xf32> to vector<1000x1xf32>
    %get3A_14 = arith.constant 1 : index
    %get3A_15 = arith.constant 0 : index
    %get3A_16 = arith.constant 0 : index
    %get3A_17 = vector.load %arg2[%get3A_14, %get3A_15, %get3A_16] : memref<2x1000x16xf32, #tpu.memory_space<vmem>>, vector<1x1000x1xf32>
    %get3A_18 = vector.shape_cast %get3A_17 : vector<1x1000x1xf32> to vector<1000x1xf32>
    %add3A_19 = arith.addf %get3A_13, %get3A_18 : vector<1000x1xf32>
    %max3A = arith.constant 1.000000e+00 : f32
    %max3A_20 = vector.broadcast %max3A : f32 to vector<1000x1xf32>
    %max3A_21 = arith.maximumf %add3A_19, %max3A_20 : vector<1000x1xf32>
    %div3A = arith.constant 1.000000e+00 : f32
    %div3A_22 = vector.broadcast %div3A : f32 to vector<1000x1xf32>
    %div3A_23 = arith.divf %div3A_22, %max3A_21 : vector<1000x1xf32>
    %mul3A = vector.broadcast %div3A_23 : vector<1000x1xf32> to vector<1000x128xf32>
    %mul3A_24 = arith.mulf %add3A, %mul3A : vector<1000x128xf32>
    %get3A_25 = arith.constant 0 : index
    %get3A_26 = arith.constant 0 : index
    %get3A_27 = vector.load %arg4[%get3A_25, %get3A_26] : memref<128x128xf32, #tpu.memory_space<vmem>>, vector<128x128xf32>
    %dot_general3A = arith.constant dense<0.000000e+00> : vector<1000x128xf32>
    %dot_general3A_28 = tpu.matmul %mul3A_24, %get3A_27, %dot_general3A {dimension_numbers = #tpu.dot_dimension_numbers<[1], [0], [0], [1], [0, 0, 1, 1], [], []>, transpose_lhs_hint = false} : vector<1000x128xf32>, vector<128x128xf32>, vector<1000x128xf32> -> vector<1000x128xf32>
    %get3A_29 = arith.constant 0 : index
    %get3A_30 = arith.constant 0 : index
    %get3A_31 = vector.load %arg5[%get3A_29, %get3A_30] : memref<1x128xf32, #tpu.memory_space<vmem>>, vector<1x128xf32>
    %add3A_32 = vector.broadcast %get3A_31 : vector<1x128xf32> to vector<1000x128xf32>
    %add3A_33 = arith.addf %dot_general3A_28, %add3A_32 : vector<1000x128xf32>
    %get3A_34 = arith.constant 0 : index
    %get3A_35 = arith.constant 0 : index
    %get3A_36 = vector.load %arg3[%get3A_34, %get3A_35] : memref<1000x128xf32, #tpu.memory_space<vmem>>, vector<1000x128xf32>
    %get3A_37 = arith.constant 0 : index
    %get3A_38 = arith.constant 0 : index
    %get3A_39 = vector.load %arg6[%get3A_37, %get3A_38] : memref<128x128xf32, #tpu.memory_space<vmem>>, vector<128x128xf32>
    %dot_general3A_40 = arith.constant dense<0.000000e+00> : vector<1000x128xf32>
    %dot_general3A_41 = tpu.matmul %get3A_36, %get3A_39, %dot_general3A_40 {dimension_numbers = #tpu.dot_dimension_numbers<[1], [0], [0], [1], [0, 0, 1, 1], [], []>, transpose_lhs_hint = false} : vector<1000x128xf32>, vector<128x128xf32>, vector<1000x128xf32> -> vector<1000x128xf32>
    %add3A_42 = arith.addf %add3A_33, %dot_general3A_41 : vector<1000x128xf32>
    %get3A_43 = arith.constant 0 : index
    %get3A_44 = arith.constant 0 : index
    %get3A_45 = vector.load %arg7[%get3A_43, %get3A_44] : memref<1x128xf32, #tpu.memory_space<vmem>>, vector<1x128xf32>
    %get3A_46 = arith.constant 0 : index
    %get3A_47 = arith.constant 0 : index
    %get3A_48 = vector.load %arg8[%get3A_46, %get3A_47] : memref<1x128xf32, #tpu.memory_space<vmem>>, vector<1x128xf32>
    %reduce_sum3A = arith.constant dense<0.000000e+00> : vector<1000xf32>
    %reduce_sum3A_49 = vector.multi_reduction <add>, %add3A_42, %reduce_sum3A [1] : vector<1000x128xf32> to vector<1000xf32>
    %broadcast_in_dim3A = vector.shape_cast %reduce_sum3A_49 : vector<1000xf32> to vector<1000x1xf32>
    %div3A_50 = arith.constant 1.280000e+02 : f32
    %div3A_51 = vector.broadcast %div3A_50 : f32 to vector<1000x1xf32>
    %div3A_52 = arith.divf %broadcast_in_dim3A, %div3A_51 : vector<1000x1xf32>
    %sub3A = vector.broadcast %div3A_52 : vector<1000x1xf32> to vector<1000x128xf32>
    %sub3A_53 = arith.subf %add3A_42, %sub3A : vector<1000x128xf32>
    %integer_pow3A = arith.mulf %sub3A_53, %sub3A_53 : vector<1000x128xf32>
    %reduce_sum3A_54 = arith.constant dense<0.000000e+00> : vector<1000xf32>
    %reduce_sum3A_55 = vector.multi_reduction <add>, %integer_pow3A, %reduce_sum3A_54 [1] : vector<1000x128xf32> to vector<1000xf32>
    %broadcast_in_dim3A_56 = vector.shape_cast %reduce_sum3A_55 : vector<1000xf32> to vector<1000x1xf32>
    %div3A_57 = arith.constant 1.280000e+02 : f32
    %div3A_58 = vector.broadcast %div3A_57 : f32 to vector<1000x1xf32>
    %div3A_59 = arith.divf %broadcast_in_dim3A_56, %div3A_58 : vector<1000x1xf32>
    %sub3A_60 = vector.broadcast %div3A_52 : vector<1000x1xf32> to vector<1000x128xf32>
    %sub3A_61 = arith.subf %add3A_42, %sub3A_60 : vector<1000x128xf32>
    %mul3A_62 = vector.broadcast %get3A_45 : vector<1x128xf32> to vector<1000x128xf32>
    %mul3A_63 = arith.mulf %mul3A_62, %sub3A_61 : vector<1000x128xf32>
    %add3A_64 = arith.constant 9.99999974E-6 : f32
    %add3A_65 = vector.broadcast %add3A_64 : f32 to vector<1000x1xf32>
    %add3A_66 = arith.addf %div3A_59, %add3A_65 : vector<1000x1xf32>
    %rsqrt3A = math.rsqrt %add3A_66 : vector<1000x1xf32>
    %mul3A_67 = vector.broadcast %rsqrt3A : vector<1000x1xf32> to vector<1000x128xf32>
    %mul3A_68 = arith.mulf %mul3A_63, %mul3A_67 : vector<1000x128xf32>
    %add3A_69 = vector.broadcast %get3A_48 : vector<1x128xf32> to vector<1000x128xf32>
    %add3A_70 = arith.addf %mul3A_68, %add3A_69 : vector<1000x128xf32>
    %max3A_71 = arith.constant 0.000000e+00 : f32
    %max3A_72 = vector.broadcast %max3A_71 : f32 to vector<1000x128xf32>
    %max3A_73 = arith.maximumf %add3A_70, %max3A_72 : vector<1000x128xf32>
    %swap3A = arith.constant 0 : index
    %swap3A_74 = arith.constant 0 : index
    %swap3A_75 = vector.load %arg9[%swap3A, %swap3A_74] : memref<1000x128xf32, #tpu.memory_space<vmem>>, vector<1000x128xf32>
    tpu.vector_store %arg9[%swap3A, %swap3A_74], %max3A_73 {strides = array<i32>} : memref<1000x128xf32, #tpu.memory_space<vmem>>, vector<1000x128xf32>,
    %broadcast_in_dim3A_76 = vector.shape_cast %div3A_23 : vector<1000x1xf32> to vector<1000x1xf32>
    %broadcast_in_dim3A_77 = vector.broadcast %broadcast_in_dim3A_76 : vector<1000x1xf32> to vector<1000x8xf32>
    %swap3A_78 = arith.constant 0 : index
    %swap3A_79 = arith.constant 0 : index
    %swap3A_80 = vector.load %arg10[%swap3A_78, %swap3A_79] : memref<1000x8xf32, #tpu.memory_space<vmem>>, vector<1000x8xf32>
    tpu.vector_store %arg10[%swap3A_78, %swap3A_79], %broadcast_in_dim3A_77 {strides = array<i32>} : memref<1000x8xf32, #tpu.memory_space<vmem>>, vector<1000x8xf32>,
    return
  }
  func.func @transform_0(%arg0: i32) -> (i32, i32, i32) {
    %c0_i32 = arith.constant 0 : i32
    %c0_i32_0 = arith.constant 0 : i32
    %c0_i32_1 = arith.constant 0 : i32
    return %c0_i32, %arg0, %c0_i32_0 : i32, i32, i32
  }
  func.func @transform_1(%arg0: i32) -> (i32, i32, i32) {
    %c0_i32 = arith.constant 0 : i32
    %c0_i32_0 = arith.constant 0 : i32
    %c0_i32_1 = arith.constant 0 : i32
    return %c0_i32, %arg0, %c0_i32_0 : i32, i32, i32
  }
  func.func @transform_2(%arg0: i32) -> (i32, i32) {
    %c0_i32 = arith.constant 0 : i32
    %c0_i32_0 = arith.constant 0 : i32
    return %arg0, %c0_i32 : i32, i32
  }
  func.func @transform_3(%arg0: i32) -> (i32, i32) {
    %c0_i32 = arith.constant 0 : i32
    %c0_i32_0 = arith.constant 0 : i32
    %c0_i32_1 = arith.constant 0 : i32
    return %c0_i32, %c0_i32_0 : i32, i32
  }
  func.func @transform_4(%arg0: i32) -> (i32, i32) {
    %c0_i32 = arith.constant 0 : i32
    %c0_i32_0 = arith.constant 0 : i32
    %c0_i32_1 = arith.constant 0 : i32
    return %c0_i32, %c0_i32_0 : i32, i32
  }
  func.func @transform_5(%arg0: i32) -> (i32, i32) {
    %c0_i32 = arith.constant 0 : i32
    %c0_i32_0 = arith.constant 0 : i32
    %c0_i32_1 = arith.constant 0 : i32
    return %c0_i32, %c0_i32_0 : i32, i32
  }
  func.func @transform_6(%arg0: i32) -> (i32, i32) {
    %c0_i32 = arith.constant 0 : i32
    %c0_i32_0 = arith.constant 0 : i32
    %c0_i32_1 = arith.constant 0 : i32
    return %c0_i32, %c0_i32_0 : i32, i32
  }
  func.func @transform_7(%arg0: i32) -> (i32, i32) {
    %c0_i32 = arith.constant 0 : i32
    %c0_i32_0 = arith.constant 0 : i32
    %c0_i32_1 = arith.constant 0 : i32
    return %c0_i32, %c0_i32_0 : i32, i32
  }
  func.func @transform_8(%arg0: i32) -> (i32, i32) {
    %c0_i32 = arith.constant 0 : i32
    %c0_i32_0 = arith.constant 0 : i32
    return %arg0, %c0_i32 : i32, i32
  }
  func.func @transform_9(%arg0: i32) -> (i32, i32) {
    %c0_i32 = arith.constant 0 : i32
    %c0_i32_0 = arith.constant 0 : i32
    return %arg0, %c0_i32 : i32, i32
  }
}

module attributes {stable_mosaic.version = 14 : i64} {
  func.func @body(%arg0: i32, %arg1: memref<2x1000x128xf32, #tpu.memory_space<vmem>>, %arg2: memref<1000x128xf32, #tpu.memory_space<vmem>>, %arg3: memref<1000x8xf32, #tpu.memory_space<vmem>>, %arg4: memref<128x128xf32, #tpu.memory_space<vmem>>, %arg5: memref<1x128xf32, #tpu.memory_space<vmem>>, %arg6: memref<128x128xf32, #tpu.memory_space<vmem>>, %arg7: memref<1x128xf32, #tpu.memory_space<vmem>>, %arg8: memref<1x128xf32, #tpu.memory_space<vmem>>, %arg9: memref<1000x128xf32, #tpu.memory_space<vmem>>) attributes {dimension_semantics = [#tpu.dimension_semantics<arbitrary>], iteration_bounds = array<i64: 10>, scalar_prefetch = 0 : i64, scratch_operands = 0 : i64, tpu.core_type = #tpu.core_type<tc>, window_params = [{transform_indices = @transform_0, window_bounds = array<i64: 2, 1000, 128>}, {transform_indices = @transform_1, window_bounds = array<i64: 1000, 128>}, {transform_indices = @transform_2, window_bounds = array<i64: 1000, 8>}, {pipeline_mode = #tpu.pipeline_mode<synchronous>, transform_indices = @transform_3, window_bounds = array<i64: 128, 128>}, {pipeline_mode = #tpu.pipeline_mode<synchronous>, transform_indices = @transform_4, window_bounds = array<i64: 1, 128>}, {pipeline_mode = #tpu.pipeline_mode<synchronous>, transform_indices = @transform_5, window_bounds = array<i64: 128, 128>}, {pipeline_mode = #tpu.pipeline_mode<synchronous>, transform_indices = @transform_6, window_bounds = array<i64: 1, 128>}, {pipeline_mode = #tpu.pipeline_mode<synchronous>, transform_indices = @transform_7, window_bounds = array<i64: 1, 128>}, {transform_indices = @transform_8, window_bounds = array<i64: 1000, 128>}]} {
    %get3A = arith.constant 0 : index
    %get3A_0 = arith.constant 0 : index
    %get3A_1 = arith.constant 0 : index
    %get3A_2 = vector.load %arg1[%get3A, %get3A_0, %get3A_1] : memref<2x1000x128xf32, #tpu.memory_space<vmem>>, vector<1x1000x128xf32>
    %get3A_3 = vector.shape_cast %get3A_2 : vector<1x1000x128xf32> to vector<1000x128xf32>
    %get3A_4 = arith.constant 1 : index
    %get3A_5 = arith.constant 0 : index
    %get3A_6 = arith.constant 0 : index
    %get3A_7 = vector.load %arg1[%get3A_4, %get3A_5, %get3A_6] : memref<2x1000x128xf32, #tpu.memory_space<vmem>>, vector<1x1000x128xf32>
    %get3A_8 = vector.shape_cast %get3A_7 : vector<1x1000x128xf32> to vector<1000x128xf32>
    %add3A = arith.addf %get3A_3, %get3A_8 : vector<1000x128xf32>
    %get3A_9 = arith.constant 0 : index
    %get3A_10 = arith.constant 0 : index
    %get3A_11 = vector.load %arg3[%get3A_9, %get3A_10] : memref<1000x8xf32, #tpu.memory_space<vmem>>, vector<1000x1xf32>
    %mul3A = vector.broadcast %get3A_11 : vector<1000x1xf32> to vector<1000x128xf32>
    %mul3A_12 = arith.mulf %add3A, %mul3A : vector<1000x128xf32>
    %get3A_13 = arith.constant 0 : index
    %get3A_14 = arith.constant 0 : index
    %get3A_15 = vector.load %arg4[%get3A_13, %get3A_14] : memref<128x128xf32, #tpu.memory_space<vmem>>, vector<128x128xf32>
    %dot_general3A = arith.constant dense<0.000000e+00> : vector<1000x128xf32>
    %dot_general3A_16 = tpu.matmul %mul3A_12, %get3A_15, %dot_general3A {dimension_numbers = #tpu.dot_dimension_numbers<[1], [0], [0], [1], [0, 0, 1, 1], [], []>, transpose_lhs_hint = false} : vector<1000x128xf32>, vector<128x128xf32>, vector<1000x128xf32> -> vector<1000x128xf32>
    %get3A_17 = arith.constant 0 : index
    %get3A_18 = arith.constant 0 : index
    %get3A_19 = vector.load %arg5[%get3A_17, %get3A_18] : memref<1x128xf32, #tpu.memory_space<vmem>>, vector<1x128xf32>
    %add3A_20 = vector.broadcast %get3A_19 : vector<1x128xf32> to vector<1000x128xf32>
    %add3A_21 = arith.addf %dot_general3A_16, %add3A_20 : vector<1000x128xf32>
    %get3A_22 = arith.constant 0 : index
    %get3A_23 = arith.constant 0 : index
    %get3A_24 = vector.load %arg2[%get3A_22, %get3A_23] : memref<1000x128xf32, #tpu.memory_space<vmem>>, vector<1000x128xf32>
    %get3A_25 = arith.constant 0 : index
    %get3A_26 = arith.constant 0 : index
    %get3A_27 = vector.load %arg6[%get3A_25, %get3A_26] : memref<128x128xf32, #tpu.memory_space<vmem>>, vector<128x128xf32>
    %dot_general3A_28 = arith.constant dense<0.000000e+00> : vector<1000x128xf32>
    %dot_general3A_29 = tpu.matmul %get3A_24, %get3A_27, %dot_general3A_28 {dimension_numbers = #tpu.dot_dimension_numbers<[1], [0], [0], [1], [0, 0, 1, 1], [], []>, transpose_lhs_hint = false} : vector<1000x128xf32>, vector<128x128xf32>, vector<1000x128xf32> -> vector<1000x128xf32>
    %add3A_30 = arith.addf %add3A_21, %dot_general3A_29 : vector<1000x128xf32>
    %get3A_31 = arith.constant 0 : index
    %get3A_32 = arith.constant 0 : index
    %get3A_33 = vector.load %arg7[%get3A_31, %get3A_32] : memref<1x128xf32, #tpu.memory_space<vmem>>, vector<1x128xf32>
    %get3A_34 = arith.constant 0 : index
    %get3A_35 = arith.constant 0 : index
    %get3A_36 = vector.load %arg8[%get3A_34, %get3A_35] : memref<1x128xf32, #tpu.memory_space<vmem>>, vector<1x128xf32>
    %reduce_sum3A = arith.constant dense<0.000000e+00> : vector<1000xf32>
    %reduce_sum3A_37 = vector.multi_reduction <add>, %add3A_30, %reduce_sum3A [1] : vector<1000x128xf32> to vector<1000xf32>
    %broadcast_in_dim3A = vector.shape_cast %reduce_sum3A_37 : vector<1000xf32> to vector<1000x1xf32>
    %div3A = arith.constant 1.280000e+02 : f32
    %div3A_38 = vector.broadcast %div3A : f32 to vector<1000x1xf32>
    %div3A_39 = arith.divf %broadcast_in_dim3A, %div3A_38 : vector<1000x1xf32>
    %sub3A = vector.broadcast %div3A_39 : vector<1000x1xf32> to vector<1000x128xf32>
    %sub3A_40 = arith.subf %add3A_30, %sub3A : vector<1000x128xf32>
    %integer_pow3A = arith.mulf %sub3A_40, %sub3A_40 : vector<1000x128xf32>
    %reduce_sum3A_41 = arith.constant dense<0.000000e+00> : vector<1000xf32>
    %reduce_sum3A_42 = vector.multi_reduction <add>, %integer_pow3A, %reduce_sum3A_41 [1] : vector<1000x128xf32> to vector<1000xf32>
    %broadcast_in_dim3A_43 = vector.shape_cast %reduce_sum3A_42 : vector<1000xf32> to vector<1000x1xf32>
    %div3A_44 = arith.constant 1.280000e+02 : f32
    %div3A_45 = vector.broadcast %div3A_44 : f32 to vector<1000x1xf32>
    %div3A_46 = arith.divf %broadcast_in_dim3A_43, %div3A_45 : vector<1000x1xf32>
    %sub3A_47 = vector.broadcast %div3A_39 : vector<1000x1xf32> to vector<1000x128xf32>
    %sub3A_48 = arith.subf %add3A_30, %sub3A_47 : vector<1000x128xf32>
    %mul3A_49 = vector.broadcast %get3A_33 : vector<1x128xf32> to vector<1000x128xf32>
    %mul3A_50 = arith.mulf %mul3A_49, %sub3A_48 : vector<1000x128xf32>
    %add3A_51 = arith.constant 9.99999974E-6 : f32
    %add3A_52 = vector.broadcast %add3A_51 : f32 to vector<1000x1xf32>
    %add3A_53 = arith.addf %div3A_46, %add3A_52 : vector<1000x1xf32>
    %rsqrt3A = math.rsqrt %add3A_53 : vector<1000x1xf32>
    %mul3A_54 = vector.broadcast %rsqrt3A : vector<1000x1xf32> to vector<1000x128xf32>
    %mul3A_55 = arith.mulf %mul3A_50, %mul3A_54 : vector<1000x128xf32>
    %add3A_56 = vector.broadcast %get3A_36 : vector<1x128xf32> to vector<1000x128xf32>
    %add3A_57 = arith.addf %mul3A_55, %add3A_56 : vector<1000x128xf32>
    %max3A = arith.constant 0.000000e+00 : f32
    %max3A_58 = vector.broadcast %max3A : f32 to vector<1000x128xf32>
    %max3A_59 = arith.maximumf %add3A_57, %max3A_58 : vector<1000x128xf32>
    %swap3A = arith.constant 0 : index
    %swap3A_60 = arith.constant 0 : index
    %swap3A_61 = vector.load %arg9[%swap3A, %swap3A_60] : memref<1000x128xf32, #tpu.memory_space<vmem>>, vector<1000x128xf32>
    tpu.vector_store %arg9[%swap3A, %swap3A_60], %max3A_59 {strides = array<i32>} : memref<1000x128xf32, #tpu.memory_space<vmem>>, vector<1000x128xf32>,
    return
  }
  func.func @transform_0(%arg0: i32) -> (i32, i32, i32) {
    %c0_i32 = arith.constant 0 : i32
    %c0_i32_0 = arith.constant 0 : i32
    %c0_i32_1 = arith.constant 0 : i32
    return %c0_i32, %arg0, %c0_i32_0 : i32, i32, i32
  }
  func.func @transform_1(%arg0: i32) -> (i32, i32) {
    %c0_i32 = arith.constant 0 : i32
    %c0_i32_0 = arith.constant 0 : i32
    return %arg0, %c0_i32 : i32, i32
  }
  func.func @transform_2(%arg0: i32) -> (i32, i32) {
    %c0_i32 = arith.constant 0 : i32
    %c0_i32_0 = arith.constant 0 : i32
    return %arg0, %c0_i32 : i32, i32
  }
  func.func @transform_3(%arg0: i32) -> (i32, i32) {
    %c0_i32 = arith.constant 0 : i32
    %c0_i32_0 = arith.constant 0 : i32
    %c0_i32_1 = arith.constant 0 : i32
    return %c0_i32, %c0_i32_0 : i32, i32
  }
  func.func @transform_4(%arg0: i32) -> (i32, i32) {
    %c0_i32 = arith.constant 0 : i32
    %c0_i32_0 = arith.constant 0 : i32
    %c0_i32_1 = arith.constant 0 : i32
    return %c0_i32, %c0_i32_0 : i32, i32
  }
  func.func @transform_5(%arg0: i32) -> (i32, i32) {
    %c0_i32 = arith.constant 0 : i32
    %c0_i32_0 = arith.constant 0 : i32
    %c0_i32_1 = arith.constant 0 : i32
    return %c0_i32, %c0_i32_0 : i32, i32
  }
  func.func @transform_6(%arg0: i32) -> (i32, i32) {
    %c0_i32 = arith.constant 0 : i32
    %c0_i32_0 = arith.constant 0 : i32
    %c0_i32_1 = arith.constant 0 : i32
    return %c0_i32, %c0_i32_0 : i32, i32
  }
  func.func @transform_7(%arg0: i32) -> (i32, i32) {
    %c0_i32 = arith.constant 0 : i32
    %c0_i32_0 = arith.constant 0 : i32
    %c0_i32_1 = arith.constant 0 : i32
    return %c0_i32, %c0_i32_0 : i32, i32
  }
  func.func @transform_8(%arg0: i32) -> (i32, i32) {
    %c0_i32 = arith.constant 0 : i32
    %c0_i32_0 = arith.constant 0 : i32
    return %arg0, %c0_i32 : i32, i32
  }
}

module attributes {stable_mosaic.version = 14 : i64} {
  func.func @body(%arg0: i32, %arg1: memref<2x1000x128xf32, #tpu.memory_space<vmem>>, %arg2: memref<1000x128xf32, #tpu.memory_space<vmem>>, %arg3: memref<1000x8xf32, #tpu.memory_space<vmem>>, %arg4: memref<128x128xf32, #tpu.memory_space<vmem>>, %arg5: memref<1x128xf32, #tpu.memory_space<vmem>>, %arg6: memref<128x128xf32, #tpu.memory_space<vmem>>, %arg7: memref<1x128xf32, #tpu.memory_space<vmem>>, %arg8: memref<1x128xf32, #tpu.memory_space<vmem>>, %arg9: memref<128x64xf32, #tpu.memory_space<vmem>>, %arg10: memref<1x64xf32, #tpu.memory_space<vmem>>, %arg11: memref<64x32xf32, #tpu.memory_space<vmem>>, %arg12: memref<1x32xf32, #tpu.memory_space<vmem>>, %arg13: memref<32x8xf32, #tpu.memory_space<vmem>>, %arg14: memref<1x8xf32, #tpu.memory_space<vmem>>, %arg15: memref<1000x8xf32, #tpu.memory_space<vmem>>) attributes {dimension_semantics = [#tpu.dimension_semantics<arbitrary>], iteration_bounds = array<i64: 10>, scalar_prefetch = 0 : i64, scratch_operands = 0 : i64, tpu.core_type = #tpu.core_type<tc>, window_params = [{transform_indices = @transform_0, window_bounds = array<i64: 2, 1000, 128>}, {transform_indices = @transform_1, window_bounds = array<i64: 1000, 128>}, {transform_indices = @transform_2, window_bounds = array<i64: 1000, 8>}, {pipeline_mode = #tpu.pipeline_mode<synchronous>, transform_indices = @transform_3, window_bounds = array<i64: 128, 128>}, {pipeline_mode = #tpu.pipeline_mode<synchronous>, transform_indices = @transform_4, window_bounds = array<i64: 1, 128>}, {pipeline_mode = #tpu.pipeline_mode<synchronous>, transform_indices = @transform_5, window_bounds = array<i64: 128, 128>}, {pipeline_mode = #tpu.pipeline_mode<synchronous>, transform_indices = @transform_6, window_bounds = array<i64: 1, 128>}, {pipeline_mode = #tpu.pipeline_mode<synchronous>, transform_indices = @transform_7, window_bounds = array<i64: 1, 128>}, {pipeline_mode = #tpu.pipeline_mode<synchronous>, transform_indices = @transform_8, window_bounds = array<i64: 128, 64>}, {pipeline_mode = #tpu.pipeline_mode<synchronous>, transform_indices = @transform_9, window_bounds = array<i64: 1, 64>}, {pipeline_mode = #tpu.pipeline_mode<synchronous>, transform_indices = @transform_10, window_bounds = array<i64: 64, 32>}, {pipeline_mode = #tpu.pipeline_mode<synchronous>, transform_indices = @transform_11, window_bounds = array<i64: 1, 32>}, {pipeline_mode = #tpu.pipeline_mode<synchronous>, transform_indices = @transform_12, window_bounds = array<i64: 32, 8>}, {pipeline_mode = #tpu.pipeline_mode<synchronous>, transform_indices = @transform_13, window_bounds = array<i64: 1, 8>}, {transform_indices = @transform_14, window_bounds = array<i64: 1000, 8>}]} {
    %get3A = arith.constant 0 : index
    %get3A_0 = arith.constant 0 : index
    %get3A_1 = arith.constant 0 : index
    %get3A_2 = vector.load %arg1[%get3A, %get3A_0, %get3A_1] : memref<2x1000x128xf32, #tpu.memory_space<vmem>>, vector<1x1000x128xf32>
    %get3A_3 = vector.shape_cast %get3A_2 : vector<1x1000x128xf32> to vector<1000x128xf32>
    %get3A_4 = arith.constant 1 : index
    %get3A_5 = arith.constant 0 : index
    %get3A_6 = arith.constant 0 : index
    %get3A_7 = vector.load %arg1[%get3A_4, %get3A_5, %get3A_6] : memref<2x1000x128xf32, #tpu.memory_space<vmem>>, vector<1x1000x128xf32>
    %get3A_8 = vector.shape_cast %get3A_7 : vector<1x1000x128xf32> to vector<1000x128xf32>
    %add3A = arith.addf %get3A_3, %get3A_8 : vector<1000x128xf32>
    %get3A_9 = arith.constant 0 : index
    %get3A_10 = arith.constant 0 : index
    %get3A_11 = vector.load %arg3[%get3A_9, %get3A_10] : memref<1000x8xf32, #tpu.memory_space<vmem>>, vector<1000x1xf32>
    %mul3A = vector.broadcast %get3A_11 : vector<1000x1xf32> to vector<1000x128xf32>
    %mul3A_12 = arith.mulf %add3A, %mul3A : vector<1000x128xf32>
    %get3A_13 = arith.constant 0 : index
    %get3A_14 = arith.constant 0 : index
    %get3A_15 = vector.load %arg4[%get3A_13, %get3A_14] : memref<128x128xf32, #tpu.memory_space<vmem>>, vector<128x128xf32>
    %dot_general3A = arith.constant dense<0.000000e+00> : vector<1000x128xf32>
    %dot_general3A_16 = tpu.matmul %mul3A_12, %get3A_15, %dot_general3A {dimension_numbers = #tpu.dot_dimension_numbers<[1], [0], [0], [1], [0, 0, 1, 1], [], []>, transpose_lhs_hint = false} : vector<1000x128xf32>, vector<128x128xf32>, vector<1000x128xf32> -> vector<1000x128xf32>
    %get3A_17 = arith.constant 0 : index
    %get3A_18 = arith.constant 0 : index
    %get3A_19 = vector.load %arg5[%get3A_17, %get3A_18] : memref<1x128xf32, #tpu.memory_space<vmem>>, vector<1x128xf32>
    %add3A_20 = vector.broadcast %get3A_19 : vector<1x128xf32> to vector<1000x128xf32>
    %add3A_21 = arith.addf %dot_general3A_16, %add3A_20 : vector<1000x128xf32>
    %get3A_22 = arith.constant 0 : index
    %get3A_23 = arith.constant 0 : index
    %get3A_24 = vector.load %arg2[%get3A_22, %get3A_23] : memref<1000x128xf32, #tpu.memory_space<vmem>>, vector<1000x128xf32>
    %get3A_25 = arith.constant 0 : index
    %get3A_26 = arith.constant 0 : index
    %get3A_27 = vector.load %arg6[%get3A_25, %get3A_26] : memref<128x128xf32, #tpu.memory_space<vmem>>, vector<128x128xf32>
    %dot_general3A_28 = arith.constant dense<0.000000e+00> : vector<1000x128xf32>
    %dot_general3A_29 = tpu.matmul %get3A_24, %get3A_27, %dot_general3A_28 {dimension_numbers = #tpu.dot_dimension_numbers<[1], [0], [0], [1], [0, 0, 1, 1], [], []>, transpose_lhs_hint = false} : vector<1000x128xf32>, vector<128x128xf32>, vector<1000x128xf32> -> vector<1000x128xf32>
    %add3A_30 = arith.addf %add3A_21, %dot_general3A_29 : vector<1000x128xf32>
    %get3A_31 = arith.constant 0 : index
    %get3A_32 = arith.constant 0 : index
    %get3A_33 = vector.load %arg7[%get3A_31, %get3A_32] : memref<1x128xf32, #tpu.memory_space<vmem>>, vector<1x128xf32>
    %get3A_34 = arith.constant 0 : index
    %get3A_35 = arith.constant 0 : index
    %get3A_36 = vector.load %arg8[%get3A_34, %get3A_35] : memref<1x128xf32, #tpu.memory_space<vmem>>, vector<1x128xf32>
    %reduce_sum3A = arith.constant dense<0.000000e+00> : vector<1000xf32>
    %reduce_sum3A_37 = vector.multi_reduction <add>, %add3A_30, %reduce_sum3A [1] : vector<1000x128xf32> to vector<1000xf32>
    %broadcast_in_dim3A = vector.shape_cast %reduce_sum3A_37 : vector<1000xf32> to vector<1000x1xf32>
    %div3A = arith.constant 1.280000e+02 : f32
    %div3A_38 = vector.broadcast %div3A : f32 to vector<1000x1xf32>
    %div3A_39 = arith.divf %broadcast_in_dim3A, %div3A_38 : vector<1000x1xf32>
    %sub3A = vector.broadcast %div3A_39 : vector<1000x1xf32> to vector<1000x128xf32>
    %sub3A_40 = arith.subf %add3A_30, %sub3A : vector<1000x128xf32>
    %integer_pow3A = arith.mulf %sub3A_40, %sub3A_40 : vector<1000x128xf32>
    %reduce_sum3A_41 = arith.constant dense<0.000000e+00> : vector<1000xf32>
    %reduce_sum3A_42 = vector.multi_reduction <add>, %integer_pow3A, %reduce_sum3A_41 [1] : vector<1000x128xf32> to vector<1000xf32>
    %broadcast_in_dim3A_43 = vector.shape_cast %reduce_sum3A_42 : vector<1000xf32> to vector<1000x1xf32>
    %div3A_44 = arith.constant 1.280000e+02 : f32
    %div3A_45 = vector.broadcast %div3A_44 : f32 to vector<1000x1xf32>
    %div3A_46 = arith.divf %broadcast_in_dim3A_43, %div3A_45 : vector<1000x1xf32>
    %sub3A_47 = vector.broadcast %div3A_39 : vector<1000x1xf32> to vector<1000x128xf32>
    %sub3A_48 = arith.subf %add3A_30, %sub3A_47 : vector<1000x128xf32>
    %mul3A_49 = vector.broadcast %get3A_33 : vector<1x128xf32> to vector<1000x128xf32>
    %mul3A_50 = arith.mulf %mul3A_49, %sub3A_48 : vector<1000x128xf32>
    %add3A_51 = arith.constant 9.99999974E-6 : f32
    %add3A_52 = vector.broadcast %add3A_51 : f32 to vector<1000x1xf32>
    %add3A_53 = arith.addf %div3A_46, %add3A_52 : vector<1000x1xf32>
    %rsqrt3A = math.rsqrt %add3A_53 : vector<1000x1xf32>
    %mul3A_54 = vector.broadcast %rsqrt3A : vector<1000x1xf32> to vector<1000x128xf32>
    %mul3A_55 = arith.mulf %mul3A_50, %mul3A_54 : vector<1000x128xf32>
    %add3A_56 = vector.broadcast %get3A_36 : vector<1x128xf32> to vector<1000x128xf32>
    %add3A_57 = arith.addf %mul3A_55, %add3A_56 : vector<1000x128xf32>
    %max3A = arith.constant 0.000000e+00 : f32
    %max3A_58 = vector.broadcast %max3A : f32 to vector<1000x128xf32>
    %max3A_59 = arith.maximumf %add3A_57, %max3A_58 : vector<1000x128xf32>
    %get3A_60 = arith.constant 0 : index
    %get3A_61 = arith.constant 0 : index
    %get3A_62 = vector.load %arg9[%get3A_60, %get3A_61] : memref<128x64xf32, #tpu.memory_space<vmem>>, vector<128x64xf32>
    %dot_general3A_63 = arith.constant dense<0.000000e+00> : vector<1000x64xf32>
    %dot_general3A_64 = tpu.matmul %max3A_59, %get3A_62, %dot_general3A_63 {dimension_numbers = #tpu.dot_dimension_numbers<[1], [0], [0], [1], [0, 0, 1, 1], [], []>, transpose_lhs_hint = false} : vector<1000x128xf32>, vector<128x64xf32>, vector<1000x64xf32> -> vector<1000x64xf32>
    %get3A_65 = arith.constant 0 : index
    %get3A_66 = arith.constant 0 : index
    %get3A_67 = vector.load %arg10[%get3A_65, %get3A_66] : memref<1x64xf32, #tpu.memory_space<vmem>>, vector<1x64xf32>
    %add3A_68 = vector.broadcast %get3A_67 : vector<1x64xf32> to vector<1000x64xf32>
    %add3A_69 = arith.addf %dot_general3A_64, %add3A_68 : vector<1000x64xf32>
    %max3A_70 = arith.constant 0.000000e+00 : f32
    %max3A_71 = vector.broadcast %max3A_70 : f32 to vector<1000x64xf32>
    %max3A_72 = arith.maximumf %add3A_69, %max3A_71 : vector<1000x64xf32>
    %get3A_73 = arith.constant 0 : index
    %get3A_74 = arith.constant 0 : index
    %get3A_75 = vector.load %arg11[%get3A_73, %get3A_74] : memref<64x32xf32, #tpu.memory_space<vmem>>, vector<64x32xf32>
    %dot_general3A_76 = arith.constant dense<0.000000e+00> : vector<1000x32xf32>
    %dot_general3A_77 = tpu.matmul %max3A_72, %get3A_75, %dot_general3A_76 {dimension_numbers = #tpu.dot_dimension_numbers<[1], [0], [0], [1], [0, 0, 1, 1], [], []>, transpose_lhs_hint = false} : vector<1000x64xf32>, vector<64x32xf32>, vector<1000x32xf32> -> vector<1000x32xf32>
    %get3A_78 = arith.constant 0 : index
    %get3A_79 = arith.constant 0 : index
    %get3A_80 = vector.load %arg12[%get3A_78, %get3A_79] : memref<1x32xf32, #tpu.memory_space<vmem>>, vector<1x32xf32>
    %add3A_81 = vector.broadcast %get3A_80 : vector<1x32xf32> to vector<1000x32xf32>
    %add3A_82 = arith.addf %dot_general3A_77, %add3A_81 : vector<1000x32xf32>
    %max3A_83 = arith.constant 0.000000e+00 : f32
    %max3A_84 = vector.broadcast %max3A_83 : f32 to vector<1000x32xf32>
    %max3A_85 = arith.maximumf %add3A_82, %max3A_84 : vector<1000x32xf32>
    %get3A_86 = arith.constant 0 : index
    %get3A_87 = arith.constant 0 : index
    %get3A_88 = vector.load %arg13[%get3A_86, %get3A_87] : memref<32x8xf32, #tpu.memory_space<vmem>>, vector<32x8xf32>
    %dot_general3A_89 = arith.constant dense<0.000000e+00> : vector<1000x8xf32>
    %dot_general3A_90 = tpu.matmul %max3A_85, %get3A_88, %dot_general3A_89 {dimension_numbers = #tpu.dot_dimension_numbers<[1], [0], [0], [1], [0, 0, 1, 1], [], []>, transpose_lhs_hint = false} : vector<1000x32xf32>, vector<32x8xf32>, vector<1000x8xf32> -> vector<1000x8xf32>
    %get3A_91 = arith.constant 0 : index
    %get3A_92 = arith.constant 0 : index
    %get3A_93 = vector.load %arg14[%get3A_91, %get3A_92] : memref<1x8xf32, #tpu.memory_space<vmem>>, vector<1x8xf32>
    %add3A_94 = vector.broadcast %get3A_93 : vector<1x8xf32> to vector<1000x8xf32>
    %add3A_95 = arith.addf %dot_general3A_90, %add3A_94 : vector<1000x8xf32>
    %swap3A = arith.constant 0 : index
    %swap3A_96 = arith.constant 0 : index
    %swap3A_97 = vector.load %arg15[%swap3A, %swap3A_96] : memref<1000x8xf32, #tpu.memory_space<vmem>>, vector<1000x8xf32>
    tpu.vector_store %arg15[%swap3A, %swap3A_96], %add3A_95 {strides = array<i32>} : memref<1000x8xf32, #tpu.memory_space<vmem>>, vector<1000x8xf32>,
    return
  }
  func.func @transform_0(%arg0: i32) -> (i32, i32, i32) {
    %c0_i32 = arith.constant 0 : i32
    %c0_i32_0 = arith.constant 0 : i32
    %c0_i32_1 = arith.constant 0 : i32
    return %c0_i32, %arg0, %c0_i32_0 : i32, i32, i32
  }
  func.func @transform_1(%arg0: i32) -> (i32, i32) {
    %c0_i32 = arith.constant 0 : i32
    %c0_i32_0 = arith.constant 0 : i32
    return %arg0, %c0_i32 : i32, i32
  }
  func.func @transform_2(%arg0: i32) -> (i32, i32) {
    %c0_i32 = arith.constant 0 : i32
    %c0_i32_0 = arith.constant 0 : i32
    return %arg0, %c0_i32 : i32, i32
  }
  func.func @transform_3(%arg0: i32) -> (i32, i32) {
    %c0_i32 = arith.constant 0 : i32
    %c0_i32_0 = arith.constant 0 : i32
    %c0_i32_1 = arith.constant 0 : i32
    return %c0_i32, %c0_i32_0 : i32, i32
  }
  func.func @transform_4(%arg0: i32) -> (i32, i32) {
    %c0_i32 = arith.constant 0 : i32
    %c0_i32_0 = arith.constant 0 : i32
    %c0_i32_1 = arith.constant 0 : i32
    return %c0_i32, %c0_i32_0 : i32, i32
  }
  func.func @transform_5(%arg0: i32) -> (i32, i32) {
    %c0_i32 = arith.constant 0 : i32
    %c0_i32_0 = arith.constant 0 : i32
    %c0_i32_1 = arith.constant 0 : i32
    return %c0_i32, %c0_i32_0 : i32, i32
  }
  func.func @transform_6(%arg0: i32) -> (i32, i32) {
    %c0_i32 = arith.constant 0 : i32
    %c0_i32_0 = arith.constant 0 : i32
    %c0_i32_1 = arith.constant 0 : i32
    return %c0_i32, %c0_i32_0 : i32, i32
  }
  func.func @transform_7(%arg0: i32) -> (i32, i32) {
    %c0_i32 = arith.constant 0 : i32
    %c0_i32_0 = arith.constant 0 : i32
    %c0_i32_1 = arith.constant 0 : i32
    return %c0_i32, %c0_i32_0 : i32, i32
  }
  func.func @transform_8(%arg0: i32) -> (i32, i32) {
    %c0_i32 = arith.constant 0 : i32
    %c0_i32_0 = arith.constant 0 : i32
    %c0_i32_1 = arith.constant 0 : i32
    return %c0_i32, %c0_i32_0 : i32, i32
  }
  func.func @transform_9(%arg0: i32) -> (i32, i32) {
    %c0_i32 = arith.constant 0 : i32
    %c0_i32_0 = arith.constant 0 : i32
    %c0_i32_1 = arith.constant 0 : i32
    return %c0_i32, %c0_i32_0 : i32, i32
  }
  func.func @transform_10(%arg0: i32) -> (i32, i32) {
    %c0_i32 = arith.constant 0 : i32
    %c0_i32_0 = arith.constant 0 : i32
    %c0_i32_1 = arith.constant 0 : i32
    return %c0_i32, %c0_i32_0 : i32, i32
  }
  func.func @transform_11(%arg0: i32) -> (i32, i32) {
    %c0_i32 = arith.constant 0 : i32
    %c0_i32_0 = arith.constant 0 : i32
    %c0_i32_1 = arith.constant 0 : i32
    return %c0_i32, %c0_i32_0 : i32, i32
  }
  func.func @transform_12(%arg0: i32) -> (i32, i32) {
    %c0_i32 = arith.constant 0 : i32
    %c0_i32_0 = arith.constant 0 : i32
    %c0_i32_1 = arith.constant 0 : i32
    return %c0_i32, %c0_i32_0 : i32, i32
  }
  func.func @transform_13(%arg0: i32) -> (i32, i32) {
    %c0_i32 = arith.constant 0 : i32
    %c0_i32_0 = arith.constant 0 : i32
    %c0_i32_1 = arith.constant 0 : i32
    return %c0_i32, %c0_i32_0 : i32, i32
  }
  func.func @transform_14(%arg0: i32) -> (i32, i32) {
    %c0_i32 = arith.constant 0 : i32
    %c0_i32_0 = arith.constant 0 : i32
    return %arg0, %c0_i32 : i32, i32
  }
}

</mosaic_0001>

<sc_bundles>
// kernel: kernel.12.cloned.1.call-start
scs
__scs_entry_jumppad:
0x0: {  	(pc) =	sbr.rel $0x88, $3  }
0x1: {  	(tag) =	ssettag $0x0;
	lr =	simm.s32 $0x1  }
0x2: {  	[smem:$0x3F8A] =	sst lr;
	_ =	strace $0xD0000000  }
0x3: {  	_ = 	snop  }
0x4: {  	_ = 	snop  }
0x5: {  	_ = 	snop  }
0x6: {  	_ = 	snop  }
0x7: {  	_ = 	snop  }
__scs_overlays_trampoline_lowered:
0x8: {  	[smem:$0x3F99] =	sst s0  }
0x9: {  	[smem:$0x3F9A] =	sst s1  }
0xa: {  	[smem:$0x3F9B] =	sst s2  }
0xb: {  	[smem:$0x3F9C] =	sst s3  }
0xc: {  	[smem:$0x3F9D] =	sst s4  }
0xd: {  	[smem:$0x3F9E] =	sst s5  }
0xe: {  	[smem:$0x3F9F] =	sst s6  }
0xf: {  	[smem:$0x3FA0] =	sst s7  }
0x10: {  	[smem:$0x3FA1] =	sst s8  }
0x11: {  	[smem:$0x3FA2] =	sst s9;
	s0 =	simm.s32 @!p0 $0x0  }
0x12: {  	s1 =	sld [smem:$0x3F88];
	s0 =	simm.s32 @p0 $0x1  }
0x13: {  	[smem:$0x3FA3] =	sst s0;
	s0 =	simm.s32 @!p1 $0x0  }
0x14: {  	s2 =	sld [smem:$0x3F87];
	s0 =	simm.s32 @p1 $0x1  }
0x15: {  	[smem:$0x3FA4] =	sst s0;
	s0 =	simm.s32 @!p2 $0x0  }
0x16: {  	s3 =	sld [smem:$0x3FDB];
	s0 =	simm.s32 @p2 $0x1  }
0x17: {  	s4 =	simm.s32 $0x1BF5;
	[smem:$0x3FA6] =	sst s0  }
0x18: {  	s0 =	sld [smem:$0x3F89];
	_ =	swait.ge [sflag:s4], $0x0  }
0x19: {  	s7 =	sld [smem:$0x3F8A]  }
0x1a: {  	s8 =	sadd.s32 $0xFFFFE003, lr  }
0x1b: {  	s9 =	sadd.s32 $0xFFFFFEF7, lr;
	s5 =	simm.s32 $0xFFFFFFFF;
	p2 =	slt.u32 s8, $0xFFFFF086  }
0x1c: {  	p1 =	slt.u32 s9, $0xF7A;
	s5 =	simm.s32 @!p2 $0x0  }
0x1d: {  	s5 =	simm.s32 @p1 $0x1;
	p0 =	seq.s32 s7, s2  }
0x1e: {  	s7 =	smul.u32 @!p0 $0xF7A, s2;
	p2 =	seq.s32 @!p0 s5, $0x0  }
0x1f: {  	s9 =	smul.u32 $0xF7A, s1;
	s8 =	simm.s32 @!p0 $0x1BF5;
	p2 =	por !p2, p0  }
0x20: {  	[sflag:s8] =	ssyncset.s32 @!p0 $0xFFFFF086;
	s6 =	sadd.s32 @!p0 s3, s7;
	s7 =	simm.s32 @!p0 $0x108  }
0x21: {  	s3 =	sadd.s32 s3, s9;
	s6 =	sadd.s32 @!p0 $0x88, s6;
	s7 =	simm.s32 @p2 $0x1082  }
0x22: {  	[simem:s7], [sflag:s8] =	dma.local @!p0 [hbm:s6], $0xF7A  }
0x23: {  	s9 =	sor.u32 $0xD0000000, s2;
	s6 =	simm.s32 $0x108;
	_ =	swait.ge @!p0 [sflag:s8], $0x0  }
0x24: {  	s3 =	sadd.s32 $0x88, s3;
	s6 =	simm.s32 @!p1 $0x1082;
	[sflag:s4] =	ssyncset.s32 $0xFFFFF086  }
0x25: {  	[simem:s6], [sflag:s4] =	dma.local [hbm:s3], $0xF7A  }
0x26: {  	[smem:$0x3F8A] =	sst s1;
	(tag) =	ssettag s2;
	_ =	strace s9  }
0x27: {  	s1 =	sld [smem:$0x3F9A]  }
0x28: {  	s2 =	sld [smem:$0x3F9B]  }
0x29: {  	s4 =	sld [smem:$0x3F9D]  }
0x2a: {  	p0 =	seq.s32 s5, $0x0;
	s5 =	sld [smem:$0x3F9E]  }
0x2b: {  	s6 =	sld [smem:$0x3F9F]  }
0x2c: {  	s7 =	sld [smem:$0x3FA0]  }
0x2d: {  	s3 =	simm.s32 $0x108;
	s8 =	sld [smem:$0x3FA1]  }
0x2e: {  	s3 =	simm.s32 @!p0 $0x1082;
	s9 =	sld [smem:$0x3FA2]  }
0x2f: {  	lr =	sadd.s32 s0, s3;
	s0 =	sld [smem:$0x3F99]  }
0x30: {  	s3 =	sld [smem:$0x3F9C]  }
0x31: {  	[smem:$0x3FA5] =	sst s10  }
0x32: {  	s10 =	sld [smem:$0x3FA3];
	_ =	sdelay $0x3  }
0x33: {  	p0 =	seq.s32 s10, $0x1;
	s10 =	sld [smem:$0x3FA5];
	_ =	sdelay $0x3  }
0x34: {  	[smem:$0x3FA5] =	sst s10  }
0x35: {  	s10 =	sld [smem:$0x3FA4];
	_ =	sdelay $0x3  }
0x36: {  	p1 =	seq.s32 s10, $0x1;
	s10 =	sld [smem:$0x3FA5];
	_ =	sdelay $0x3  }
0x37: {  	[smem:$0x3FA5] =	sst s10  }
0x38: {  	s10 =	sld [smem:$0x3FA6]  }
0x39: {  	_ = 	snop;
	(pc) =	sbr.ind lr, $3  }
0x3a: {  	_ = 	snop  }
0x3b: {  	_ = 	snop  }
0x3c: {  	p2 =	seq.s32 s10, $0x1;
	s10 =	sld [smem:$0x3FA5]  }
0x3d: {  	_ =	shalt  }
0x3e: {  	_ =	shalt  }
0x3f: {  	_ =	shalt  }
0x40: {  	_ =	shalt  }
0x41: {  	_ =	shalt  }
0x42: {  	_ =	shalt  }
0x43: {  	_ =	shalt  }
0x44: {  	_ =	shalt  }
0x45: {  	_ =	shalt  }
0x46: {  	_ =	shalt  }
0x47: {  	_ =	shalt  }
0x48: {  	_ =	shalt  }
0x49: {  	_ =	shalt  }
0x4a: {  	_ =	shalt  }
0x4b: {  	_ =	shalt  }
0x4c: {  	_ =	shalt  }
0x4d: {  	_ =	shalt  }
0x4e: {  	_ =	shalt  }
0x4f: {  	_ =	shalt  }
0x50: {  	_ =	shalt  }
0x51: {  	_ =	shalt  }
0x52: {  	_ =	shalt  }
0x53: {  	_ =	shalt  }
0x54: {  	_ =	shalt  }
0x55: {  	_ =	shalt  }
0x56: {  	_ =	shalt  }
0x57: {  	_ =	shalt  }
0x58: {  	_ =	shalt  }
0x59: {  	_ =	shalt  }
0x5a: {  	_ =	shalt  }
0x5b: {  	_ =	shalt  }
0x5c: {  	_ =	shalt  }
0x5d: {  	_ =	shalt  }
0x5e: {  	_ =	shalt  }
0x5f: {  	_ =	shalt  }
0x60: {  	_ =	shalt  }
0x61: {  	_ =	shalt  }
0x62: {  	_ =	shalt  }
0x63: {  	_ =	shalt  }
0x64: {  	_ =	shalt  }
0x65: {  	_ =	shalt  }
0x66: {  	_ =	shalt  }
0x67: {  	_ =	shalt  }
0x68: {  	_ =	shalt  }
0x69: {  	_ =	shalt  }
0x6a: {  	_ =	shalt  }
0x6b: {  	_ =	shalt  }
0x6c: {  	_ =	shalt  }
0x6d: {  	_ =	shalt  }
0x6e: {  	_ =	shalt  }
0x6f: {  	_ =	shalt  }
0x70: {  	_ =	shalt  }
0x71: {  	_ =	shalt  }
0x72: {  	_ =	shalt  }
0x73: {  	_ =	shalt  }
0x74: {  	_ =	shalt  }
0x75: {  	_ =	shalt  }
0x76: {  	_ =	shalt  }
0x77: {  	_ =	shalt  }
0x78: {  	_ =	shalt  }
0x79: {  	_ =	shalt  }
0x7a: {  	_ =	shalt  }
0x7b: {  	_ =	shalt  }
0x7c: {  	_ =	shalt  }
0x7d: {  	_ =	shalt  }
0x7e: {  	_ =	shalt  }
0x7f: {  	_ =	shalt  }
0x80: {  	_ =	shalt  }
0x81: {  	_ =	shalt  }
0x82: {  	_ =	shalt  }
0x83: {  	_ =	shalt  }
0x84: {  	_ =	shalt  }
0x85: {  	_ =	shalt  }
0x86: {  	_ =	shalt  }
0x87: {  	_ =	shalt  }
.Lfunc_end0:
.L_simem_size_0:
called_computation.1_lowered:
.L_overlay_start_0:
0x88: {  	s2 =	sld [smem:$0x3FD9]  }
0x89: {  	s3 =	sld [smem:$0x3FFE];
	_ =	sdelay $0x1  }
0x8a: {  	s1 =	srdreg.scid  }
0x8b: {  	s0 =	sand.u32 $0x1, s1  }
0x8c: {  	s17 =	sshll.u32 s0, $0xA;
	s2 =	sadd.s32 s3, s2  }
0x8d: {  	s2 =	sadd.s32 s2, s17  }
0x8e: {  	[smem:$0x3FB1] =	sst s2  }
0x8f: {  	_ = 	snop  }
0x90: {  	s18 =	sld [smem:$0x3FC9];
	(tm) =	ssettm $0x1  }
0x91: {  	s19 =	sld [smem:$0x3FFB];
	_ =	sdelay $0x3  }
0x92: {  	_ =	strace s19  }
0x93: {  	s2 =	sld [smem:$0x3FFC];
	_ =	sdelay $0x3  }
0x94: {  	_ =	strace s2  }
0x95: {  	s2 =	sld [smem:$0x3FFD];
	_ =	sdelay $0x3  }
0x96: {  	_ =	strace s2  }
0x97: {  	_ =	strace $0x8FFFFFFF  }
0x98: {  	s20 =	sld [smem:$0x3FDB];
	_ =	sdelay $0x1  }
0x99: {  	s4 =	simm.s32 $_scs_section_size  }
0x9a: {  	s5 =	simm.s32 $_size__tile_overlayer_lowered;
	s6 =	simm.s32 $_tile_overlayer_lowered  }
0x9b: {  	s7 =	simm.s32 $0x1BFF;
	s21 =	sshll.u32 s6, $0x1;
	s4 =	sadd.s32 s4, s20  }
0x9c: {  	s22 =	simm.s32 $0x0;
	s5 =	sshll.u32 s5, $0x1;
	s6 =	sadd.s32 s21, s4  }
0x9d: {  	[timem:s22], [sflag:s7] =	dma.local [hbm:s6], s5  }
0x9e: {  	_ =	swait.ge [sflag:s7], s5  }
0x9f: {  	s5 =	ssub.s32 $0x0, s5;
	[sflag:s7] =	ssyncset.done $0x0  }
0xa0: {  	[sflag:s7] =	ssyncadd.s32 s5;
	_ =	sdelay $0x1  }
0xa1: {  	s23 =	simm.s32 $0x1B8B  }
0xa2: {  	_ =	swait.ge [sflag:s23], $0x1  }
0xa3: {  	[sflag:s23] =	ssyncset.done $0x0  }
0xa4: {  	[sflag:s23] =	ssyncadd.s32 $0xFFFFFFFF  }
0xa5: {  	s5 =	sld [smem:$0x0]  }
0xa6: {  	s6 =	sand.u32 $0xFFFFFFFE, s1  }
0xa7: {  	p0 =	sne.s32 s1, s6  }
0xa8: {  	s6 =	sshll.u32 @p0 s6, $0xE  }
0xa9: {  	s6 =	sadd.s32 @p0 $0x11B8D, s6;
	s7 =	sshll.u32 @p0 s5, $0x11  }
0xaa: {  	s6 =	sor.u32 @p0 s7, s6  }
0xab: {  	[sflag:s6] =	ssyncadd.remote.s32 @p0 $0x1;
	_ =	sdelay $0x1  }
0xac: {  	s6 =	simm.s32 @p0 $0x1B8D  }
0xad: {  	_ =	swait.eq @p0 [sflag:s6], $0x1  }
0xae: {  	[sflag:s6] =	ssyncadd.s32 @p0 $0xFFFFFFFF  }
0xaf: {  	s7 =	sshll.u32 @!p0 s1, $0xE  }
0xb0: {  	s7 =	sor.u32 @!p0 $0x4000, s7;
	s6 =	simm.s32 @!p0 $0x1B8D  }
0xb1: {  	s5 =	sshll.u32 @!p0 s5, $0x11;
	s7 =	sadd.s32 @!p0 $0x11B8D, s7;
	_ =	swait.eq @!p0 [sflag:s6], $0x1  }
0xb2: {  	s5 =	sor.u32 @!p0 s5, s7;
	[sflag:s6] =	ssyncadd.s32 @!p0 $0xFFFFFFFF  }
0xb3: {  	s25 =	simm.s32 $0x1B8E;
	s24 =	sld [smem:$0x3FFE];
	[sflag:s5] =	ssyncadd.remote.s32 @!p0 $0x1  }
0xb4: {  	s26 =	simm.s32 $execute0_lowered;
	[smem:$0x3FD2] =	sst s25  }
0xb5: {  	s6 =	sshll.u32 s26, $0x1;
	_ =	strace $0x80000049;
	[dreg:$0x1] =	wrdreg $0xFFFFFFFF  }
0xb6: {  	s28 =	simm.s32 $_size_execute0_lowered;
	s4 =	sadd.s32 s4, s6;
	[dreg:$0x0] =	wrdreg $0x0  }
0xb7: {  	s6 =	sshll.u32 s28, $0x1;
	[dreg:$0x2] =	wrdreg s4  }
0xb8: {  	[dreg:$0x3] =	wrdreg s6  }
0xb9: {  	[dreg:$0x4] =	wrdreg $0xC0  }
0xba: {  	_ =	task [dreg:s22], $0x5FFFF  }
0xbb: {  	[dreg:$0x1] =	wrdreg $0xFFFFFFFF  }
0xbc: {  	[dreg:$0x0] =	wrdreg $0x60  }
0xbd: {  	[dreg:$0x2] =	wrdreg s18  }
0xbe: {  	[dreg:$0x3] =	wrdreg s24  }
0xbf: {  	[dreg:$0x4] =	wrdreg $0x9EC00  }
0xc0: {  	[dreg:$0x5] =	wrdreg $0xA  }
0xc1: {  	_ =	task.clear_ibuf [dreg:s22], $0x6FFFF;
	_ =	strace $0x90000049  }
0xc2: {  	s29 =	simm.s32 $0xA;
	_ =	strace $0x8000004B  }
0xc3: {  	_ =	swait.ge [sflag:s29], $0x1  }
0xc4: {  	[sflag:s29] =	ssyncadd.s32 $0xFFFFFFFF  }
0xc5: {  	_ =	strace $0x9000004B  }
0xc6: {  	_ =	sfence  }
0xc7: {  	s30 =	sld [smem:$0x0];
	_ =	sdelay $0x2  }
0xc8: {  	s31 =	sshll.u32 s1, $0xD;
	s1 =	sshrl.u32 s1, $0x2  }
0xc9: {  	s4 =	sand.u32 $0x4000, s31;
	s1 =	sadd.s32 s1, s30  }
0xca: {  	s0 =	sor.u32 s4, s0;
	s1 =	sshll.u32 s1, $0x11  }
0xcb: {  	s0 =	sor.u32 s1, s0  }
0xcc: {  	s0 =	sadd.s32 $0x8F2B, s0  }
0xcd: {  	[sflag:s0] =	ssyncadd.remote.s32 $0x1  }
0xce: {  	_ =	sfence.sel $0xFFFF  }
0xcf: {  	[dreg:$0x0] =	wrdreg $0xFFFFFFFF;
	(pc) =	sbr.abs _section_cstart, $3  }
0xd0: {  	[dreg:$0x1] =	wrdreg $0xFFFFFFFF  }
0xd1: {  	_ =	task.clear_ibuf [dreg:s22], $0x2FFFF;
	_ =	strace $0x9FFFFFFF  }
0xd2: {  	(tm) =	ssettm $0x7FFFFFFF  }
0xd3: {  	_ =	shalt  }
tec
execute0_lowered:
.L_overlay_start_1:
0x0: {  	(tag) =	ssettag $0x1  }
0x1: {  	s1 =	rddreg [dreg:$0x0]  }
0x2: {  	s5 =	rddreg [dreg:$0x1]  }
0x3: {  	s0 =	srdreg.scid;
	s3 =	rddreg [dreg:$0x2]  }
0x4: {  	s4 =	simm.s32 $0x0;
	s14 =	simm.s32 $0x50;
	s15 =	simm.s32 $0x4EC0  }
0x5: {  	s16 =	simm.s32 $0x76C0;
	s17 =	simm.s32 $0x27B0;
	s18 =	simm.s32 $0x1  }
0x6: {  	s19 =	simm.s32 $0x2;
	s8 =	sand.u32 $0x1, s0;
	s0 =	stileid.u32  }
0x7: {  	s20 =	simm.s32 $0x0;
	[smem:$0x7FF] =	sst s4;
	s7 =	smul.u32 $0x13900, s0  }
0x8: {  	s2 =	sshll.u32 s8, $0x4;
	s9 =	smul.u32 $0x139000, s8;
	s11 =	ssub.s32 $0x2, s8  }
0x9: {  	p0 =	seq.s32 s8, $0x1;
	s31 =	sshll.u32 s0, $0x6;
	s2 =	sor.u32 s0, s2  }
0xa: {  	s12 =	sshrl.u32 s11, $0x1;
	s6 =	smul.u32 $0x4EC, s2;
	s2 =	rddreg [dreg:$0x3]  }
0xb: {  	_ =	strace $0x8000004A;
	s10 =	sshrl.u32 s7, $0x3;
	s9 =	sadd.s32 s7, s9  }
0xc: {  	s11 =	ssub.s32 s11, s12;
	s13 =	sadd.s32 s7, s3;
	s12 =	sor.u32 $0x1C03, s31  }
0xd: {  	s10 =	sadd.s32 s10, s5;
	s9 =	sshrl.u32 s9, $0x3;
	s13 =	sshrl.u32 s13, $0x3  }
0xe: {  	s6 =	sadd.s32 s6, s5;
	s9 =	sadd.s32 s9, s5;
	s7 =	sadd.s32 $0x27000, s10  }
0xf: {  	s10 =	simm.s32 $0x3;
	s5 =	sadd.s32 $0x1D200, s6;
	s6 =	sadd.s32 $0x4600, s6  }
0x10: {  	s8 =	sadd.s32 $0x4E200, s9;
	s9 =	smax.u32 s11, $0x1;
	s11 =	simm.s32 $0x2760  }
.LBB2_1:
0x11: {  	[tilespmem:s4], [sflag:$0x3] =	stream.linear.gather [hbm4b:s5+s4], $0x2760, $0x38;
	[tilespmem:$0x1D7C0] =	vst v63  }
0x12: {  	_ =	swait.ge [sflag:s10], $0x2760  }
0x13: {  	[sflag:s10] =	ssyncset.done $0x0  }
0x14: {  	[sflag:s10] =	ssyncadd.s32 $0xFFFFD8A0  }
0x15: {  	[tilespmem:s11], [sflag:$0x3] =	stream.linear.gather [hbm4b:s6+s4], $0x2760, $0x38;
	[tilespmem:$0x1D7C0] =	vst v63  }
0x16: {  	_ =	swait.ge [sflag:s10], $0x2760  }
0x17: {  	[sflag:s10] =	ssyncset.done $0x0  }
0x18: {  	[sflag:s10] =	ssyncadd.s32 $0xFFFFD8A0  }
0x19: {  	[spmem:s13], [sflag:s12] =	dma.local [hbm:s7], $0x2720  }
0x1a: {  	_ =	swait.ge [sflag:s10], $0x2720  }
0x1b: {  	[sflag:s10] =	ssyncset.done $0x0  }
0x1c: {  	[sflag:s10] =	ssyncadd.s32 $0xFFFFD8E0  }
0x1d: {  	[bflag:$0x0] =	sbarrier.arrive $0xFFFF  }
0x1e: {  	[tilespmem:s15], [sflag:$0x3] =	stream.indirect.gather [hbm4b:s1+s14], $0x80, s4, s14, $0xb8;
	[tilespmem:$0x1D7C0] =	vst v63  }
0x1f: {  	_ =	swait.ge [sflag:s10], $0x2800  }
0x20: {  	[sflag:s10] =	ssyncset.done $0x0  }
0x21: {  	[sflag:s10] =	ssyncadd.s32 $0xFFFFD800  }
0x22: {  	[spmem:s3] =	stream.indirect.scatter.add.f32 [tilespmem:s15], [sflag:$0x1], $0x80, s11, s14, $0xb8;
	[tilespmem:$0x1D7C0] =	vst v63  }
0x23: {  	_ = 	snop  }
0x24: {  	[tilespmem:s16], [sflag:$0x3] =	stream.indirect.gather [hbm4b:s1+s14], $0x80, s14, s14, $0xb8;
	[tilespmem:$0x1D7C0] =	vst v63  }
0x25: {  	_ =	swait.ge [sflag:s10], $0x2800  }
0x26: {  	[sflag:s10] =	ssyncset.done $0x0  }
0x27: {  	[sflag:s10] =	ssyncadd.s32 $0xFFFFD800  }
0x28: {  	[spmem:s3] =	stream.indirect.scatter.add.f32 [tilespmem:s16], [sflag:$0x2], $0x80, s17, s14, $0xb8;
	[tilespmem:$0x1D7C0] =	vst v63  }
0x29: {  	_ =	swait.ge [sflag:s18], $0x2800  }
0x2a: {  	[sflag:s18] =	ssyncset.done $0x0  }
0x2b: {  	s21 =	simm.s32 $0xA0;
	[sflag:s18] =	ssyncadd.s32 $0xFFFFD800  }
0x2c: {  	[tilespmem:s15], [sflag:$0x3] =	stream.indirect.gather [hbm4b:s1+s14], $0x80, s21, s14, $0xb8;
	[tilespmem:$0x1D7C0] =	vst v63  }
0x2d: {  	_ =	swait.ge [sflag:s10], $0x2800  }
0x2e: {  	[sflag:s10] =	ssyncset.done $0x0  }
0x2f: {  	s30 =	simm.s32 $0x2800;
	[sflag:s10] =	ssyncadd.s32 $0xFFFFD800  }
0x30: {  	[spmem:s3] =	stream.indirect.scatter.add.f32 [tilespmem:s15], [sflag:$0x1], $0x80, s30, s14, $0xb8;
	[tilespmem:$0x1D7C0] =	vst v63  }
0x31: {  	_ =	swait.ge [sflag:s19], $0x2800  }
0x32: {  	[sflag:s19] =	ssyncset.done $0x0  }
0x33: {  	s31 =	simm.s32 $0xF0;
	[sflag:s19] =	ssyncadd.s32 $0xFFFFD800  }
0x34: {  	[tilespmem:s16], [sflag:$0x3] =	stream.indirect.gather [hbm4b:s1+s14], $0x80, s31, s14, $0xb8;
	[tilespmem:$0x1D7C0] =	vst v63  }
0x35: {  	_ =	swait.ge [sflag:s10], $0x2800  }
0x36: {  	[sflag:s10] =	ssyncset.done $0x0  }
0x37: {  	s22 =	simm.s32 $0x2850;
	s21 =	simm.s32 $0xFFFF6A00;
	[sflag:s10] =	ssyncadd.s32 $0xFFFFD800  }
.LBB2_2:
0x38: {  	[spmem:s3] =	stream.indirect.scatter.add.f32 [tilespmem:s16], [sflag:$0x2], $0x80, s22, s14, $0xb8;
	[tilespmem:$0x1D7C0] =	vst v63  }
0x39: {  	s22 =	smov.u32 s21  }
0x3a: {  	p1 =	sne.s32 s21, $0xFFFFFD80;
	s21 =	sadd.s32 $0x280, s21;
	_ =	swait.ge [sflag:s18], $0x2800  }
0x3b: {  	s22 =	sshra.s32 s22, $0x2;
	[sflag:s18] =	ssyncset.done $0x0  }
0x3c: {  	s23 =	sadd.s32 $0x26C0, s22;
	[sflag:s18] =	ssyncadd.s32 $0xFFFFD800  }
0x3d: {  	[tilespmem:s15], [sflag:$0x3] =	stream.indirect.gather [hbm4b:s1+s14], $0x80, s23, s14, $0xb8;
	[tilespmem:$0x1D7C0] =	vst v63  }
0x3e: {  	_ =	swait.ge [sflag:s10], $0x2800  }
0x3f: {  	[sflag:s10] =	ssyncset.done $0x0  }
0x40: {  	s23 =	sadd.s32 $0x4E20, s22;
	[sflag:s10] =	ssyncadd.s32 $0xFFFFD800  }
0x41: {  	[spmem:s3] =	stream.indirect.scatter.add.f32 [tilespmem:s15], [sflag:$0x1], $0x80, s23, s14, $0xb8;
	[tilespmem:$0x1D7C0] =	vst v63  }
0x42: {  	_ =	swait.ge [sflag:s19], $0x2800  }
0x43: {  	[sflag:s19] =	ssyncset.done $0x0  }
.Ltmp0:
0x44: {  	s23 =	sadd.s32 $0x2710, s22;
	[sflag:s19] =	ssyncadd.s32 $0xFFFFD800;
	(pc) =	sbr.rel @p1 .LBB2_2-.Ltmp0, $4  }
0x45: {  	[tilespmem:s16], [sflag:$0x3] =	stream.indirect.gather [hbm4b:s1+s14], $0x80, s23, s14, $0xb8;
	[tilespmem:$0x1D7C0] =	vst v63  }
0x46: {  	_ =	swait.ge [sflag:s10], $0x2800  }
0x47: {  	[sflag:s10] =	ssyncset.done $0x0  }
0x48: {  	s22 =	sadd.s32 $0x4E70, s22;
	[sflag:s10] =	ssyncadd.s32 $0xFFFFD800  }
0x49: {  	[spmem:s3] =	stream.indirect.scatter.add.f32 [tilespmem:s16], [sflag:$0x2], $0x80, s22, s14, $0xb8;
	[tilespmem:$0x1D7C0] =	vst v63  }
0x4a: {  	s21 =	simm.s32 @p0 $0x1  }
0x4b: {  	_ =	swait.ge @p0 [sflag:s21], $0x2800  }
0x4c: {  	s22 =	simm.s32 @p0 $0x26C0;
	[sflag:s21] =	ssyncset.done @p0 $0x0  }
0x4d: {  	s23 =	simm.s32 @p0 $0x4EC0;
	[sflag:s21] =	ssyncadd.s32 @p0 $0xFFFFD800;
	s21 =	simm.s32 @p0 $0x50  }
0x4e: {  	[tilespmem:s23], [sflag:$0x3] =	stream.indirect.gather @p0 [hbm4b:s1+s21], $0x80, s22, s21, $0xb8;
	[tilespmem:$0x1D7C0] =	vst v63  }
0x4f: {  	s22 =	simm.s32 @p0 $0x3  }
0x50: {  	_ =	swait.ge @p0 [sflag:s22], $0x2800  }
0x51: {  	[sflag:s22] =	ssyncset.done @p0 $0x0  }
0x52: {  	s24 =	simm.s32 @p0 $0x4E20;
	[sflag:s22] =	ssyncadd.s32 @p0 $0xFFFFD800  }
0x53: {  	[spmem:s3] =	stream.indirect.scatter.add.f32 @p0 [tilespmem:s23], [sflag:$0x1], $0x80, s24, s21, $0xb8;
	[tilespmem:$0x1D7C0] =	vst v63  }
0x54: {  	s23 =	simm.s32 @p0 $0x2  }
0x55: {  	_ =	swait.ge @p0 [sflag:s23], $0x2800  }
0x56: {  	[sflag:s23] =	ssyncset.done @p0 $0x0  }
0x57: {  	s24 =	simm.s32 @p0 $0x76C0;
	[sflag:s23] =	ssyncadd.s32 @p0 $0xFFFFD800;
	s23 =	simm.s32 @p0 $0x2710  }
0x58: {  	[tilespmem:s24], [sflag:$0x3] =	stream.indirect.gather @p0 [hbm4b:s1+s21], $0x80, s23, s21, $0xb8;
	[tilespmem:$0x1D7C0] =	vst v63  }
0x59: {  	_ =	swait.ge @p0 [sflag:s22], $0x2800  }
0x5a: {  	[sflag:s22] =	ssyncset.done @p0 $0x0  }
0x5b: {  	[sflag:s22] =	ssyncadd.s32 @p0 $0xFFFFD800;
	s22 =	simm.s32 @p0 $0x4E70  }
0x5c: {  	[spmem:s3] =	stream.indirect.scatter.add.f32 @p0 [tilespmem:s24], [sflag:$0x2], $0x80, s22, s21, $0xb8;
	[tilespmem:$0x1D7C0] =	vst v63  }
0x5d: {  	_ =	swait.ge [sflag:s18], $0x2800  }
0x5e: {  	[sflag:s18] =	ssyncset.done $0x0  }
0x5f: {  	[sflag:s18] =	ssyncadd.s32 $0xFFFFD800  }
0x60: {  	_ =	swait.ge [sflag:s19], $0x2800  }
0x61: {  	s20 =	sadd.s32 $0x1, s20;
	[sflag:s19] =	ssyncset.done $0x0  }
0x62: {  	p1 =	sne.s32 s20, s9;
	[sflag:s19] =	ssyncadd.s32 $0xFFFFD800  }
.Ltmp1:
0x63: {  	[bflag:$0x0] =	sbarrier.arrive $0xFFFF;
	(pc) =	sbr.rel @p1 .LBB2_1-.Ltmp1, $4  }
0x64: {  	[hbm:s8], [sflag:s12] =	dma.local [spmem:s13], $0x2720  }
0x65: {  	_ =	swait.ge [sflag:s10], $0x2720  }
0x66: {  	[sflag:s10] =	ssyncset.done $0x0  }
0x67: {  	[sflag:s10] =	ssyncadd.s32 $0xFFFFD8E0  }
0x68: {  	_ =	sfence.sel $0x180000  }
0x69: {  	[bflag:$0x0] =	sbarrier.arrive $0xFFFF  }
0x6a: {  	p0 =	sne.s32 s0, $0x0;
	_ =	strace $0x9000004A  }
0x6b: {  	s0 =	sadd.s32 @!p0 $0x100000, s2;
	[bflag:$0x2] =	sbarrier.arrive $0xFFFF  }
0x6c: {  	[sflag:s0] =	ssyncadd.tile.s32 @!p0 $0x1;
	_ =	shalt  }
.Lfunc_end2:
_tile_overlayer_lowered:
.L_overlay_start_2:
0x6d: {  	(tag) =	ssettag $0x2  }
0x6e: {  	s0 =	rddreg [dreg:$0x0];
	s2 =	stileid.u32  }
0x6f: {  	s1 =	rddreg [dreg:$0x1];
	p0 =	sne.s32 s2, $0x0  }
0x70: {  	s3 =	rddreg [dreg:$0x2];
	[bflag:$0x3] =	sbarrier.arrive $0xFFFF;
	s2 =	simm.s32 @!p0 $0x1C03  }
0x71: {  	[timem:s3], [sflag:s2] =	dma.local @!p0 [hbm:s0], s1  }
0x72: {  	s0 =	simm.s32 @!p0 $0x3  }
0x73: {  	_ =	swait.ge @!p0 [sflag:s0], s1  }
0x74: {  	s1 =	ssub.s32 @!p0 $0x0, s1;
	[sflag:s0] =	ssyncset.done @!p0 $0x0  }
0x75: {  	[sflag:s0] =	ssyncadd.s32 @!p0 s1  }
0x76: {  	[bflag:$0x3] =	sbarrier.arrive $0xFFFF  }
0x77: {  	_ =	shalt  }

// kernel: kernel.15.cloned.1.call-start
scs
__scs_entry_jumppad:
0x0: {  	(pc) =	sbr.rel $0x88, $3  }
0x1: {  	(tag) =	ssettag $0x0;
	lr =	simm.s32 $0x1  }
0x2: {  	[smem:$0x3F8A] =	sst lr;
	_ =	strace $0xD0000000  }
0x3: {  	_ = 	snop  }
0x4: {  	_ = 	snop  }
0x5: {  	_ = 	snop  }
0x6: {  	_ = 	snop  }
0x7: {  	_ = 	snop  }
__scs_overlays_trampoline_lowered:
0x8: {  	[smem:$0x3F99] =	sst s0  }
0x9: {  	[smem:$0x3F9A] =	sst s1  }
0xa: {  	[smem:$0x3F9B] =	sst s2  }
0xb: {  	[smem:$0x3F9C] =	sst s3  }
0xc: {  	[smem:$0x3F9D] =	sst s4  }
0xd: {  	[smem:$0x3F9E] =	sst s5  }
0xe: {  	[smem:$0x3F9F] =	sst s6  }
0xf: {  	[smem:$0x3FA0] =	sst s7  }
0x10: {  	[smem:$0x3FA1] =	sst s8  }
0x11: {  	[smem:$0x3FA2] =	sst s9;
	s0 =	simm.s32 @!p0 $0x0  }
0x12: {  	s1 =	sld [smem:$0x3F88];
	s0 =	simm.s32 @p0 $0x1  }
0x13: {  	[smem:$0x3FA3] =	sst s0;
	s0 =	simm.s32 @!p1 $0x0  }
0x14: {  	s2 =	sld [smem:$0x3F87];
	s0 =	simm.s32 @p1 $0x1  }
0x15: {  	[smem:$0x3FA4] =	sst s0;
	s0 =	simm.s32 @!p2 $0x0  }
0x16: {  	s3 =	sld [smem:$0x3FDB];
	s0 =	simm.s32 @p2 $0x1  }
0x17: {  	s4 =	simm.s32 $0x1BF5;
	[smem:$0x3FA6] =	sst s0  }
0x18: {  	s0 =	sld [smem:$0x3F89];
	_ =	swait.ge [sflag:s4], $0x0  }
0x19: {  	s7 =	sld [smem:$0x3F8A]  }
0x1a: {  	s8 =	sadd.s32 $0xFFFFE003, lr  }
0x1b: {  	s9 =	sadd.s32 $0xFFFFFEF7, lr;
	s5 =	simm.s32 $0xFFFFFFFF;
	p2 =	slt.u32 s8, $0xFFFFF086  }
0x1c: {  	p1 =	slt.u32 s9, $0xF7A;
	s5 =	simm.s32 @!p2 $0x0  }
0x1d: {  	s5 =	simm.s32 @p1 $0x1;
	p0 =	seq.s32 s7, s2  }
0x1e: {  	s7 =	smul.u32 @!p0 $0xF7A, s2;
	p2 =	seq.s32 @!p0 s5, $0x0  }
0x1f: {  	s9 =	smul.u32 $0xF7A, s1;
	s8 =	simm.s32 @!p0 $0x1BF5;
	p2 =	por !p2, p0  }
0x20: {  	[sflag:s8] =	ssyncset.s32 @!p0 $0xFFFFF086;
	s6 =	sadd.s32 @!p0 s3, s7;
	s7 =	simm.s32 @!p0 $0x108  }
0x21: {  	s3 =	sadd.s32 s3, s9;
	s6 =	sadd.s32 @!p0 $0x88, s6;
	s7 =	simm.s32 @p2 $0x1082  }
0x22: {  	[simem:s7], [sflag:s8] =	dma.local @!p0 [hbm:s6], $0xF7A  }
0x23: {  	s9 =	sor.u32 $0xD0000000, s2;
	s6 =	simm.s32 $0x108;
	_ =	swait.ge @!p0 [sflag:s8], $0x0  }
0x24: {  	s3 =	sadd.s32 $0x88, s3;
	s6 =	simm.s32 @!p1 $0x1082;
	[sflag:s4] =	ssyncset.s32 $0xFFFFF086  }
0x25: {  	[simem:s6], [sflag:s4] =	dma.local [hbm:s3], $0xF7A  }
0x26: {  	[smem:$0x3F8A] =	sst s1;
	(tag) =	ssettag s2;
	_ =	strace s9  }
0x27: {  	s1 =	sld [smem:$0x3F9A]  }
0x28: {  	s2 =	sld [smem:$0x3F9B]  }
0x29: {  	s4 =	sld [smem:$0x3F9D]  }
0x2a: {  	p0 =	seq.s32 s5, $0x0;
	s5 =	sld [smem:$0x3F9E]  }
0x2b: {  	s6 =	sld [smem:$0x3F9F]  }
0x2c: {  	s7 =	sld [smem:$0x3FA0]  }
0x2d: {  	s3 =	simm.s32 $0x108;
	s8 =	sld [smem:$0x3FA1]  }
0x2e: {  	s3 =	simm.s32 @!p0 $0x1082;
	s9 =	sld [smem:$0x3FA2]  }
0x2f: {  	lr =	sadd.s32 s0, s3;
	s0 =	sld [smem:$0x3F99]  }
0x30: {  	s3 =	sld [smem:$0x3F9C]  }
0x31: {  	[smem:$0x3FA5] =	sst s10  }
0x32: {  	s10 =	sld [smem:$0x3FA3];
	_ =	sdelay $0x3  }
0x33: {  	p0 =	seq.s32 s10, $0x1;
	s10 =	sld [smem:$0x3FA5];
	_ =	sdelay $0x3  }
0x34: {  	[smem:$0x3FA5] =	sst s10  }
0x35: {  	s10 =	sld [smem:$0x3FA4];
	_ =	sdelay $0x3  }
0x36: {  	p1 =	seq.s32 s10, $0x1;
	s10 =	sld [smem:$0x3FA5];
	_ =	sdelay $0x3  }
0x37: {  	[smem:$0x3FA5] =	sst s10  }
0x38: {  	s10 =	sld [smem:$0x3FA6]  }
0x39: {  	_ = 	snop;
	(pc) =	sbr.ind lr, $3  }
0x3a: {  	_ = 	snop  }
0x3b: {  	_ = 	snop  }
0x3c: {  	p2 =	seq.s32 s10, $0x1;
	s10 =	sld [smem:$0x3FA5]  }
0x3d: {  	_ =	shalt  }
0x3e: {  	_ =	shalt  }
0x3f: {  	_ =	shalt  }
0x40: {  	_ =	shalt  }
0x41: {  	_ =	shalt  }
0x42: {  	_ =	shalt  }
0x43: {  	_ =	shalt  }
0x44: {  	_ =	shalt  }
0x45: {  	_ =	shalt  }
0x46: {  	_ =	shalt  }
0x47: {  	_ =	shalt  }
0x48: {  	_ =	shalt  }
0x49: {  	_ =	shalt  }
0x4a: {  	_ =	shalt  }
0x4b: {  	_ =	shalt  }
0x4c: {  	_ =	shalt  }
0x4d: {  	_ =	shalt  }
0x4e: {  	_ =	shalt  }
0x4f: {  	_ =	shalt  }
0x50: {  	_ =	shalt  }
0x51: {  	_ =	shalt  }
0x52: {  	_ =	shalt  }
0x53: {  	_ =	shalt  }
0x54: {  	_ =	shalt  }
0x55: {  	_ =	shalt  }
0x56: {  	_ =	shalt  }
0x57: {  	_ =	shalt  }
0x58: {  	_ =	shalt  }
0x59: {  	_ =	shalt  }
0x5a: {  	_ =	shalt  }
0x5b: {  	_ =	shalt  }
0x5c: {  	_ =	shalt  }
0x5d: {  	_ =	shalt  }
0x5e: {  	_ =	shalt  }
0x5f: {  	_ =	shalt  }
0x60: {  	_ =	shalt  }
0x61: {  	_ =	shalt  }
0x62: {  	_ =	shalt  }
0x63: {  	_ =	shalt  }
0x64: {  	_ =	shalt  }
0x65: {  	_ =	shalt  }
0x66: {  	_ =	shalt  }
0x67: {  	_ =	shalt  }
0x68: {  	_ =	shalt  }
0x69: {  	_ =	shalt  }
0x6a: {  	_ =	shalt  }
0x6b: {  	_ =	shalt  }
0x6c: {  	_ =	shalt  }
0x6d: {  	_ =	shalt  }
0x6e: {  	_ =	shalt  }
0x6f: {  	_ =	shalt  }
0x70: {  	_ =	shalt  }
0x71: {  	_ =	shalt  }
0x72: {  	_ =	shalt  }
0x73: {  	_ =	shalt  }
0x74: {  	_ =	shalt  }
0x75: {  	_ =	shalt  }
0x76: {  	_ =	shalt  }
0x77: {  	_ =	shalt  }
0x78: {  	_ =	shalt  }
0x79: {  	_ =	shalt  }
0x7a: {  	_ =	shalt  }
0x7b: {  	_ =	shalt  }
0x7c: {  	_ =	shalt  }
0x7d: {  	_ =	shalt  }
0x7e: {  	_ =	shalt  }
0x7f: {  	_ =	shalt  }
0x80: {  	_ =	shalt  }
0x81: {  	_ =	shalt  }
0x82: {  	_ =	shalt  }
0x83: {  	_ =	shalt  }
0x84: {  	_ =	shalt  }
0x85: {  	_ =	shalt  }
0x86: {  	_ =	shalt  }
0x87: {  	_ =	shalt  }
.Lfunc_end0:
.L_simem_size_0:
called_computation.2_lowered:
.L_overlay_start_0:
0x88: {  	s2 =	sld [smem:$0x3FD9]  }
0x89: {  	s3 =	sld [smem:$0x3FFE];
	_ =	sdelay $0x1  }
0x8a: {  	s1 =	srdreg.scid  }
0x8b: {  	s0 =	sand.u32 $0x1, s1  }
0x8c: {  	s16 =	sshll.u32 s0, $0xA;
	s2 =	sadd.s32 s3, s2  }
0x8d: {  	s2 =	sadd.s32 s2, s16  }
0x8e: {  	[smem:$0x3FB1] =	sst s2  }
0x8f: {  	_ = 	snop  }
0x90: {  	(tm) =	ssettm $0x1  }
0x91: {  	s17 =	sld [smem:$0x3FFB];
	_ =	sdelay $0x3  }
0x92: {  	_ =	strace s17  }
0x93: {  	s2 =	sld [smem:$0x3FFC];
	_ =	sdelay $0x3  }
0x94: {  	_ =	strace s2  }
0x95: {  	s2 =	sld [smem:$0x3FFD];
	_ =	sdelay $0x3  }
0x96: {  	_ =	strace s2  }
0x97: {  	_ =	strace $0x8FFFFFFF  }
0x98: {  	s18 =	sld [smem:$0x3FDB];
	_ =	sdelay $0x1  }
0x99: {  	s19 =	simm.s32 $_scs_section_size  }
0x9a: {  	s4 =	simm.s32 $_size__tile_overlayer_lowered;
	s5 =	simm.s32 $_tile_overlayer_lowered  }
0x9b: {  	s22 =	simm.s32 $0x1BFF;
	s21 =	sshll.u32 s5, $0x1;
	s2 =	sadd.s32 s19, s18  }
0x9c: {  	s6 =	simm.s32 $0x0;
	s20 =	sshll.u32 s4, $0x1;
	s4 =	sadd.s32 s21, s2  }
0x9d: {  	[timem:s6], [sflag:s22] =	dma.local [hbm:s4], s20  }
0x9e: {  	_ =	swait.ge [sflag:s22], s20  }
0x9f: {  	s3 =	ssub.s32 $0x0, s20;
	[sflag:s22] =	ssyncset.done $0x0  }
0xa0: {  	[sflag:s22] =	ssyncadd.s32 s3;
	_ =	sdelay $0x1  }
0xa1: {  	s23 =	simm.s32 $0x1B8B  }
0xa2: {  	_ =	swait.ge [sflag:s23], $0x1  }
0xa3: {  	[sflag:s23] =	ssyncset.done $0x0  }
0xa4: {  	s25 =	simm.s32 $0x1B8E;
	s24 =	sld [smem:$0x3FFE];
	[sflag:s23] =	ssyncadd.s32 $0xFFFFFFFF  }
0xa5: {  	s26 =	simm.s32 $execute0_lowered;
	[smem:$0x3FD2] =	sst s25  }
0xa6: {  	s4 =	sshll.u32 s26, $0x1;
	_ =	strace $0x8000004C;
	[dreg:$0x1] =	wrdreg $0xFFFFFFFF  }
0xa7: {  	s28 =	simm.s32 $_size_execute0_lowered;
	s2 =	sadd.s32 s2, s4;
	[dreg:$0x0] =	wrdreg $0x0  }
0xa8: {  	s4 =	sshll.u32 s28, $0x1;
	[dreg:$0x2] =	wrdreg s2  }
0xa9: {  	[dreg:$0x3] =	wrdreg s4  }
0xaa: {  	[dreg:$0x4] =	wrdreg $0xC0  }
0xab: {  	_ =	task [dreg:s6], $0x5FFFF  }
0xac: {  	[dreg:$0x1] =	wrdreg $0xFFFFFFFF  }
0xad: {  	[dreg:$0x0] =	wrdreg $0x60  }
0xae: {  	[dreg:$0x2] =	wrdreg s24  }
0xaf: {  	[dreg:$0x3] =	wrdreg $0x9EC00  }
0xb0: {  	[dreg:$0x4] =	wrdreg $0x9  }
0xb1: {  	_ =	task.clear_ibuf [dreg:s6], $0x5FFFF;
	_ =	strace $0x9000004C  }
0xb2: {  	s29 =	simm.s32 $0x9;
	_ =	strace $0x8000004E  }
0xb3: {  	_ =	swait.ge [sflag:s29], $0x1  }
0xb4: {  	[sflag:s29] =	ssyncadd.s32 $0xFFFFFFFF  }
0xb5: {  	_ =	strace $0x9000004E  }
0xb6: {  	_ =	sfence  }
0xb7: {  	s30 =	sld [smem:$0x0];
	_ =	sdelay $0x2  }
0xb8: {  	s31 =	sshll.u32 s1, $0xD;
	s1 =	sshrl.u32 s1, $0x2  }
0xb9: {  	s3 =	sand.u32 $0x4000, s31;
	s1 =	sadd.s32 s1, s30  }
0xba: {  	s0 =	sor.u32 s3, s0;
	s1 =	sshll.u32 s1, $0x11  }
0xbb: {  	s0 =	sor.u32 s1, s0  }
0xbc: {  	s0 =	sadd.s32 $0x8F2B, s0  }
0xbd: {  	[sflag:s0] =	ssyncadd.remote.s32 $0x1  }
0xbe: {  	_ =	sfence.sel $0xFFFF  }
0xbf: {  	[dreg:$0x0] =	wrdreg $0xFFFFFFFF;
	(pc) =	sbr.abs _section_cstart, $3  }
0xc0: {  	[dreg:$0x1] =	wrdreg $0xFFFFFFFF  }
0xc1: {  	_ =	task.clear_ibuf [dreg:s6], $0x2FFFF;
	_ =	strace $0x9FFFFFFF  }
0xc2: {  	(tm) =	ssettm $0x7FFFFFFF  }
0xc3: {  	_ =	shalt  }
tec
execute0_lowered:
.L_overlay_start_1:
0x0: {  	(tag) =	ssettag $0x1  }
0x1: {  	s5 =	rddreg [dreg:$0x0]  }
0x2: {  	s0 =	srdreg.scid;
	s2 =	rddreg [dreg:$0x1];
	s3 =	simm.s32 $0x0  }
0x3: {  	s14 =	simm.s32 $0x50;
	s15 =	simm.s32 $0x4EC0;
	s16 =	simm.s32 $0x76C0  }
0x4: {  	s17 =	simm.s32 $0x27B0;
	s18 =	simm.s32 $0x1;
	s19 =	simm.s32 $0x2  }
0x5: {  	s20 =	simm.s32 $0x0;
	s8 =	sand.u32 $0x1, s0;
	s0 =	stileid.u32  }
0x6: {  	[smem:$0x7FF] =	sst s3;
	s4 =	sadd.s32 $0x4E200, s5;
	s7 =	smul.u32 $0x13900, s0  }
0x7: {  	s1 =	sshll.u32 s8, $0x4;
	s9 =	smul.u32 $0x139000, s8;
	s11 =	ssub.s32 $0x2, s8  }
0x8: {  	p0 =	seq.s32 s8, $0x1;
	s31 =	sshll.u32 s0, $0x6;
	s1 =	sor.u32 s0, s1  }
0x9: {  	s12 =	sshrl.u32 s11, $0x1;
	s6 =	smul.u32 $0x4EC, s1;
	s1 =	rddreg [dreg:$0x2]  }
0xa: {  	_ =	strace $0x8000004D;
	s10 =	sshrl.u32 s7, $0x3;
	s9 =	sadd.s32 s7, s9  }
0xb: {  	s11 =	ssub.s32 s11, s12;
	s13 =	sadd.s32 s7, s2;
	s12 =	sor.u32 $0x1C03, s31  }
0xc: {  	s10 =	sadd.s32 s10, s5;
	s9 =	sshrl.u32 s9, $0x3;
	s13 =	sshrl.u32 s13, $0x3  }
0xd: {  	s6 =	sadd.s32 s6, s5;
	s9 =	sadd.s32 s9, s5;
	s7 =	sadd.s32 $0x27000, s10  }
0xe: {  	s10 =	simm.s32 $0x3;
	s5 =	sadd.s32 $0x1D200, s6;
	s6 =	sadd.s32 $0x4600, s6  }
0xf: {  	s8 =	sadd.s32 $0x75400, s9;
	s9 =	smax.u32 s11, $0x1;
	s11 =	simm.s32 $0x2760  }
.LBB2_1:
0x10: {  	[tilespmem:s3], [sflag:$0x3] =	stream.linear.gather [hbm4b:s5+s3], $0x2760, $0x38;
	[tilespmem:$0x1D7C0] =	vst v63  }
0x11: {  	_ =	swait.ge [sflag:s10], $0x2760  }
0x12: {  	[sflag:s10] =	ssyncset.done $0x0  }
0x13: {  	[sflag:s10] =	ssyncadd.s32 $0xFFFFD8A0  }
0x14: {  	[tilespmem:s11], [sflag:$0x3] =	stream.linear.gather [hbm4b:s6+s3], $0x2760, $0x38;
	[tilespmem:$0x1D7C0] =	vst v63  }
0x15: {  	_ =	swait.ge [sflag:s10], $0x2760  }
0x16: {  	[sflag:s10] =	ssyncset.done $0x0  }
0x17: {  	[sflag:s10] =	ssyncadd.s32 $0xFFFFD8A0  }
0x18: {  	[spmem:s13], [sflag:s12] =	dma.local [hbm:s7], $0x2720  }
0x19: {  	_ =	swait.ge [sflag:s10], $0x2720  }
0x1a: {  	[sflag:s10] =	ssyncset.done $0x0  }
0x1b: {  	[sflag:s10] =	ssyncadd.s32 $0xFFFFD8E0  }
0x1c: {  	[bflag:$0x0] =	sbarrier.arrive $0xFFFF  }
0x1d: {  	[tilespmem:s15], [sflag:$0x3] =	stream.indirect.gather [hbm4b:s4+s14], $0x80, s3, s14, $0xb8;
	[tilespmem:$0x1D7C0] =	vst v63  }
0x1e: {  	_ =	swait.ge [sflag:s10], $0x2800  }
0x1f: {  	[sflag:s10] =	ssyncset.done $0x0  }
0x20: {  	[sflag:s10] =	ssyncadd.s32 $0xFFFFD800  }
0x21: {  	[spmem:s2] =	stream.indirect.scatter.add.f32 [tilespmem:s15], [sflag:$0x1], $0x80, s11, s14, $0xb8;
	[tilespmem:$0x1D7C0] =	vst v63  }
0x22: {  	_ = 	snop  }
0x23: {  	[tilespmem:s16], [sflag:$0x3] =	stream.indirect.gather [hbm4b:s4+s14], $0x80, s14, s14, $0xb8;
	[tilespmem:$0x1D7C0] =	vst v63  }
0x24: {  	_ =	swait.ge [sflag:s10], $0x2800  }
0x25: {  	[sflag:s10] =	ssyncset.done $0x0  }
0x26: {  	[sflag:s10] =	ssyncadd.s32 $0xFFFFD800  }
0x27: {  	[spmem:s2] =	stream.indirect.scatter.add.f32 [tilespmem:s16], [sflag:$0x2], $0x80, s17, s14, $0xb8;
	[tilespmem:$0x1D7C0] =	vst v63  }
0x28: {  	_ =	swait.ge [sflag:s18], $0x2800  }
0x29: {  	[sflag:s18] =	ssyncset.done $0x0  }
0x2a: {  	s21 =	simm.s32 $0xA0;
	[sflag:s18] =	ssyncadd.s32 $0xFFFFD800  }
0x2b: {  	[tilespmem:s15], [sflag:$0x3] =	stream.indirect.gather [hbm4b:s4+s14], $0x80, s21, s14, $0xb8;
	[tilespmem:$0x1D7C0] =	vst v63  }
0x2c: {  	_ =	swait.ge [sflag:s10], $0x2800  }
0x2d: {  	[sflag:s10] =	ssyncset.done $0x0  }
0x2e: {  	s30 =	simm.s32 $0x2800;
	[sflag:s10] =	ssyncadd.s32 $0xFFFFD800  }
0x2f: {  	[spmem:s2] =	stream.indirect.scatter.add.f32 [tilespmem:s15], [sflag:$0x1], $0x80, s30, s14, $0xb8;
	[tilespmem:$0x1D7C0] =	vst v63  }
0x30: {  	_ =	swait.ge [sflag:s19], $0x2800  }
0x31: {  	[sflag:s19] =	ssyncset.done $0x0  }
0x32: {  	s31 =	simm.s32 $0xF0;
	[sflag:s19] =	ssyncadd.s32 $0xFFFFD800  }
0x33: {  	[tilespmem:s16], [sflag:$0x3] =	stream.indirect.gather [hbm4b:s4+s14], $0x80, s31, s14, $0xb8;
	[tilespmem:$0x1D7C0] =	vst v63  }
0x34: {  	_ =	swait.ge [sflag:s10], $0x2800  }
0x35: {  	[sflag:s10] =	ssyncset.done $0x0  }
0x36: {  	s22 =	simm.s32 $0x2850;
	s21 =	simm.s32 $0xFFFF6A00;
	[sflag:s10] =	ssyncadd.s32 $0xFFFFD800  }
.LBB2_2:
0x37: {  	[spmem:s2] =	stream.indirect.scatter.add.f32 [tilespmem:s16], [sflag:$0x2], $0x80, s22, s14, $0xb8;
	[tilespmem:$0x1D7C0] =	vst v63  }
0x38: {  	s22 =	smov.u32 s21  }
0x39: {  	p1 =	sne.s32 s21, $0xFFFFFD80;
	s21 =	sadd.s32 $0x280, s21;
	_ =	swait.ge [sflag:s18], $0x2800  }
0x3a: {  	s22 =	sshra.s32 s22, $0x2;
	[sflag:s18] =	ssyncset.done $0x0  }
0x3b: {  	s23 =	sadd.s32 $0x26C0, s22;
	[sflag:s18] =	ssyncadd.s32 $0xFFFFD800  }
0x3c: {  	[tilespmem:s15], [sflag:$0x3] =	stream.indirect.gather [hbm4b:s4+s14], $0x80, s23, s14, $0xb8;
	[tilespmem:$0x1D7C0] =	vst v63  }
0x3d: {  	_ =	swait.ge [sflag:s10], $0x2800  }
0x3e: {  	[sflag:s10] =	ssyncset.done $0x0  }
0x3f: {  	s23 =	sadd.s32 $0x4E20, s22;
	[sflag:s10] =	ssyncadd.s32 $0xFFFFD800  }
0x40: {  	[spmem:s2] =	stream.indirect.scatter.add.f32 [tilespmem:s15], [sflag:$0x1], $0x80, s23, s14, $0xb8;
	[tilespmem:$0x1D7C0] =	vst v63  }
0x41: {  	_ =	swait.ge [sflag:s19], $0x2800  }
0x42: {  	[sflag:s19] =	ssyncset.done $0x0  }
.Ltmp0:
0x43: {  	s23 =	sadd.s32 $0x2710, s22;
	[sflag:s19] =	ssyncadd.s32 $0xFFFFD800;
	(pc) =	sbr.rel @p1 .LBB2_2-.Ltmp0, $4  }
0x44: {  	[tilespmem:s16], [sflag:$0x3] =	stream.indirect.gather [hbm4b:s4+s14], $0x80, s23, s14, $0xb8;
	[tilespmem:$0x1D7C0] =	vst v63  }
0x45: {  	_ =	swait.ge [sflag:s10], $0x2800  }
0x46: {  	[sflag:s10] =	ssyncset.done $0x0  }
0x47: {  	s22 =	sadd.s32 $0x4E70, s22;
	[sflag:s10] =	ssyncadd.s32 $0xFFFFD800  }
0x48: {  	[spmem:s2] =	stream.indirect.scatter.add.f32 [tilespmem:s16], [sflag:$0x2], $0x80, s22, s14, $0xb8;
	[tilespmem:$0x1D7C0] =	vst v63  }
0x49: {  	s21 =	simm.s32 @p0 $0x1  }
0x4a: {  	_ =	swait.ge @p0 [sflag:s21], $0x2800  }
0x4b: {  	s22 =	simm.s32 @p0 $0x26C0;
	[sflag:s21] =	ssyncset.done @p0 $0x0  }
0x4c: {  	s23 =	simm.s32 @p0 $0x4EC0;
	[sflag:s21] =	ssyncadd.s32 @p0 $0xFFFFD800;
	s21 =	simm.s32 @p0 $0x50  }
0x4d: {  	[tilespmem:s23], [sflag:$0x3] =	stream.indirect.gather @p0 [hbm4b:s4+s21], $0x80, s22, s21, $0xb8;
	[tilespmem:$0x1D7C0] =	vst v63  }
0x4e: {  	s22 =	simm.s32 @p0 $0x3  }
0x4f: {  	_ =	swait.ge @p0 [sflag:s22], $0x2800  }
0x50: {  	[sflag:s22] =	ssyncset.done @p0 $0x0  }
0x51: {  	s24 =	simm.s32 @p0 $0x4E20;
	[sflag:s22] =	ssyncadd.s32 @p0 $0xFFFFD800  }
0x52: {  	[spmem:s2] =	stream.indirect.scatter.add.f32 @p0 [tilespmem:s23], [sflag:$0x1], $0x80, s24, s21, $0xb8;
	[tilespmem:$0x1D7C0] =	vst v63  }
0x53: {  	s23 =	simm.s32 @p0 $0x2  }
0x54: {  	_ =	swait.ge @p0 [sflag:s23], $0x2800  }
0x55: {  	[sflag:s23] =	ssyncset.done @p0 $0x0  }
0x56: {  	s24 =	simm.s32 @p0 $0x76C0;
	[sflag:s23] =	ssyncadd.s32 @p0 $0xFFFFD800;
	s23 =	simm.s32 @p0 $0x2710  }
0x57: {  	[tilespmem:s24], [sflag:$0x3] =	stream.indirect.gather @p0 [hbm4b:s4+s21], $0x80, s23, s21, $0xb8;
	[tilespmem:$0x1D7C0] =	vst v63  }
0x58: {  	_ =	swait.ge @p0 [sflag:s22], $0x2800  }
0x59: {  	[sflag:s22] =	ssyncset.done @p0 $0x0  }
0x5a: {  	[sflag:s22] =	ssyncadd.s32 @p0 $0xFFFFD800;
	s22 =	simm.s32 @p0 $0x4E70  }
0x5b: {  	[spmem:s2] =	stream.indirect.scatter.add.f32 @p0 [tilespmem:s24], [sflag:$0x2], $0x80, s22, s21, $0xb8;
	[tilespmem:$0x1D7C0] =	vst v63  }
0x5c: {  	_ =	swait.ge [sflag:s18], $0x2800  }
0x5d: {  	[sflag:s18] =	ssyncset.done $0x0  }
0x5e: {  	[sflag:s18] =	ssyncadd.s32 $0xFFFFD800  }
0x5f: {  	_ =	swait.ge [sflag:s19], $0x2800  }
0x60: {  	s20 =	sadd.s32 $0x1, s20;
	[sflag:s19] =	ssyncset.done $0x0  }
0x61: {  	p1 =	sne.s32 s20, s9;
	[sflag:s19] =	ssyncadd.s32 $0xFFFFD800  }
.Ltmp1:
0x62: {  	[bflag:$0x0] =	sbarrier.arrive $0xFFFF;
	(pc) =	sbr.rel @p1 .LBB2_1-.Ltmp1, $4  }
0x63: {  	[hbm:s8], [sflag:s12] =	dma.local [spmem:s13], $0x2720  }
0x64: {  	_ =	swait.ge [sflag:s10], $0x2720  }
0x65: {  	[sflag:s10] =	ssyncset.done $0x0  }
0x66: {  	[sflag:s10] =	ssyncadd.s32 $0xFFFFD8E0  }
0x67: {  	_ =	sfence.sel $0x180000  }
0x68: {  	[bflag:$0x0] =	sbarrier.arrive $0xFFFF  }
0x69: {  	p0 =	sne.s32 s0, $0x0;
	_ =	strace $0x9000004D  }
0x6a: {  	s0 =	sadd.s32 @!p0 $0x100000, s1;
	[bflag:$0x2] =	sbarrier.arrive $0xFFFF  }
0x6b: {  	[sflag:s0] =	ssyncadd.tile.s32 @!p0 $0x1;
	_ =	shalt  }
.Lfunc_end2:
_tile_overlayer_lowered:
.L_overlay_start_2:
0x6c: {  	(tag) =	ssettag $0x2  }
0x6d: {  	s0 =	rddreg [dreg:$0x0];
	s2 =	stileid.u32  }
0x6e: {  	s1 =	rddreg [dreg:$0x1];
	p0 =	sne.s32 s2, $0x0  }
0x6f: {  	s3 =	rddreg [dreg:$0x2];
	[bflag:$0x3] =	sbarrier.arrive $0xFFFF;
	s2 =	simm.s32 @!p0 $0x1C03  }
0x70: {  	[timem:s3], [sflag:s2] =	dma.local @!p0 [hbm:s0], s1  }
0x71: {  	s0 =	simm.s32 @!p0 $0x3  }
0x72: {  	_ =	swait.ge @!p0 [sflag:s0], s1  }
0x73: {  	s1 =	ssub.s32 @!p0 $0x0, s1;
	[sflag:s0] =	ssyncset.done @!p0 $0x0  }
0x74: {  	[sflag:s0] =	ssyncadd.s32 @!p0 s1  }
0x75: {  	[bflag:$0x3] =	sbarrier.arrive $0xFFFF  }
0x76: {  	_ =	shalt  }

// kernel: kernel.18.cloned.1.call-start
scs
__scs_entry_jumppad:
0x0: {  	(pc) =	sbr.rel $0x88, $3  }
0x1: {  	(tag) =	ssettag $0x0;
	lr =	simm.s32 $0x1  }
0x2: {  	[smem:$0x3F8A] =	sst lr;
	_ =	strace $0xD0000000  }
0x3: {  	_ = 	snop  }
0x4: {  	_ = 	snop  }
0x5: {  	_ = 	snop  }
0x6: {  	_ = 	snop  }
0x7: {  	_ = 	snop  }
__scs_overlays_trampoline_lowered:
0x8: {  	[smem:$0x3F99] =	sst s0  }
0x9: {  	[smem:$0x3F9A] =	sst s1  }
0xa: {  	[smem:$0x3F9B] =	sst s2  }
0xb: {  	[smem:$0x3F9C] =	sst s3  }
0xc: {  	[smem:$0x3F9D] =	sst s4  }
0xd: {  	[smem:$0x3F9E] =	sst s5  }
0xe: {  	[smem:$0x3F9F] =	sst s6  }
0xf: {  	[smem:$0x3FA0] =	sst s7  }
0x10: {  	[smem:$0x3FA1] =	sst s8  }
0x11: {  	[smem:$0x3FA2] =	sst s9;
	s0 =	simm.s32 @!p0 $0x0  }
0x12: {  	s1 =	sld [smem:$0x3F88];
	s0 =	simm.s32 @p0 $0x1  }
0x13: {  	[smem:$0x3FA3] =	sst s0;
	s0 =	simm.s32 @!p1 $0x0  }
0x14: {  	s2 =	sld [smem:$0x3F87];
	s0 =	simm.s32 @p1 $0x1  }
0x15: {  	[smem:$0x3FA4] =	sst s0;
	s0 =	simm.s32 @!p2 $0x0  }
0x16: {  	s3 =	sld [smem:$0x3FDB];
	s0 =	simm.s32 @p2 $0x1  }
0x17: {  	s4 =	simm.s32 $0x1BF5;
	[smem:$0x3FA6] =	sst s0  }
0x18: {  	s0 =	sld [smem:$0x3F89];
	_ =	swait.ge [sflag:s4], $0x0  }
0x19: {  	s7 =	sld [smem:$0x3F8A]  }
0x1a: {  	s8 =	sadd.s32 $0xFFFFE003, lr  }
0x1b: {  	s9 =	sadd.s32 $0xFFFFFEF7, lr;
	s5 =	simm.s32 $0xFFFFFFFF;
	p2 =	slt.u32 s8, $0xFFFFF086  }
0x1c: {  	p1 =	slt.u32 s9, $0xF7A;
	s5 =	simm.s32 @!p2 $0x0  }
0x1d: {  	s5 =	simm.s32 @p1 $0x1;
	p0 =	seq.s32 s7, s2  }
0x1e: {  	s7 =	smul.u32 @!p0 $0xF7A, s2;
	p2 =	seq.s32 @!p0 s5, $0x0  }
0x1f: {  	s9 =	smul.u32 $0xF7A, s1;
	s8 =	simm.s32 @!p0 $0x1BF5;
	p2 =	por !p2, p0  }
0x20: {  	[sflag:s8] =	ssyncset.s32 @!p0 $0xFFFFF086;
	s6 =	sadd.s32 @!p0 s3, s7;
	s7 =	simm.s32 @!p0 $0x108  }
0x21: {  	s3 =	sadd.s32 s3, s9;
	s6 =	sadd.s32 @!p0 $0x88, s6;
	s7 =	simm.s32 @p2 $0x1082  }
0x22: {  	[simem:s7], [sflag:s8] =	dma.local @!p0 [hbm:s6], $0xF7A  }
0x23: {  	s9 =	sor.u32 $0xD0000000, s2;
	s6 =	simm.s32 $0x108;
	_ =	swait.ge @!p0 [sflag:s8], $0x0  }
0x24: {  	s3 =	sadd.s32 $0x88, s3;
	s6 =	simm.s32 @!p1 $0x1082;
	[sflag:s4] =	ssyncset.s32 $0xFFFFF086  }
0x25: {  	[simem:s6], [sflag:s4] =	dma.local [hbm:s3], $0xF7A  }
0x26: {  	[smem:$0x3F8A] =	sst s1;
	(tag) =	ssettag s2;
	_ =	strace s9  }
0x27: {  	s1 =	sld [smem:$0x3F9A]  }
0x28: {  	s2 =	sld [smem:$0x3F9B]  }
0x29: {  	s4 =	sld [smem:$0x3F9D]  }
0x2a: {  	p0 =	seq.s32 s5, $0x0;
	s5 =	sld [smem:$0x3F9E]  }
0x2b: {  	s6 =	sld [smem:$0x3F9F]  }
0x2c: {  	s7 =	sld [smem:$0x3FA0]  }
0x2d: {  	s3 =	simm.s32 $0x108;
	s8 =	sld [smem:$0x3FA1]  }
0x2e: {  	s3 =	simm.s32 @!p0 $0x1082;
	s9 =	sld [smem:$0x3FA2]  }
0x2f: {  	lr =	sadd.s32 s0, s3;
	s0 =	sld [smem:$0x3F99]  }
0x30: {  	s3 =	sld [smem:$0x3F9C]  }
0x31: {  	[smem:$0x3FA5] =	sst s10  }
0x32: {  	s10 =	sld [smem:$0x3FA3];
	_ =	sdelay $0x3  }
0x33: {  	p0 =	seq.s32 s10, $0x1;
	s10 =	sld [smem:$0x3FA5];
	_ =	sdelay $0x3  }
0x34: {  	[smem:$0x3FA5] =	sst s10  }
0x35: {  	s10 =	sld [smem:$0x3FA4];
	_ =	sdelay $0x3  }
0x36: {  	p1 =	seq.s32 s10, $0x1;
	s10 =	sld [smem:$0x3FA5];
	_ =	sdelay $0x3  }
0x37: {  	[smem:$0x3FA5] =	sst s10  }
0x38: {  	s10 =	sld [smem:$0x3FA6]  }
0x39: {  	_ = 	snop;
	(pc) =	sbr.ind lr, $3  }
0x3a: {  	_ = 	snop  }
0x3b: {  	_ = 	snop  }
0x3c: {  	p2 =	seq.s32 s10, $0x1;
	s10 =	sld [smem:$0x3FA5]  }
0x3d: {  	_ =	shalt  }
0x3e: {  	_ =	shalt  }
0x3f: {  	_ =	shalt  }
0x40: {  	_ =	shalt  }
0x41: {  	_ =	shalt  }
0x42: {  	_ =	shalt  }
0x43: {  	_ =	shalt  }
0x44: {  	_ =	shalt  }
0x45: {  	_ =	shalt  }
0x46: {  	_ =	shalt  }
0x47: {  	_ =	shalt  }
0x48: {  	_ =	shalt  }
0x49: {  	_ =	shalt  }
0x4a: {  	_ =	shalt  }
0x4b: {  	_ =	shalt  }
0x4c: {  	_ =	shalt  }
0x4d: {  	_ =	shalt  }
0x4e: {  	_ =	shalt  }
0x4f: {  	_ =	shalt  }
0x50: {  	_ =	shalt  }
0x51: {  	_ =	shalt  }
0x52: {  	_ =	shalt  }
0x53: {  	_ =	shalt  }
0x54: {  	_ =	shalt  }
0x55: {  	_ =	shalt  }
0x56: {  	_ =	shalt  }
0x57: {  	_ =	shalt  }
0x58: {  	_ =	shalt  }
0x59: {  	_ =	shalt  }
0x5a: {  	_ =	shalt  }
0x5b: {  	_ =	shalt  }
0x5c: {  	_ =	shalt  }
0x5d: {  	_ =	shalt  }
0x5e: {  	_ =	shalt  }
0x5f: {  	_ =	shalt  }
0x60: {  	_ =	shalt  }
0x61: {  	_ =	shalt  }
0x62: {  	_ =	shalt  }
0x63: {  	_ =	shalt  }
0x64: {  	_ =	shalt  }
0x65: {  	_ =	shalt  }
0x66: {  	_ =	shalt  }
0x67: {  	_ =	shalt  }
0x68: {  	_ =	shalt  }
0x69: {  	_ =	shalt  }
0x6a: {  	_ =	shalt  }
0x6b: {  	_ =	shalt  }
0x6c: {  	_ =	shalt  }
0x6d: {  	_ =	shalt  }
0x6e: {  	_ =	shalt  }
0x6f: {  	_ =	shalt  }
0x70: {  	_ =	shalt  }
0x71: {  	_ =	shalt  }
0x72: {  	_ =	shalt  }
0x73: {  	_ =	shalt  }
0x74: {  	_ =	shalt  }
0x75: {  	_ =	shalt  }
0x76: {  	_ =	shalt  }
0x77: {  	_ =	shalt  }
0x78: {  	_ =	shalt  }
0x79: {  	_ =	shalt  }
0x7a: {  	_ =	shalt  }
0x7b: {  	_ =	shalt  }
0x7c: {  	_ =	shalt  }
0x7d: {  	_ =	shalt  }
0x7e: {  	_ =	shalt  }
0x7f: {  	_ =	shalt  }
0x80: {  	_ =	shalt  }
0x81: {  	_ =	shalt  }
0x82: {  	_ =	shalt  }
0x83: {  	_ =	shalt  }
0x84: {  	_ =	shalt  }
0x85: {  	_ =	shalt  }
0x86: {  	_ =	shalt  }
0x87: {  	_ =	shalt  }
.Lfunc_end0:
.L_simem_size_0:
called_computation.3_lowered:
.L_overlay_start_0:
0x88: {  	s2 =	sld [smem:$0x3FD9]  }
0x89: {  	s3 =	sld [smem:$0x3FFE];
	_ =	sdelay $0x1  }
0x8a: {  	s1 =	srdreg.scid  }
0x8b: {  	s0 =	sand.u32 $0x1, s1  }
0x8c: {  	s16 =	sshll.u32 s0, $0xA;
	s2 =	sadd.s32 s3, s2  }
0x8d: {  	s2 =	sadd.s32 s2, s16  }
0x8e: {  	[smem:$0x3FB1] =	sst s2  }
0x8f: {  	_ = 	snop  }
0x90: {  	(tm) =	ssettm $0x1  }
0x91: {  	s17 =	sld [smem:$0x3FFB];
	_ =	sdelay $0x3  }
0x92: {  	_ =	strace s17  }
0x93: {  	s2 =	sld [smem:$0x3FFC];
	_ =	sdelay $0x3  }
0x94: {  	_ =	strace s2  }
0x95: {  	s2 =	sld [smem:$0x3FFD];
	_ =	sdelay $0x3  }
0x96: {  	_ =	strace s2  }
0x97: {  	_ =	strace $0x8FFFFFFF  }
0x98: {  	s18 =	sld [smem:$0x3FDB];
	_ =	sdelay $0x1  }
0x99: {  	s19 =	simm.s32 $_scs_section_size  }
0x9a: {  	s4 =	simm.s32 $_size__tile_overlayer_lowered;
	s5 =	simm.s32 $_tile_overlayer_lowered  }
0x9b: {  	s22 =	simm.s32 $0x1BFF;
	s21 =	sshll.u32 s5, $0x1;
	s2 =	sadd.s32 s19, s18  }
0x9c: {  	s6 =	simm.s32 $0x0;
	s20 =	sshll.u32 s4, $0x1;
	s4 =	sadd.s32 s21, s2  }
0x9d: {  	[timem:s6], [sflag:s22] =	dma.local [hbm:s4], s20  }
0x9e: {  	_ =	swait.ge [sflag:s22], s20  }
0x9f: {  	s3 =	ssub.s32 $0x0, s20;
	[sflag:s22] =	ssyncset.done $0x0  }
0xa0: {  	[sflag:s22] =	ssyncadd.s32 s3;
	_ =	sdelay $0x1  }
0xa1: {  	s23 =	simm.s32 $0x1B8B  }
0xa2: {  	_ =	swait.ge [sflag:s23], $0x1  }
0xa3: {  	[sflag:s23] =	ssyncset.done $0x0  }
0xa4: {  	s25 =	simm.s32 $0x1B8E;
	s24 =	sld [smem:$0x3FFE];
	[sflag:s23] =	ssyncadd.s32 $0xFFFFFFFF  }
0xa5: {  	s26 =	simm.s32 $execute0_lowered;
	[smem:$0x3FD2] =	sst s25  }
0xa6: {  	s4 =	sshll.u32 s26, $0x1;
	_ =	strace $0x8000004F;
	[dreg:$0x1] =	wrdreg $0xFFFFFFFF  }
0xa7: {  	s28 =	simm.s32 $_size_execute0_lowered;
	s2 =	sadd.s32 s2, s4;
	[dreg:$0x0] =	wrdreg $0x0  }
0xa8: {  	s4 =	sshll.u32 s28, $0x1;
	[dreg:$0x2] =	wrdreg s2  }
0xa9: {  	[dreg:$0x3] =	wrdreg s4  }
0xaa: {  	[dreg:$0x4] =	wrdreg $0xC0  }
0xab: {  	_ =	task [dreg:s6], $0x5FFFF  }
0xac: {  	[dreg:$0x1] =	wrdreg $0xFFFFFFFF  }
0xad: {  	[dreg:$0x0] =	wrdreg $0x60  }
0xae: {  	[dreg:$0x2] =	wrdreg s24  }
0xaf: {  	[dreg:$0x3] =	wrdreg $0x9EC00  }
0xb0: {  	[dreg:$0x4] =	wrdreg $0x9  }
0xb1: {  	_ =	task.clear_ibuf [dreg:s6], $0x5FFFF;
	_ =	strace $0x9000004F  }
0xb2: {  	s29 =	simm.s32 $0x9;
	_ =	strace $0x80000051  }
0xb3: {  	_ =	swait.ge [sflag:s29], $0x1  }
0xb4: {  	[sflag:s29] =	ssyncadd.s32 $0xFFFFFFFF  }
0xb5: {  	_ =	strace $0x90000051  }
0xb6: {  	_ =	sfence  }
0xb7: {  	s30 =	sld [smem:$0x0];
	_ =	sdelay $0x2  }
0xb8: {  	s31 =	sshll.u32 s1, $0xD;
	s1 =	sshrl.u32 s1, $0x2  }
0xb9: {  	s3 =	sand.u32 $0x4000, s31;
	s1 =	sadd.s32 s1, s30  }
0xba: {  	s0 =	sor.u32 s3, s0;
	s1 =	sshll.u32 s1, $0x11  }
0xbb: {  	s0 =	sor.u32 s1, s0  }
0xbc: {  	s0 =	sadd.s32 $0x8F2B, s0  }
0xbd: {  	[sflag:s0] =	ssyncadd.remote.s32 $0x1  }
0xbe: {  	_ =	sfence.sel $0xFFFF  }
0xbf: {  	[dreg:$0x0] =	wrdreg $0xFFFFFFFF;
	(pc) =	sbr.abs _section_cstart, $3  }
0xc0: {  	[dreg:$0x1] =	wrdreg $0xFFFFFFFF  }
0xc1: {  	_ =	task.clear_ibuf [dreg:s6], $0x2FFFF;
	_ =	strace $0x9FFFFFFF  }
0xc2: {  	(tm) =	ssettm $0x7FFFFFFF  }
0xc3: {  	_ =	shalt  }
tec
execute0_lowered:
.L_overlay_start_1:
0x0: {  	(tag) =	ssettag $0x1  }
0x1: {  	s5 =	rddreg [dreg:$0x0]  }
0x2: {  	s0 =	srdreg.scid;
	s2 =	rddreg [dreg:$0x1];
	s3 =	simm.s32 $0x0  }
0x3: {  	s14 =	simm.s32 $0x50;
	s15 =	simm.s32 $0x4EC0;
	s16 =	simm.s32 $0x76C0  }
0x4: {  	s17 =	simm.s32 $0x27B0;
	s18 =	simm.s32 $0x1;
	s19 =	simm.s32 $0x2  }
0x5: {  	s20 =	simm.s32 $0x0;
	s8 =	sand.u32 $0x1, s0;
	s0 =	stileid.u32  }
0x6: {  	[smem:$0x7FF] =	sst s3;
	s4 =	sadd.s32 $0x4E200, s5;
	s7 =	smul.u32 $0x13900, s0  }
0x7: {  	s1 =	sshll.u32 s8, $0x4;
	s9 =	smul.u32 $0x139000, s8;
	s11 =	ssub.s32 $0x2, s8  }
0x8: {  	p0 =	seq.s32 s8, $0x1;
	s31 =	sshll.u32 s0, $0x6;
	s1 =	sor.u32 s0, s1  }
0x9: {  	s12 =	sshrl.u32 s11, $0x1;
	s6 =	smul.u32 $0x4EC, s1;
	s1 =	rddreg [dreg:$0x2]  }
0xa: {  	_ =	strace $0x80000050;
	s10 =	sshrl.u32 s7, $0x3;
	s9 =	sadd.s32 s7, s9  }
0xb: {  	s11 =	ssub.s32 s11, s12;
	s13 =	sadd.s32 s7, s2;
	s12 =	sor.u32 $0x1C03, s31  }
0xc: {  	s10 =	sadd.s32 s10, s5;
	s9 =	sshrl.u32 s9, $0x3;
	s13 =	sshrl.u32 s13, $0x3  }
0xd: {  	s6 =	sadd.s32 s6, s5;
	s9 =	sadd.s32 s9, s5;
	s7 =	sadd.s32 $0x27000, s10  }
0xe: {  	s10 =	simm.s32 $0x3;
	s5 =	sadd.s32 $0x1D200, s6;
	s6 =	sadd.s32 $0x4600, s6  }
0xf: {  	s8 =	sadd.s32 $0x75400, s9;
	s9 =	smax.u32 s11, $0x1;
	s11 =	simm.s32 $0x2760  }
.LBB2_1:
0x10: {  	[tilespmem:s3], [sflag:$0x3] =	stream.linear.gather [hbm4b:s5+s3], $0x2760, $0x38;
	[tilespmem:$0x1D7C0] =	vst v63  }
0x11: {  	_ =	swait.ge [sflag:s10], $0x2760  }
0x12: {  	[sflag:s10] =	ssyncset.done $0x0  }
0x13: {  	[sflag:s10] =	ssyncadd.s32 $0xFFFFD8A0  }
0x14: {  	[tilespmem:s11], [sflag:$0x3] =	stream.linear.gather [hbm4b:s6+s3], $0x2760, $0x38;
	[tilespmem:$0x1D7C0] =	vst v63  }
0x15: {  	_ =	swait.ge [sflag:s10], $0x2760  }
0x16: {  	[sflag:s10] =	ssyncset.done $0x0  }
0x17: {  	[sflag:s10] =	ssyncadd.s32 $0xFFFFD8A0  }
0x18: {  	[spmem:s13], [sflag:s12] =	dma.local [hbm:s7], $0x2720  }
0x19: {  	_ =	swait.ge [sflag:s10], $0x2720  }
0x1a: {  	[sflag:s10] =	ssyncset.done $0x0  }
0x1b: {  	[sflag:s10] =	ssyncadd.s32 $0xFFFFD8E0  }
0x1c: {  	[bflag:$0x0] =	sbarrier.arrive $0xFFFF  }
0x1d: {  	[tilespmem:s15], [sflag:$0x3] =	stream.indirect.gather [hbm4b:s4+s14], $0x80, s3, s14, $0xb8;
	[tilespmem:$0x1D7C0] =	vst v63  }
0x1e: {  	_ =	swait.ge [sflag:s10], $0x2800  }
0x1f: {  	[sflag:s10] =	ssyncset.done $0x0  }
0x20: {  	[sflag:s10] =	ssyncadd.s32 $0xFFFFD800  }
0x21: {  	[spmem:s2] =	stream.indirect.scatter.add.f32 [tilespmem:s15], [sflag:$0x1], $0x80, s11, s14, $0xb8;
	[tilespmem:$0x1D7C0] =	vst v63  }
0x22: {  	_ = 	snop  }
0x23: {  	[tilespmem:s16], [sflag:$0x3] =	stream.indirect.gather [hbm4b:s4+s14], $0x80, s14, s14, $0xb8;
	[tilespmem:$0x1D7C0] =	vst v63  }
0x24: {  	_ =	swait.ge [sflag:s10], $0x2800  }
0x25: {  	[sflag:s10] =	ssyncset.done $0x0  }
0x26: {  	[sflag:s10] =	ssyncadd.s32 $0xFFFFD800  }
0x27: {  	[spmem:s2] =	stream.indirect.scatter.add.f32 [tilespmem:s16], [sflag:$0x2], $0x80, s17, s14, $0xb8;
	[tilespmem:$0x1D7C0] =	vst v63  }
0x28: {  	_ =	swait.ge [sflag:s18], $0x2800  }
0x29: {  	[sflag:s18] =	ssyncset.done $0x0  }
0x2a: {  	s21 =	simm.s32 $0xA0;
	[sflag:s18] =	ssyncadd.s32 $0xFFFFD800  }
0x2b: {  	[tilespmem:s15], [sflag:$0x3] =	stream.indirect.gather [hbm4b:s4+s14], $0x80, s21, s14, $0xb8;
	[tilespmem:$0x1D7C0] =	vst v63  }
0x2c: {  	_ =	swait.ge [sflag:s10], $0x2800  }
0x2d: {  	[sflag:s10] =	ssyncset.done $0x0  }
0x2e: {  	s30 =	simm.s32 $0x2800;
	[sflag:s10] =	ssyncadd.s32 $0xFFFFD800  }
0x2f: {  	[spmem:s2] =	stream.indirect.scatter.add.f32 [tilespmem:s15], [sflag:$0x1], $0x80, s30, s14, $0xb8;
	[tilespmem:$0x1D7C0] =	vst v63  }
0x30: {  	_ =	swait.ge [sflag:s19], $0x2800  }
0x31: {  	[sflag:s19] =	ssyncset.done $0x0  }
0x32: {  	s31 =	simm.s32 $0xF0;
	[sflag:s19] =	ssyncadd.s32 $0xFFFFD800  }
0x33: {  	[tilespmem:s16], [sflag:$0x3] =	stream.indirect.gather [hbm4b:s4+s14], $0x80, s31, s14, $0xb8;
	[tilespmem:$0x1D7C0] =	vst v63  }
0x34: {  	_ =	swait.ge [sflag:s10], $0x2800  }
0x35: {  	[sflag:s10] =	ssyncset.done $0x0  }
0x36: {  	s22 =	simm.s32 $0x2850;
	s21 =	simm.s32 $0xFFFF6A00;
	[sflag:s10] =	ssyncadd.s32 $0xFFFFD800  }
.LBB2_2:
0x37: {  	[spmem:s2] =	stream.indirect.scatter.add.f32 [tilespmem:s16], [sflag:$0x2], $0x80, s22, s14, $0xb8;
	[tilespmem:$0x1D7C0] =	vst v63  }
0x38: {  	s22 =	smov.u32 s21  }
0x39: {  	p1 =	sne.s32 s21, $0xFFFFFD80;
	s21 =	sadd.s32 $0x280, s21;
	_ =	swait.ge [sflag:s18], $0x2800  }
0x3a: {  	s22 =	sshra.s32 s22, $0x2;
	[sflag:s18] =	ssyncset.done $0x0  }
0x3b: {  	s23 =	sadd.s32 $0x26C0, s22;
	[sflag:s18] =	ssyncadd.s32 $0xFFFFD800  }
0x3c: {  	[tilespmem:s15], [sflag:$0x3] =	stream.indirect.gather [hbm4b:s4+s14], $0x80, s23, s14, $0xb8;
	[tilespmem:$0x1D7C0] =	vst v63  }
0x3d: {  	_ =	swait.ge [sflag:s10], $0x2800  }
0x3e: {  	[sflag:s10] =	ssyncset.done $0x0  }
0x3f: {  	s23 =	sadd.s32 $0x4E20, s22;
	[sflag:s10] =	ssyncadd.s32 $0xFFFFD800  }
0x40: {  	[spmem:s2] =	stream.indirect.scatter.add.f32 [tilespmem:s15], [sflag:$0x1], $0x80, s23, s14, $0xb8;
	[tilespmem:$0x1D7C0] =	vst v63  }
0x41: {  	_ =	swait.ge [sflag:s19], $0x2800  }
0x42: {  	[sflag:s19] =	ssyncset.done $0x0  }
.Ltmp0:
0x43: {  	s23 =	sadd.s32 $0x2710, s22;
	[sflag:s19] =	ssyncadd.s32 $0xFFFFD800;
	(pc) =	sbr.rel @p1 .LBB2_2-.Ltmp0, $4  }
0x44: {  	[tilespmem:s16], [sflag:$0x3] =	stream.indirect.gather [hbm4b:s4+s14], $0x80, s23, s14, $0xb8;
	[tilespmem:$0x1D7C0] =	vst v63  }
0x45: {  	_ =	swait.ge [sflag:s10], $0x2800  }
0x46: {  	[sflag:s10] =	ssyncset.done $0x0  }
0x47: {  	s22 =	sadd.s32 $0x4E70, s22;
	[sflag:s10] =	ssyncadd.s32 $0xFFFFD800  }
0x48: {  	[spmem:s2] =	stream.indirect.scatter.add.f32 [tilespmem:s16], [sflag:$0x2], $0x80, s22, s14, $0xb8;
	[tilespmem:$0x1D7C0] =	vst v63  }
0x49: {  	s21 =	simm.s32 @p0 $0x1  }
0x4a: {  	_ =	swait.ge @p0 [sflag:s21], $0x2800  }
0x4b: {  	s22 =	simm.s32 @p0 $0x26C0;
	[sflag:s21] =	ssyncset.done @p0 $0x0  }
0x4c: {  	s23 =	simm.s32 @p0 $0x4EC0;
	[sflag:s21] =	ssyncadd.s32 @p0 $0xFFFFD800;
	s21 =	simm.s32 @p0 $0x50  }
0x4d: {  	[tilespmem:s23], [sflag:$0x3] =	stream.indirect.gather @p0 [hbm4b:s4+s21], $0x80, s22, s21, $0xb8;
	[tilespmem:$0x1D7C0] =	vst v63  }
0x4e: {  	s22 =	simm.s32 @p0 $0x3  }
0x4f: {  	_ =	swait.ge @p0 [sflag:s22], $0x2800  }
0x50: {  	[sflag:s22] =	ssyncset.done @p0 $0x0  }
0x51: {  	s24 =	simm.s32 @p0 $0x4E20;
	[sflag:s22] =	ssyncadd.s32 @p0 $0xFFFFD800  }
0x52: {  	[spmem:s2] =	stream.indirect.scatter.add.f32 @p0 [tilespmem:s23], [sflag:$0x1], $0x80, s24, s21, $0xb8;
	[tilespmem:$0x1D7C0] =	vst v63  }
0x53: {  	s23 =	simm.s32 @p0 $0x2  }
0x54: {  	_ =	swait.ge @p0 [sflag:s23], $0x2800  }
0x55: {  	[sflag:s23] =	ssyncset.done @p0 $0x0  }
0x56: {  	s24 =	simm.s32 @p0 $0x76C0;
	[sflag:s23] =	ssyncadd.s32 @p0 $0xFFFFD800;
	s23 =	simm.s32 @p0 $0x2710  }
0x57: {  	[tilespmem:s24], [sflag:$0x3] =	stream.indirect.gather @p0 [hbm4b:s4+s21], $0x80, s23, s21, $0xb8;
	[tilespmem:$0x1D7C0] =	vst v63  }
0x58: {  	_ =	swait.ge @p0 [sflag:s22], $0x2800  }
0x59: {  	[sflag:s22] =	ssyncset.done @p0 $0x0  }
0x5a: {  	[sflag:s22] =	ssyncadd.s32 @p0 $0xFFFFD800;
	s22 =	simm.s32 @p0 $0x4E70  }
0x5b: {  	[spmem:s2] =	stream.indirect.scatter.add.f32 @p0 [tilespmem:s24], [sflag:$0x2], $0x80, s22, s21, $0xb8;
	[tilespmem:$0x1D7C0] =	vst v63  }
0x5c: {  	_ =	swait.ge [sflag:s18], $0x2800  }
0x5d: {  	[sflag:s18] =	ssyncset.done $0x0  }
0x5e: {  	[sflag:s18] =	ssyncadd.s32 $0xFFFFD800  }
0x5f: {  	_ =	swait.ge [sflag:s19], $0x2800  }
0x60: {  	s20 =	sadd.s32 $0x1, s20;
	[sflag:s19] =	ssyncset.done $0x0  }
0x61: {  	p1 =	sne.s32 s20, s9;
	[sflag:s19] =	ssyncadd.s32 $0xFFFFD800  }
.Ltmp1:
0x62: {  	[bflag:$0x0] =	sbarrier.arrive $0xFFFF;
	(pc) =	sbr.rel @p1 .LBB2_1-.Ltmp1, $4  }
0x63: {  	[hbm:s8], [sflag:s12] =	dma.local [spmem:s13], $0x2720  }
0x64: {  	_ =	swait.ge [sflag:s10], $0x2720  }
0x65: {  	[sflag:s10] =	ssyncset.done $0x0  }
0x66: {  	[sflag:s10] =	ssyncadd.s32 $0xFFFFD8E0  }
0x67: {  	_ =	sfence.sel $0x180000  }
0x68: {  	[bflag:$0x0] =	sbarrier.arrive $0xFFFF  }
0x69: {  	p0 =	sne.s32 s0, $0x0;
	_ =	strace $0x90000050  }
0x6a: {  	s0 =	sadd.s32 @!p0 $0x100000, s1;
	[bflag:$0x2] =	sbarrier.arrive $0xFFFF  }
0x6b: {  	[sflag:s0] =	ssyncadd.tile.s32 @!p0 $0x1;
	_ =	shalt  }
.Lfunc_end2:
_tile_overlayer_lowered:
.L_overlay_start_2:
0x6c: {  	(tag) =	ssettag $0x2  }
0x6d: {  	s0 =	rddreg [dreg:$0x0];
	s2 =	stileid.u32  }
0x6e: {  	s1 =	rddreg [dreg:$0x1];
	p0 =	sne.s32 s2, $0x0  }
0x6f: {  	s3 =	rddreg [dreg:$0x2];
	[bflag:$0x3] =	sbarrier.arrive $0xFFFF;
	s2 =	simm.s32 @!p0 $0x1C03  }
0x70: {  	[timem:s3], [sflag:s2] =	dma.local @!p0 [hbm:s0], s1  }
0x71: {  	s0 =	simm.s32 @!p0 $0x3  }
0x72: {  	_ =	swait.ge @!p0 [sflag:s0], s1  }
0x73: {  	s1 =	ssub.s32 @!p0 $0x0, s1;
	[sflag:s0] =	ssyncset.done @!p0 $0x0  }
0x74: {  	[sflag:s0] =	ssyncadd.s32 @!p0 s1  }
0x75: {  	[bflag:$0x3] =	sbarrier.arrive $0xFFFF  }
0x76: {  	_ =	shalt  }

// kernel: kernel.9.cloned.1.call-start
scs
__scs_entry_jumppad:
0x0: {  	(pc) =	sbr.rel $0x88, $3  }
0x1: {  	(tag) =	ssettag $0x0;
	lr =	simm.s32 $0x1  }
0x2: {  	[smem:$0x3F8A] =	sst lr;
	_ =	strace $0xD0000000  }
0x3: {  	_ = 	snop  }
0x4: {  	_ = 	snop  }
0x5: {  	_ = 	snop  }
0x6: {  	_ = 	snop  }
0x7: {  	_ = 	snop  }
__scs_overlays_trampoline_lowered:
0x8: {  	[smem:$0x3F99] =	sst s0  }
0x9: {  	[smem:$0x3F9A] =	sst s1  }
0xa: {  	[smem:$0x3F9B] =	sst s2  }
0xb: {  	[smem:$0x3F9C] =	sst s3  }
0xc: {  	[smem:$0x3F9D] =	sst s4  }
0xd: {  	[smem:$0x3F9E] =	sst s5  }
0xe: {  	[smem:$0x3F9F] =	sst s6  }
0xf: {  	[smem:$0x3FA0] =	sst s7  }
0x10: {  	[smem:$0x3FA1] =	sst s8  }
0x11: {  	[smem:$0x3FA2] =	sst s9;
	s0 =	simm.s32 @!p0 $0x0  }
0x12: {  	s1 =	sld [smem:$0x3F88];
	s0 =	simm.s32 @p0 $0x1  }
0x13: {  	[smem:$0x3FA3] =	sst s0;
	s0 =	simm.s32 @!p1 $0x0  }
0x14: {  	s2 =	sld [smem:$0x3F87];
	s0 =	simm.s32 @p1 $0x1  }
0x15: {  	[smem:$0x3FA4] =	sst s0;
	s0 =	simm.s32 @!p2 $0x0  }
0x16: {  	s3 =	sld [smem:$0x3FDB];
	s0 =	simm.s32 @p2 $0x1  }
0x17: {  	s4 =	simm.s32 $0x1BF5;
	[smem:$0x3FA6] =	sst s0  }
0x18: {  	s0 =	sld [smem:$0x3F89];
	_ =	swait.ge [sflag:s4], $0x0  }
0x19: {  	s7 =	sld [smem:$0x3F8A]  }
0x1a: {  	s8 =	sadd.s32 $0xFFFFE003, lr  }
0x1b: {  	s9 =	sadd.s32 $0xFFFFFEF7, lr;
	s5 =	simm.s32 $0xFFFFFFFF;
	p2 =	slt.u32 s8, $0xFFFFF086  }
0x1c: {  	p1 =	slt.u32 s9, $0xF7A;
	s5 =	simm.s32 @!p2 $0x0  }
0x1d: {  	s5 =	simm.s32 @p1 $0x1;
	p0 =	seq.s32 s7, s2  }
0x1e: {  	s7 =	smul.u32 @!p0 $0xF7A, s2;
	p2 =	seq.s32 @!p0 s5, $0x0  }
0x1f: {  	s9 =	smul.u32 $0xF7A, s1;
	s8 =	simm.s32 @!p0 $0x1BF5;
	p2 =	por !p2, p0  }
0x20: {  	[sflag:s8] =	ssyncset.s32 @!p0 $0xFFFFF086;
	s6 =	sadd.s32 @!p0 s3, s7;
	s7 =	simm.s32 @!p0 $0x108  }
0x21: {  	s3 =	sadd.s32 s3, s9;
	s6 =	sadd.s32 @!p0 $0x88, s6;
	s7 =	simm.s32 @p2 $0x1082  }
0x22: {  	[simem:s7], [sflag:s8] =	dma.local @!p0 [hbm:s6], $0xF7A  }
0x23: {  	s9 =	sor.u32 $0xD0000000, s2;
	s6 =	simm.s32 $0x108;
	_ =	swait.ge @!p0 [sflag:s8], $0x0  }
0x24: {  	s3 =	sadd.s32 $0x88, s3;
	s6 =	simm.s32 @!p1 $0x1082;
	[sflag:s4] =	ssyncset.s32 $0xFFFFF086  }
0x25: {  	[simem:s6], [sflag:s4] =	dma.local [hbm:s3], $0xF7A  }
0x26: {  	[smem:$0x3F8A] =	sst s1;
	(tag) =	ssettag s2;
	_ =	strace s9  }
0x27: {  	s1 =	sld [smem:$0x3F9A]  }
0x28: {  	s2 =	sld [smem:$0x3F9B]  }
0x29: {  	s4 =	sld [smem:$0x3F9D]  }
0x2a: {  	p0 =	seq.s32 s5, $0x0;
	s5 =	sld [smem:$0x3F9E]  }
0x2b: {  	s6 =	sld [smem:$0x3F9F]  }
0x2c: {  	s7 =	sld [smem:$0x3FA0]  }
0x2d: {  	s3 =	simm.s32 $0x108;
	s8 =	sld [smem:$0x3FA1]  }
0x2e: {  	s3 =	simm.s32 @!p0 $0x1082;
	s9 =	sld [smem:$0x3FA2]  }
0x2f: {  	lr =	sadd.s32 s0, s3;
	s0 =	sld [smem:$0x3F99]  }
0x30: {  	s3 =	sld [smem:$0x3F9C]  }
0x31: {  	[smem:$0x3FA5] =	sst s10  }
0x32: {  	s10 =	sld [smem:$0x3FA3];
	_ =	sdelay $0x3  }
0x33: {  	p0 =	seq.s32 s10, $0x1;
	s10 =	sld [smem:$0x3FA5];
	_ =	sdelay $0x3  }
0x34: {  	[smem:$0x3FA5] =	sst s10  }
0x35: {  	s10 =	sld [smem:$0x3FA4];
	_ =	sdelay $0x3  }
0x36: {  	p1 =	seq.s32 s10, $0x1;
	s10 =	sld [smem:$0x3FA5];
	_ =	sdelay $0x3  }
0x37: {  	[smem:$0x3FA5] =	sst s10  }
0x38: {  	s10 =	sld [smem:$0x3FA6]  }
0x39: {  	_ = 	snop;
	(pc) =	sbr.ind lr, $3  }
0x3a: {  	_ = 	snop  }
0x3b: {  	_ = 	snop  }
0x3c: {  	p2 =	seq.s32 s10, $0x1;
	s10 =	sld [smem:$0x3FA5]  }
0x3d: {  	_ =	shalt  }
0x3e: {  	_ =	shalt  }
0x3f: {  	_ =	shalt  }
0x40: {  	_ =	shalt  }
0x41: {  	_ =	shalt  }
0x42: {  	_ =	shalt  }
0x43: {  	_ =	shalt  }
0x44: {  	_ =	shalt  }
0x45: {  	_ =	shalt  }
0x46: {  	_ =	shalt  }
0x47: {  	_ =	shalt  }
0x48: {  	_ =	shalt  }
0x49: {  	_ =	shalt  }
0x4a: {  	_ =	shalt  }
0x4b: {  	_ =	shalt  }
0x4c: {  	_ =	shalt  }
0x4d: {  	_ =	shalt  }
0x4e: {  	_ =	shalt  }
0x4f: {  	_ =	shalt  }
0x50: {  	_ =	shalt  }
0x51: {  	_ =	shalt  }
0x52: {  	_ =	shalt  }
0x53: {  	_ =	shalt  }
0x54: {  	_ =	shalt  }
0x55: {  	_ =	shalt  }
0x56: {  	_ =	shalt  }
0x57: {  	_ =	shalt  }
0x58: {  	_ =	shalt  }
0x59: {  	_ =	shalt  }
0x5a: {  	_ =	shalt  }
0x5b: {  	_ =	shalt  }
0x5c: {  	_ =	shalt  }
0x5d: {  	_ =	shalt  }
0x5e: {  	_ =	shalt  }
0x5f: {  	_ =	shalt  }
0x60: {  	_ =	shalt  }
0x61: {  	_ =	shalt  }
0x62: {  	_ =	shalt  }
0x63: {  	_ =	shalt  }
0x64: {  	_ =	shalt  }
0x65: {  	_ =	shalt  }
0x66: {  	_ =	shalt  }
0x67: {  	_ =	shalt  }
0x68: {  	_ =	shalt  }
0x69: {  	_ =	shalt  }
0x6a: {  	_ =	shalt  }
0x6b: {  	_ =	shalt  }
0x6c: {  	_ =	shalt  }
0x6d: {  	_ =	shalt  }
0x6e: {  	_ =	shalt  }
0x6f: {  	_ =	shalt  }
0x70: {  	_ =	shalt  }
0x71: {  	_ =	shalt  }
0x72: {  	_ =	shalt  }
0x73: {  	_ =	shalt  }
0x74: {  	_ =	shalt  }
0x75: {  	_ =	shalt  }
0x76: {  	_ =	shalt  }
0x77: {  	_ =	shalt  }
0x78: {  	_ =	shalt  }
0x79: {  	_ =	shalt  }
0x7a: {  	_ =	shalt  }
0x7b: {  	_ =	shalt  }
0x7c: {  	_ =	shalt  }
0x7d: {  	_ =	shalt  }
0x7e: {  	_ =	shalt  }
0x7f: {  	_ =	shalt  }
0x80: {  	_ =	shalt  }
0x81: {  	_ =	shalt  }
0x82: {  	_ =	shalt  }
0x83: {  	_ =	shalt  }
0x84: {  	_ =	shalt  }
0x85: {  	_ =	shalt  }
0x86: {  	_ =	shalt  }
0x87: {  	_ =	shalt  }
.Lfunc_end0:
.L_simem_size_0:
called_computation_lowered:
.L_overlay_start_0:
0x88: {  	s2 =	sld [smem:$0x3FD9]  }
0x89: {  	s3 =	sld [smem:$0x3FFE];
	_ =	sdelay $0x1  }
0x8a: {  	s1 =	srdreg.scid  }
0x8b: {  	s0 =	sand.u32 $0x1, s1  }
0x8c: {  	s17 =	sshll.u32 s0, $0xA;
	s2 =	sadd.s32 s3, s2  }
0x8d: {  	s2 =	sadd.s32 s2, s17  }
0x8e: {  	[smem:$0x3FB1] =	sst s2  }
0x8f: {  	_ = 	snop  }
0x90: {  	s2 =	sld [smem:$0x3FD0];
	(tm) =	ssettm $0x1  }
0x91: {  	s18 =	sld [smem:$0x3FFB];
	_ =	sdelay $0x3  }
0x92: {  	_ =	strace s18  }
0x93: {  	s3 =	sld [smem:$0x3FFC];
	_ =	sdelay $0x3  }
0x94: {  	_ =	strace s3  }
0x95: {  	s3 =	sld [smem:$0x3FFD];
	_ =	sdelay $0x3  }
0x96: {  	_ =	strace s3  }
0x97: {  	_ =	strace $0x8FFFFFFF  }
0x98: {  	s19 =	sld [smem:$0x3FDB];
	_ =	sdelay $0x1  }
0x99: {  	s4 =	simm.s32 $_scs_section_size  }
0x9a: {  	s5 =	simm.s32 $_size__tile_overlayer_lowered;
	s6 =	simm.s32 $_tile_overlayer_lowered  }
0x9b: {  	s22 =	simm.s32 $0x1BFF;
	s21 =	sshll.u32 s6, $0x1;
	s3 =	sadd.s32 s4, s19  }
0x9c: {  	s7 =	simm.s32 $0x0;
	s20 =	sshll.u32 s5, $0x1;
	s5 =	sadd.s32 s21, s3  }
0x9d: {  	[timem:s7], [sflag:s22] =	dma.local [hbm:s5], s20  }
0x9e: {  	_ =	swait.ge [sflag:s22], s20  }
0x9f: {  	s4 =	ssub.s32 $0x0, s20;
	[sflag:s22] =	ssyncset.done $0x0  }
0xa0: {  	[sflag:s22] =	ssyncadd.s32 s4;
	_ =	sdelay $0x1  }
0xa1: {  	s23 =	simm.s32 $0x1B8B  }
0xa2: {  	_ =	swait.ge [sflag:s23], $0x1  }
0xa3: {  	[sflag:s23] =	ssyncset.done $0x0  }
0xa4: {  	s25 =	simm.s32 $0x1B8E;
	s24 =	sld [smem:$0x3FFE];
	[sflag:s23] =	ssyncadd.s32 $0xFFFFFFFF  }
0xa5: {  	s26 =	simm.s32 $execute0_lowered;
	[smem:$0x3FD2] =	sst s25  }
0xa6: {  	s5 =	sshll.u32 s26, $0x1;
	_ =	strace $0x80000046;
	[dreg:$0x1] =	wrdreg $0xFFFFFFFF  }
0xa7: {  	s28 =	simm.s32 $_size_execute0_lowered;
	s3 =	sadd.s32 s3, s5;
	[dreg:$0x0] =	wrdreg $0x0  }
0xa8: {  	s5 =	sshll.u32 s28, $0x1;
	[dreg:$0x2] =	wrdreg s3  }
0xa9: {  	[dreg:$0x3] =	wrdreg s5  }
0xaa: {  	[dreg:$0x4] =	wrdreg $0xC0  }
0xab: {  	_ =	task [dreg:s7], $0x5FFFF  }
0xac: {  	[dreg:$0x1] =	wrdreg $0xFFFFFFFF  }
0xad: {  	[dreg:$0x0] =	wrdreg $0x60  }
0xae: {  	[dreg:$0x2] =	wrdreg s24  }
0xaf: {  	[dreg:$0x3] =	wrdreg s2  }
0xb0: {  	[dreg:$0x4] =	wrdreg $0x2C600  }
0xb1: {  	[dreg:$0x5] =	wrdreg $0x9  }
0xb2: {  	_ =	task.clear_ibuf [dreg:s7], $0x6FFFF;
	_ =	strace $0x90000046  }
0xb3: {  	s29 =	simm.s32 $0x9;
	_ =	strace $0x80000048  }
0xb4: {  	_ =	swait.ge [sflag:s29], $0x1  }
0xb5: {  	[sflag:s29] =	ssyncadd.s32 $0xFFFFFFFF  }
0xb6: {  	_ =	strace $0x90000048  }
0xb7: {  	_ =	sfence  }
0xb8: {  	s30 =	sld [smem:$0x0];
	_ =	sdelay $0x2  }
0xb9: {  	s31 =	sshll.u32 s1, $0xD;
	s1 =	sshrl.u32 s1, $0x2  }
0xba: {  	s3 =	sand.u32 $0x4000, s31;
	s1 =	sadd.s32 s1, s30  }
0xbb: {  	s0 =	sor.u32 s3, s0;
	s1 =	sshll.u32 s1, $0x11  }
0xbc: {  	s0 =	sor.u32 s1, s0  }
0xbd: {  	s0 =	sadd.s32 $0x8F2B, s0  }
0xbe: {  	[sflag:s0] =	ssyncadd.remote.s32 $0x1  }
0xbf: {  	_ =	sfence.sel $0xFFFF  }
0xc0: {  	[dreg:$0x0] =	wrdreg $0xFFFFFFFF;
	(pc) =	sbr.abs _section_cstart, $3  }
0xc1: {  	[dreg:$0x1] =	wrdreg $0xFFFFFFFF  }
0xc2: {  	_ =	task.clear_ibuf [dreg:s7], $0x2FFFF;
	_ =	strace $0x9FFFFFFF  }
0xc3: {  	(tm) =	ssettm $0x7FFFFFFF  }
tec
execute0_lowered:
.L_overlay_start_1:
0x0: {  	(tag) =	ssettag $0x1  }
0x1: {  	s5 =	rddreg [dreg:$0x0]  }
0x2: {  	s0 =	srdreg.scid;
	s2 =	rddreg [dreg:$0x1]  }
0x3: {  	s3 =	rddreg [dreg:$0x2];
	s4 =	simm.s32 $0x0;
	s13 =	simm.s32 $0x50  }
0x4: {  	s14 =	simm.s32 $0x1;
	s7 =	sand.u32 $0x1, s0;
	s0 =	stileid.u32  }
0x5: {  	s15 =	simm.s32 $0x2;
	s16 =	simm.s32 $0x0;
	s8 =	smul.u32 $0x2720, s0  }
0x6: {  	[smem:$0x7FF] =	sst s4;
	s1 =	sshll.u32 s7, $0x4;
	s9 =	smul.u32 $0x27200, s7  }
0x7: {  	s10 =	ssub.s32 $0x2, s7;
	p0 =	seq.s32 s7, $0x1;
	s1 =	sor.u32 s0, s1  }
0x8: {  	s31 =	sshll.u32 s0, $0x6;
	s12 =	sshrl.u32 s10, $0x1;
	s6 =	smul.u32 $0x4EC, s1  }
0x9: {  	s1 =	rddreg [dreg:$0x3];
	_ =	strace $0x80000047;
	s9 =	sadd.s32 s8, s9  }
0xa: {  	s11 =	sshrl.u32 s8, $0x3;
	s10 =	ssub.s32 s10, s12;
	s30 =	sadd.s32 s8, s3  }
0xb: {  	s9 =	sshrl.u32 s9, $0x3;
	s11 =	sadd.s32 s11, s5;
	s8 =	smax.u32 s10, $0x1  }
0xc: {  	s10 =	simm.s32 $0x2760;
	s12 =	sshrl.u32 s30, $0x3;
	s6 =	sadd.s32 s6, s5  }
0xd: {  	s9 =	sadd.s32 s9, s5;
	s5 =	sadd.s32 $0x4600, s6;
	s6 =	sadd.s32 $0xE400, s11  }
0xe: {  	s7 =	sadd.s32 $0x13400, s9;
	s9 =	simm.s32 $0x3;
	s11 =	sor.u32 $0x1C03, s31  }
.LBB2_1:
0xf: {  	[tilespmem:s4], [sflag:$0x3] =	stream.linear.gather [hbm4b:s5+s4], $0x2760, $0x38;
	[tilespmem:$0x5380] =	vst v63  }
0x10: {  	_ =	swait.ge [sflag:s9], $0x2760  }
0x11: {  	[sflag:s9] =	ssyncset.done $0x0  }
0x12: {  	[sflag:s9] =	ssyncadd.s32 $0xFFFFD8A0  }
0x13: {  	[tilespmem:s10], [sflag:$0x3] =	stream.linear.gather [hbm4b:s2+s4], $0x500, $0x38;
	[tilespmem:$0x5380] =	vst v63  }
0x14: {  	_ =	swait.ge [sflag:s9], $0x500  }
0x15: {  	[sflag:s9] =	ssyncset.done $0x0  }
0x16: {  	[sflag:s9] =	ssyncadd.s32 $0xFFFFFB00  }
0x17: {  	[spmem:s12], [sflag:s11] =	dma.local [hbm:s6], $0x4E4  }
0x18: {  	_ =	swait.ge [sflag:s9], $0x4E4  }
0x19: {  	[sflag:s9] =	ssyncset.done $0x0  }
0x1a: {  	[sflag:s9] =	ssyncadd.s32 $0xFFFFFB1C  }
0x1b: {  	[bflag:$0x0] =	sbarrier.arrive $0xFFFF  }
0x1c: {  	[spmem:s3] =	stream.indirect.scatter.add.f32 [tilespmem:s10], [sflag:$0x1], $0x10, s4, s13, $0xb8;
	[tilespmem:$0x5380] =	vst v63  }
0x1d: {  	_ = 	snop  }
0x1e: {  	[spmem:s3] =	stream.indirect.scatter.add.f32 [tilespmem:s10], [sflag:$0x2], $0x10, s13, s13, $0xb8;
	[tilespmem:$0x5380] =	vst v63  }
0x1f: {  	_ =	swait.ge [sflag:s14], $0x500  }
0x20: {  	[sflag:s14] =	ssyncset.done $0x0  }
0x21: {  	s17 =	simm.s32 $0xA0;
	[sflag:s14] =	ssyncadd.s32 $0xFFFFFB00  }
0x22: {  	[spmem:s3] =	stream.indirect.scatter.add.f32 [tilespmem:s10], [sflag:$0x1], $0x10, s17, s13, $0xb8;
	[tilespmem:$0x5380] =	vst v63  }
0x23: {  	_ =	swait.ge [sflag:s15], $0x500  }
0x24: {  	[sflag:s15] =	ssyncset.done $0x0  }
0x25: {  	s18 =	simm.s32 $0xF0;
	s17 =	simm.s32 $0xFFFF6A00;
	[sflag:s15] =	ssyncadd.s32 $0xFFFFFB00  }
.LBB2_2:
0x26: {  	[spmem:s3] =	stream.indirect.scatter.add.f32 [tilespmem:s10], [sflag:$0x2], $0x10, s18, s13, $0xb8;
	[tilespmem:$0x5380] =	vst v63  }
0x27: {  	s18 =	smov.u32 s17  }
0x28: {  	p1 =	sne.s32 s17, $0xFFFFFD80;
	s17 =	sadd.s32 $0x280, s17;
	_ =	swait.ge [sflag:s14], $0x500  }
0x29: {  	s18 =	sshra.s32 s18, $0x2;
	[sflag:s14] =	ssyncset.done $0x0  }
.Ltmp0:
0x2a: {  	s19 =	sadd.s32 $0x26C0, s18;
	[sflag:s14] =	ssyncadd.s32 $0xFFFFFB00;
	(pc) =	sbr.rel @p1 .LBB2_2-.Ltmp0, $4  }
0x2b: {  	[spmem:s3] =	stream.indirect.scatter.add.f32 [tilespmem:s10], [sflag:$0x1], $0x10, s19, s13, $0xb8;
	[tilespmem:$0x5380] =	vst v63  }
0x2c: {  	_ =	swait.ge [sflag:s15], $0x500  }
0x2d: {  	[sflag:s15] =	ssyncset.done $0x0  }
0x2e: {  	s18 =	sadd.s32 $0x2710, s18;
	[sflag:s15] =	ssyncadd.s32 $0xFFFFFB00  }
0x2f: {  	[spmem:s3] =	stream.indirect.scatter.add.f32 [tilespmem:s10], [sflag:$0x2], $0x10, s18, s13, $0xb8;
	[tilespmem:$0x5380] =	vst v63  }
0x30: {  	s17 =	simm.s32 @p0 $0x1  }
0x31: {  	_ =	swait.ge @p0 [sflag:s17], $0x500  }
0x32: {  	s18 =	simm.s32 @p0 $0x26C0;
	[sflag:s17] =	ssyncset.done @p0 $0x0  }
0x33: {  	s19 =	simm.s32 @p0 $0x2760;
	[sflag:s17] =	ssyncadd.s32 @p0 $0xFFFFFB00;
	s17 =	simm.s32 @p0 $0x50  }
0x34: {  	[spmem:s3] =	stream.indirect.scatter.add.f32 @p0 [tilespmem:s19], [sflag:$0x1], $0x10, s18, s17, $0xb8;
	[tilespmem:$0x5380] =	vst v63  }
0x35: {  	s18 =	simm.s32 @p0 $0x2  }
0x36: {  	_ =	swait.ge @p0 [sflag:s18], $0x500  }
0x37: {  	[sflag:s18] =	ssyncset.done @p0 $0x0  }
0x38: {  	[sflag:s18] =	ssyncadd.s32 @p0 $0xFFFFFB00;
	s18 =	simm.s32 @p0 $0x2710  }
0x39: {  	[spmem:s3] =	stream.indirect.scatter.add.f32 @p0 [tilespmem:s19], [sflag:$0x2], $0x10, s18, s17, $0xb8;
	[tilespmem:$0x5380] =	vst v63  }
0x3a: {  	_ =	swait.ge [sflag:s14], $0x500  }
0x3b: {  	[sflag:s14] =	ssyncset.done $0x0  }
0x3c: {  	[sflag:s14] =	ssyncadd.s32 $0xFFFFFB00  }
0x3d: {  	_ =	swait.ge [sflag:s15], $0x500  }
0x3e: {  	s16 =	sadd.s32 $0x1, s16;
	[sflag:s15] =	ssyncset.done $0x0  }
0x3f: {  	p1 =	sne.s32 s16, s8;
	[sflag:s15] =	ssyncadd.s32 $0xFFFFFB00  }
.Ltmp1:
0x40: {  	[bflag:$0x0] =	sbarrier.arrive $0xFFFF;
	(pc) =	sbr.rel @p1 .LBB2_1-.Ltmp1, $4  }
0x41: {  	[hbm:s7], [sflag:s11] =	dma.local [spmem:s12], $0x4E4  }
0x42: {  	_ =	swait.ge [sflag:s9], $0x4E4  }
0x43: {  	[sflag:s9] =	ssyncset.done $0x0  }
0x44: {  	[sflag:s9] =	ssyncadd.s32 $0xFFFFFB1C  }
0x45: {  	_ =	sfence.sel $0x180000  }
0x46: {  	[bflag:$0x0] =	sbarrier.arrive $0xFFFF  }
0x47: {  	p0 =	sne.s32 s0, $0x0;
	_ =	strace $0x90000047  }
0x48: {  	s0 =	sadd.s32 @!p0 $0x100000, s1;
	[bflag:$0x2] =	sbarrier.arrive $0xFFFF  }
0x49: {  	[sflag:s0] =	ssyncadd.tile.s32 @!p0 $0x1;
	_ =	shalt  }
.Lfunc_end2:
_tile_overlayer_lowered:
.L_overlay_start_2:
0x4a: {  	(tag) =	ssettag $0x2  }
0x4b: {  	s0 =	rddreg [dreg:$0x0];
	s2 =	stileid.u32  }
0x4c: {  	s1 =	rddreg [dreg:$0x1];
	p0 =	sne.s32 s2, $0x0  }
0x4d: {  	s3 =	rddreg [dreg:$0x2];
	[bflag:$0x3] =	sbarrier.arrive $0xFFFF;
	s2 =	simm.s32 @!p0 $0x1C03  }
0x4e: {  	[timem:s3], [sflag:s2] =	dma.local @!p0 [hbm:s0], s1  }
0x4f: {  	s0 =	simm.s32 @!p0 $0x3  }
0x50: {  	_ =	swait.ge @!p0 [sflag:s0], s1  }
0x51: {  	s1 =	ssub.s32 @!p0 $0x0, s1;
	[sflag:s0] =	ssyncset.done @!p0 $0x0  }
0x52: {  	[sflag:s0] =	ssyncadd.s32 @!p0 s1  }
0x53: {  	[bflag:$0x3] =	sbarrier.arrive $0xFFFF  }
0x54: {  	_ =	shalt  }

</sc_bundles>
